<compile_context>
chip_gen: v7x
topology: tpu7x:2x2x1
jax: 0.10.2.dev20260603
libtpu: 0.0.44.dev20260713+nightly
codegen_flags: <defaults>
</compile_context>

<pallas_src>
import functools

import jax
import jax.numpy as jnp
from jax import lax
from jax.experimental import pallas as pl
from jax.experimental.pallas import tpu as pltpu
from jax.experimental.pallas import tpu_sc as plsc

N_NODES = 10000
D = 128
NC = 2
NS = 16
NW = NC * NS
CHUNK = 128
DEG_W = 16
DEG_PAD = 10240
TRASH = 240


def _deg_kernel_core(dst_hbm, ones_hbm, zeros_hbm, out_hbm,
                     dst_slab, ones_v, zero_v, deg_sh):
    c = lax.axis_index("c")
    s = lax.axis_index("s")
    w = s * NC + c
    nchunks = dst_slab.shape[0]
    rows_per_tile = DEG_PAD // NS
    base = s * rows_per_tile
    bb = zero_v.shape[0]

    pltpu.sync_copy(ones_hbm, ones_v)
    pltpu.sync_copy(zeros_hbm, zero_v)
    for k in range(rows_per_tile // bb):
        pltpu.sync_copy(zero_v, deg_sh.at[pl.ds(base + k * bb, bb)])
    pltpu.sync_copy(dst_hbm.at[w], dst_slab)
    plsc.subcore_barrier()

    def chunk_i(j, _):
        pltpu.sync_copy(ones_v, deg_sh.at[dst_slab.at[j]], add=True)
        return 0

    lax.fori_loop(0, nchunks, chunk_i, 0)
    plsc.subcore_barrier()
    for k in range(rows_per_tile // bb):
        pltpu.sync_copy(deg_sh.at[pl.ds(base + k * bb, bb)], zero_v)
        pltpu.sync_copy(zero_v, out_hbm.at[c, pl.ds(base + k * bb, bb)])


def _agg_kernel_core(h_hbm, x_hbm, src_hbm, dst_hbm, out_hbm,
                     src_slab, dst_slab, rows_a, rows_b,
                     gsem_a, gsem_b, ssem_a, ssem_b, agg_sh):
    c = lax.axis_index("c")
    s = lax.axis_index("s")
    w = s * NC + c
    nchunks = src_hbm.shape[1]
    n = x_hbm.shape[0]
    rows_per_tile = 640
    base = jnp.minimum(s * rows_per_tile, n - rows_per_tile)
    bb = 80
    bounce = rows_a.at[pl.ds(0, bb)]

    for k in range(rows_per_tile // bb):
        pltpu.sync_copy(x_hbm.at[pl.ds(base + k * bb, bb)], bounce)
        pltpu.sync_copy(bounce, agg_sh.at[pl.ds(base + k * bb, bb)])
    plsc.subcore_barrier()

    nh2 = src_slab.shape[0]
    npairs = nh2 // 2

    def wait_gather(slab_row, buf, sem):
        pltpu.make_async_copy(h_hbm.at[slab_row], buf, sem).wait()

    def wait_scatter(buf, slab_row, sem):
        pltpu.make_async_copy(buf, agg_sh.at[slab_row], sem).wait()

    for half in range(nchunks // nh2):
        pltpu.sync_copy(src_hbm.at[w, pl.ds(half * nh2, nh2)], src_slab)
        pltpu.sync_copy(dst_hbm.at[w, pl.ds(half * nh2, nh2)], dst_slab)
        pltpu.async_copy(h_hbm.at[src_slab.at[0]], rows_a, gsem_a)

        @pl.loop(0, npairs - 1, unroll=2)
        def pair_i(j):
            ca = 2 * j
            cb = 2 * j + 1
            pltpu.async_copy(h_hbm.at[src_slab.at[cb]], rows_b, gsem_b)
            wait_gather(src_slab.at[ca], rows_a, gsem_a)
            pltpu.async_copy(rows_a, agg_sh.at[dst_slab.at[ca]], ssem_a,
                             add=True)
            wait_gather(src_slab.at[cb], rows_b, gsem_b)
            wait_scatter(rows_a, dst_slab.at[ca], ssem_a)
            pltpu.async_copy(h_hbm.at[src_slab.at[ca + 2]], rows_a, gsem_a)
            pltpu.async_copy(rows_b, agg_sh.at[dst_slab.at[cb]], ssem_b,
                             add=True)
            wait_scatter(rows_b, dst_slab.at[cb], ssem_b)

        ca = nh2 - 2
        cb = nh2 - 1
        pltpu.async_copy(h_hbm.at[src_slab.at[cb]], rows_b, gsem_b)
        wait_gather(src_slab.at[ca], rows_a, gsem_a)
        pltpu.async_copy(rows_a, agg_sh.at[dst_slab.at[ca]], ssem_a, add=True)
        wait_gather(src_slab.at[cb], rows_b, gsem_b)
        wait_scatter(rows_a, dst_slab.at[ca], ssem_a)
        pltpu.async_copy(rows_b, agg_sh.at[dst_slab.at[cb]], ssem_b, add=True)
        wait_scatter(rows_b, dst_slab.at[cb], ssem_b)
    plsc.subcore_barrier()
    for k in range(rows_per_tile // bb):
        pltpu.sync_copy(agg_sh.at[pl.ds(base + k * bb, bb)], bounce)
        pltpu.sync_copy(bounce, out_hbm.at[c, pl.ds(base + k * bb, bb)])


def _h_body(x_ref, degp_ref, base_ref, h_ref):
    d = degp_ref[0, :, 0:1] + degp_ref[1, :, 0:1]
    dis = lax.rsqrt(d + base_ref[0, 0] + 1.0)
    h_ref[...] = x_ref[...] * dis


def _out_body(parts_ref, x_ref, degp_ref, w_ref, base_ref, o_ref):
    d = degp_ref[0, :, 0:1] + degp_ref[1, :, 0:1]
    dis = lax.rsqrt(d + base_ref[0, 0] + 1.0)
    agg = (parts_ref[0] + parts_ref[1] - x_ref[...]) * dis
    y = lax.dot_general(agg, w_ref[...], (((1,), (1,)), ((), ())),
                        preferred_element_type=jnp.float32)
    o_ref[...] = jnp.maximum(y, 0.0)


def kernel(x, edge_index, N, W):
    n = x.shape[0]
    deg_base = (jnp.asarray(N) - n).astype(jnp.float32).reshape(1, 1)
    e = edge_index.shape[1]
    nchunks = -(-e // (NW * CHUNK))
    nchunks += (-nchunks) % 4
    pad = NW * nchunks * CHUNK - e
    src_flat = edge_index[0].astype(jnp.int32)
    dst_flat = edge_index[1].astype(jnp.int32)
    pad_i = jnp.arange(pad, dtype=jnp.int32)
    src = jnp.concatenate([src_flat, pad_i % n]).reshape(NW, nchunks, CHUNK)
    dst = jnp.concatenate([dst_flat, n + pad_i % TRASH]).reshape(
        NW, nchunks, CHUNK)

    mesh = plsc.VectorSubcoreMesh(core_axis_name="c", subcore_axis_name="s")

    deg_call = pl.kernel(
        _deg_kernel_core,
        out_type=jax.ShapeDtypeStruct((NC, DEG_PAD, DEG_W), jnp.float32),
        mesh=mesh,
        compiler_params=pltpu.CompilerParams(use_tc_tiling_on_sc=False),
        scratch_types=[
            pltpu.VMEM((nchunks, CHUNK), jnp.int32),
            pltpu.VMEM((CHUNK, DEG_W), jnp.float32),
            pltpu.VMEM((80, DEG_W), jnp.float32),
            pltpu.VMEM_SHARED((DEG_PAD, DEG_W), jnp.float32),
        ],
    )
    ones_in = jnp.ones((CHUNK, DEG_W), jnp.float32)
    zeros_in = jnp.zeros((80, DEG_W), jnp.float32)
    degp = deg_call(dst, ones_in, zeros_in)

    RB = 1000
    grid = n // RB
    h = pl.pallas_call(
        _h_body,
        grid=(grid,),
        in_specs=[
            pl.BlockSpec((RB, D), lambda i: (i, 0)),
            pl.BlockSpec((NC, RB, DEG_W), lambda i: (0, i, 0)),
            pl.BlockSpec((1, 1), lambda i: (0, 0)),
        ],
        out_specs=pl.BlockSpec((RB, D), lambda i: (i, 0)),
        out_shape=jax.ShapeDtypeStruct((n, D), jnp.float32),
    )(x, degp, deg_base)

    agg_call = pl.kernel(
        _agg_kernel_core,
        out_type=jax.ShapeDtypeStruct((NC, n, D), jnp.float32),
        mesh=mesh,
        scratch_types=[
            pltpu.VMEM((nchunks // 2, CHUNK), jnp.int32),
            pltpu.VMEM((nchunks // 2, CHUNK), jnp.int32),
            pltpu.VMEM((CHUNK, D), jnp.float32),
            pltpu.VMEM((CHUNK, D), jnp.float32),
            pltpu.SemaphoreType.DMA,
            pltpu.SemaphoreType.DMA,
            pltpu.SemaphoreType.DMA,
            pltpu.SemaphoreType.DMA,
            pltpu.VMEM_SHARED((n + TRASH, D), jnp.float32),
        ],
    )
    parts = agg_call(h, x, src, dst)

    out = pl.pallas_call(
        _out_body,
        grid=(grid,),
        in_specs=[
            pl.BlockSpec((NC, RB, D), lambda i: (0, i, 0)),
            pl.BlockSpec((RB, D), lambda i: (i, 0)),
            pl.BlockSpec((NC, RB, DEG_W), lambda i: (0, i, 0)),
            pl.BlockSpec((D, D), lambda i: (0, 0)),
            pl.BlockSpec((1, 1), lambda i: (0, 0)),
        ],
        out_specs=pl.BlockSpec((RB, D), lambda i: (i, 0)),
        out_shape=jax.ShapeDtypeStruct((n, D), jnp.float32),
    )(parts, x, degp, W, deg_base)
    return out

# --- scband reference (transcript-rebuilt; emitter-appended) ---
"""Pipeline reference for scband-gcnlayer-5007931867338 (READ-ONLY COPY).

The authoritative reference and input builder live on the scoring server;
editing this copy changes nothing except your own understanding.
"""

import jax, jax.numpy as jnp
import numpy as np

N_NODES = 10000
N_EDGES = 320000
D_IN = 128
D_OUT = 128


def setup_inputs(seed: int = 0) -> dict:
    key = jax.random.key(seed)
    k1, k2, k3 = jax.random.split(key, 3)
    x = jax.random.normal(k1, (N_NODES, D_IN), dtype=jnp.float32)
    edge_index = jax.random.randint(k2, (2, N_EDGES), 0, N_NODES, dtype=jnp.int64)
    # Xavier-uniform init for linear weight [out_dim, in_dim]
    limit = float(np.sqrt(6.0 / (D_IN + D_OUT)))
    W = jax.random.uniform(k3, (D_OUT, D_IN), dtype=jnp.float32, minval=-limit, maxval=limit)
    return {"x": x, "edge_index": edge_index, "N": N_NODES, "W": W}


def reference(x, edge_index, N, W):
    src = edge_index[0]
    dst = edge_index[1]
    n = x.shape[0]
    # degree via scatter-add of ones onto dst
    base = jnp.zeros((n,), dtype=x.dtype) + (jnp.asarray(N) - n).astype(x.dtype)
    deg = base.at[dst].add(jnp.ones((dst.shape[0],), dtype=x.dtype))
    deg_inv_sqrt = jnp.power(deg + 1.0, -0.5)
    h = x * deg_inv_sqrt[:, None]
    # message aggregation: scatter-add gathered source features onto dst rows
    agg = jnp.zeros((n, x.shape[-1]), dtype=x.dtype).at[dst].add(h[src])
    agg = agg + x
    agg = agg * deg_inv_sqrt[:, None]
    return jax.nn.relu(agg @ W.T)

if __name__ == "__main__":
    import jax
    _d = setup_inputs()
    print(jax.jit(kernel)(*tuple(_d.values())))

</pallas_src>

<mosaic_0001>
#map = affine_map<(d0, d1) -> (0, 0, 0)>
#map1 = affine_map<(d0, d1) -> (0, 0)>
module attributes {stable_mosaic.version = 14 : i64} {
  func.func @_deg_kernel_core(%arg0: i32, %arg1: i32, %arg2: memref<32x80x128xi32, #tpu.memory_space<hbm>>, %arg3: memref<128x16xf32, #tpu.memory_space<hbm>>, %arg4: memref<80x16xf32, #tpu.memory_space<hbm>>, %arg5: memref<2x10240x16xf32, #tpu.memory_space<hbm>>, %arg6: memref<80x128xi32, #tpu.memory_space<vmem>>, %arg7: memref<128x16xf32, #tpu.memory_space<vmem>>, %arg8: memref<80x16xf32, #tpu.memory_space<vmem>>, %arg9: memref<10240x16xf32, #tpu.memory_space<vmem_shared>>) attributes {dimension_semantics = [#tpu.dimension_semantics<core_parallel>, #tpu.dimension_semantics<subcore_parallel>], iteration_bounds = array<i64: 2, 16>, scalar_prefetch = 0 : i64, scratch_operands = 4 : i64, tpu.core_type = #tpu.core_type<sc_vector_subcore>, window_params = [{transform_indices = #map}, {transform_indices = #map1}, {transform_indices = #map1}, {transform_indices = #map}]} {
    %mul3A = arith.constant 2 : i32
    %mul3A_0 = arith.muli %arg1, %mul3A : i32
    %add3A = arith.addi %mul3A_0, %arg0 : i32
    %mul3A_1 = arith.constant 640 : i32
    %mul3A_2 = arith.muli %arg1, %mul3A_1 : i32
    "tpu.region"() ({
      %run_scoped3A = tpu.sem_alloc : memref<!tpu.dma_semaphore, #tpu.memory_space<semaphore_mem>>
      tpu.enqueue_dma source(%arg3 : memref<128x16xf32, #tpu.memory_space<hbm>>) target(%arg7 : memref<128x16xf32, #tpu.memory_space<vmem>>) target_semaphore(%run_scoped3A : memref<!tpu.dma_semaphore, #tpu.memory_space<semaphore_mem>>)
      tpu.wait_dma2 semaphore(%run_scoped3A : memref<!tpu.dma_semaphore, #tpu.memory_space<semaphore_mem>>) src(%arg3 : memref<128x16xf32, #tpu.memory_space<hbm>>) dst(%arg7 : memref<128x16xf32, #tpu.memory_space<vmem>>)
      tpu.yield
    }) : () -> ()
    "tpu.region"() ({
      %run_scoped3A = tpu.sem_alloc : memref<!tpu.dma_semaphore, #tpu.memory_space<semaphore_mem>>
      tpu.enqueue_dma source(%arg4 : memref<80x16xf32, #tpu.memory_space<hbm>>) target(%arg8 : memref<80x16xf32, #tpu.memory_space<vmem>>) target_semaphore(%run_scoped3A : memref<!tpu.dma_semaphore, #tpu.memory_space<semaphore_mem>>)
      tpu.wait_dma2 semaphore(%run_scoped3A : memref<!tpu.dma_semaphore, #tpu.memory_space<semaphore_mem>>) src(%arg4 : memref<80x16xf32, #tpu.memory_space<hbm>>) dst(%arg8 : memref<80x16xf32, #tpu.memory_space<vmem>>)
      tpu.yield
    }) : () -> ()
    %add3A_3 = arith.constant 0 : i32
    %add3A_4 = arith.addi %mul3A_2, %add3A_3 : i32
    "tpu.region"() ({
      %run_scoped3A = tpu.sem_alloc : memref<!tpu.dma_semaphore, #tpu.memory_space<semaphore_mem>>
      %dma_start3A = arith.constant 0 : i32
      %dma_start3A_58 = tpu.memref_slice %arg9[%add3A_4, %dma_start3A] : memref<10240x16xf32, #tpu.memory_space<vmem_shared>> -> memref<80x16xf32, #tpu.memory_space<vmem_shared>>
      %dma_start3A_59 = arith.constant 0 : i32
      %dma_start3A_60 = tpu.memref_slice %arg9[%add3A_4, %dma_start3A_59] : memref<10240x16xf32, #tpu.memory_space<vmem_shared>> -> memref<80x16xf32, #tpu.memory_space<vmem_shared>>
      tpu.enqueue_dma source(%arg8 : memref<80x16xf32, #tpu.memory_space<vmem>>) target(%dma_start3A_60 : memref<80x16xf32, #tpu.memory_space<vmem_shared>>) target_semaphore(%run_scoped3A : memref<!tpu.dma_semaphore, #tpu.memory_space<semaphore_mem>>)
      %dma_wait3A = arith.constant 0 : i32
      %dma_wait3A_61 = tpu.memref_slice %arg9[%add3A_4, %dma_wait3A] : memref<10240x16xf32, #tpu.memory_space<vmem_shared>> -> memref<80x16xf32, #tpu.memory_space<vmem_shared>>
      %dma_wait3A_62 = arith.constant 0 : i32
      %dma_wait3A_63 = tpu.memref_slice %arg9[%add3A_4, %dma_wait3A_62] : memref<10240x16xf32, #tpu.memory_space<vmem_shared>> -> memref<80x16xf32, #tpu.memory_space<vmem_shared>>
      tpu.wait_dma2 semaphore(%run_scoped3A : memref<!tpu.dma_semaphore, #tpu.memory_space<semaphore_mem>>) src(%arg8 : memref<80x16xf32, #tpu.memory_space<vmem>>) dst(%dma_wait3A_63 : memref<80x16xf32, #tpu.memory_space<vmem_shared>>)
      tpu.yield
    }) : () -> ()
    %add3A_5 = arith.constant 80 : i32
    %add3A_6 = arith.addi %mul3A_2, %add3A_5 : i32
    "tpu.region"() ({
      %run_scoped3A = tpu.sem_alloc : memref<!tpu.dma_semaphore, #tpu.memory_space<semaphore_mem>>
      %dma_start3A = arith.constant 0 : i32
      %dma_start3A_58 = tpu.memref_slice %arg9[%add3A_6, %dma_start3A] : memref<10240x16xf32, #tpu.memory_space<vmem_shared>> -> memref<80x16xf32, #tpu.memory_space<vmem_shared>>
      %dma_start3A_59 = arith.constant 0 : i32
      %dma_start3A_60 = tpu.memref_slice %arg9[%add3A_6, %dma_start3A_59] : memref<10240x16xf32, #tpu.memory_space<vmem_shared>> -> memref<80x16xf32, #tpu.memory_space<vmem_shared>>
      tpu.enqueue_dma source(%arg8 : memref<80x16xf32, #tpu.memory_space<vmem>>) target(%dma_start3A_60 : memref<80x16xf32, #tpu.memory_space<vmem_shared>>) target_semaphore(%run_scoped3A : memref<!tpu.dma_semaphore, #tpu.memory_space<semaphore_mem>>)
      %dma_wait3A = arith.constant 0 : i32
      %dma_wait3A_61 = tpu.memref_slice %arg9[%add3A_6, %dma_wait3A] : memref<10240x16xf32, #tpu.memory_space<vmem_shared>> -> memref<80x16xf32, #tpu.memory_space<vmem_shared>>
      %dma_wait3A_62 = arith.constant 0 : i32
      %dma_wait3A_63 = tpu.memref_slice %arg9[%add3A_6, %dma_wait3A_62] : memref<10240x16xf32, #tpu.memory_space<vmem_shared>> -> memref<80x16xf32, #tpu.memory_space<vmem_shared>>
      tpu.wait_dma2 semaphore(%run_scoped3A : memref<!tpu.dma_semaphore, #tpu.memory_space<semaphore_mem>>) src(%arg8 : memref<80x16xf32, #tpu.memory_space<vmem>>) dst(%dma_wait3A_63 : memref<80x16xf32, #tpu.memory_space<vmem_shared>>)
      tpu.yield
    }) : () -> ()
    %add3A_7 = arith.constant 160 : i32
    %add3A_8 = arith.addi %mul3A_2, %add3A_7 : i32
    "tpu.region"() ({
      %run_scoped3A = tpu.sem_alloc : memref<!tpu.dma_semaphore, #tpu.memory_space<semaphore_mem>>
      %dma_start3A = arith.constant 0 : i32
      %dma_start3A_58 = tpu.memref_slice %arg9[%add3A_8, %dma_start3A] : memref<10240x16xf32, #tpu.memory_space<vmem_shared>> -> memref<80x16xf32, #tpu.memory_space<vmem_shared>>
      %dma_start3A_59 = arith.constant 0 : i32
      %dma_start3A_60 = tpu.memref_slice %arg9[%add3A_8, %dma_start3A_59] : memref<10240x16xf32, #tpu.memory_space<vmem_shared>> -> memref<80x16xf32, #tpu.memory_space<vmem_shared>>
      tpu.enqueue_dma source(%arg8 : memref<80x16xf32, #tpu.memory_space<vmem>>) target(%dma_start3A_60 : memref<80x16xf32, #tpu.memory_space<vmem_shared>>) target_semaphore(%run_scoped3A : memref<!tpu.dma_semaphore, #tpu.memory_space<semaphore_mem>>)
      %dma_wait3A = arith.constant 0 : i32
      %dma_wait3A_61 = tpu.memref_slice %arg9[%add3A_8, %dma_wait3A] : memref<10240x16xf32, #tpu.memory_space<vmem_shared>> -> memref<80x16xf32, #tpu.memory_space<vmem_shared>>
      %dma_wait3A_62 = arith.constant 0 : i32
      %dma_wait3A_63 = tpu.memref_slice %arg9[%add3A_8, %dma_wait3A_62] : memref<10240x16xf32, #tpu.memory_space<vmem_shared>> -> memref<80x16xf32, #tpu.memory_space<vmem_shared>>
      tpu.wait_dma2 semaphore(%run_scoped3A : memref<!tpu.dma_semaphore, #tpu.memory_space<semaphore_mem>>) src(%arg8 : memref<80x16xf32, #tpu.memory_space<vmem>>) dst(%dma_wait3A_63 : memref<80x16xf32, #tpu.memory_space<vmem_shared>>)
      tpu.yield
    }) : () -> ()
    %add3A_9 = arith.constant 240 : i32
    %add3A_10 = arith.addi %mul3A_2, %add3A_9 : i32
    "tpu.region"() ({
      %run_scoped3A = tpu.sem_alloc : memref<!tpu.dma_semaphore, #tpu.memory_space<semaphore_mem>>
      %dma_start3A = arith.constant 0 : i32
      %dma_start3A_58 = tpu.memref_slice %arg9[%add3A_10, %dma_start3A] : memref<10240x16xf32, #tpu.memory_space<vmem_shared>> -> memref<80x16xf32, #tpu.memory_space<vmem_shared>>
      %dma_start3A_59 = arith.constant 0 : i32
      %dma_start3A_60 = tpu.memref_slice %arg9[%add3A_10, %dma_start3A_59] : memref<10240x16xf32, #tpu.memory_space<vmem_shared>> -> memref<80x16xf32, #tpu.memory_space<vmem_shared>>
      tpu.enqueue_dma source(%arg8 : memref<80x16xf32, #tpu.memory_space<vmem>>) target(%dma_start3A_60 : memref<80x16xf32, #tpu.memory_space<vmem_shared>>) target_semaphore(%run_scoped3A : memref<!tpu.dma_semaphore, #tpu.memory_space<semaphore_mem>>)
      %dma_wait3A = arith.constant 0 : i32
      %dma_wait3A_61 = tpu.memref_slice %arg9[%add3A_10, %dma_wait3A] : memref<10240x16xf32, #tpu.memory_space<vmem_shared>> -> memref<80x16xf32, #tpu.memory_space<vmem_shared>>
      %dma_wait3A_62 = arith.constant 0 : i32
      %dma_wait3A_63 = tpu.memref_slice %arg9[%add3A_10, %dma_wait3A_62] : memref<10240x16xf32, #tpu.memory_space<vmem_shared>> -> memref<80x16xf32, #tpu.memory_space<vmem_shared>>
      tpu.wait_dma2 semaphore(%run_scoped3A : memref<!tpu.dma_semaphore, #tpu.memory_space<semaphore_mem>>) src(%arg8 : memref<80x16xf32, #tpu.memory_space<vmem>>) dst(%dma_wait3A_63 : memref<80x16xf32, #tpu.memory_space<vmem_shared>>)
      tpu.yield
    }) : () -> ()
    %add3A_11 = arith.constant 320 : i32
    %add3A_12 = arith.addi %mul3A_2, %add3A_11 : i32
    "tpu.region"() ({
      %run_scoped3A = tpu.sem_alloc : memref<!tpu.dma_semaphore, #tpu.memory_space<semaphore_mem>>
      %dma_start3A = arith.constant 0 : i32
      %dma_start3A_58 = tpu.memref_slice %arg9[%add3A_12, %dma_start3A] : memref<10240x16xf32, #tpu.memory_space<vmem_shared>> -> memref<80x16xf32, #tpu.memory_space<vmem_shared>>
      %dma_start3A_59 = arith.constant 0 : i32
      %dma_start3A_60 = tpu.memref_slice %arg9[%add3A_12, %dma_start3A_59] : memref<10240x16xf32, #tpu.memory_space<vmem_shared>> -> memref<80x16xf32, #tpu.memory_space<vmem_shared>>
      tpu.enqueue_dma source(%arg8 : memref<80x16xf32, #tpu.memory_space<vmem>>) target(%dma_start3A_60 : memref<80x16xf32, #tpu.memory_space<vmem_shared>>) target_semaphore(%run_scoped3A : memref<!tpu.dma_semaphore, #tpu.memory_space<semaphore_mem>>)
      %dma_wait3A = arith.constant 0 : i32
      %dma_wait3A_61 = tpu.memref_slice %arg9[%add3A_12, %dma_wait3A] : memref<10240x16xf32, #tpu.memory_space<vmem_shared>> -> memref<80x16xf32, #tpu.memory_space<vmem_shared>>
      %dma_wait3A_62 = arith.constant 0 : i32
      %dma_wait3A_63 = tpu.memref_slice %arg9[%add3A_12, %dma_wait3A_62] : memref<10240x16xf32, #tpu.memory_space<vmem_shared>> -> memref<80x16xf32, #tpu.memory_space<vmem_shared>>
      tpu.wait_dma2 semaphore(%run_scoped3A : memref<!tpu.dma_semaphore, #tpu.memory_space<semaphore_mem>>) src(%arg8 : memref<80x16xf32, #tpu.memory_space<vmem>>) dst(%dma_wait3A_63 : memref<80x16xf32, #tpu.memory_space<vmem_shared>>)
      tpu.yield
    }) : () -> ()
    %add3A_13 = arith.constant 400 : i32
    %add3A_14 = arith.addi %mul3A_2, %add3A_13 : i32
    "tpu.region"() ({
      %run_scoped3A = tpu.sem_alloc : memref<!tpu.dma_semaphore, #tpu.memory_space<semaphore_mem>>
      %dma_start3A = arith.constant 0 : i32
      %dma_start3A_58 = tpu.memref_slice %arg9[%add3A_14, %dma_start3A] : memref<10240x16xf32, #tpu.memory_space<vmem_shared>> -> memref<80x16xf32, #tpu.memory_space<vmem_shared>>
      %dma_start3A_59 = arith.constant 0 : i32
      %dma_start3A_60 = tpu.memref_slice %arg9[%add3A_14, %dma_start3A_59] : memref<10240x16xf32, #tpu.memory_space<vmem_shared>> -> memref<80x16xf32, #tpu.memory_space<vmem_shared>>
      tpu.enqueue_dma source(%arg8 : memref<80x16xf32, #tpu.memory_space<vmem>>) target(%dma_start3A_60 : memref<80x16xf32, #tpu.memory_space<vmem_shared>>) target_semaphore(%run_scoped3A : memref<!tpu.dma_semaphore, #tpu.memory_space<semaphore_mem>>)
      %dma_wait3A = arith.constant 0 : i32
      %dma_wait3A_61 = tpu.memref_slice %arg9[%add3A_14, %dma_wait3A] : memref<10240x16xf32, #tpu.memory_space<vmem_shared>> -> memref<80x16xf32, #tpu.memory_space<vmem_shared>>
      %dma_wait3A_62 = arith.constant 0 : i32
      %dma_wait3A_63 = tpu.memref_slice %arg9[%add3A_14, %dma_wait3A_62] : memref<10240x16xf32, #tpu.memory_space<vmem_shared>> -> memref<80x16xf32, #tpu.memory_space<vmem_shared>>
      tpu.wait_dma2 semaphore(%run_scoped3A : memref<!tpu.dma_semaphore, #tpu.memory_space<semaphore_mem>>) src(%arg8 : memref<80x16xf32, #tpu.memory_space<vmem>>) dst(%dma_wait3A_63 : memref<80x16xf32, #tpu.memory_space<vmem_shared>>)
      tpu.yield
    }) : () -> ()
    %add3A_15 = arith.constant 480 : i32
    %add3A_16 = arith.addi %mul3A_2, %add3A_15 : i32
    "tpu.region"() ({
      %run_scoped3A = tpu.sem_alloc : memref<!tpu.dma_semaphore, #tpu.memory_space<semaphore_mem>>
      %dma_start3A = arith.constant 0 : i32
      %dma_start3A_58 = tpu.memref_slice %arg9[%add3A_16, %dma_start3A] : memref<10240x16xf32, #tpu.memory_space<vmem_shared>> -> memref<80x16xf32, #tpu.memory_space<vmem_shared>>
      %dma_start3A_59 = arith.constant 0 : i32
      %dma_start3A_60 = tpu.memref_slice %arg9[%add3A_16, %dma_start3A_59] : memref<10240x16xf32, #tpu.memory_space<vmem_shared>> -> memref<80x16xf32, #tpu.memory_space<vmem_shared>>
      tpu.enqueue_dma source(%arg8 : memref<80x16xf32, #tpu.memory_space<vmem>>) target(%dma_start3A_60 : memref<80x16xf32, #tpu.memory_space<vmem_shared>>) target_semaphore(%run_scoped3A : memref<!tpu.dma_semaphore, #tpu.memory_space<semaphore_mem>>)
      %dma_wait3A = arith.constant 0 : i32
      %dma_wait3A_61 = tpu.memref_slice %arg9[%add3A_16, %dma_wait3A] : memref<10240x16xf32, #tpu.memory_space<vmem_shared>> -> memref<80x16xf32, #tpu.memory_space<vmem_shared>>
      %dma_wait3A_62 = arith.constant 0 : i32
      %dma_wait3A_63 = tpu.memref_slice %arg9[%add3A_16, %dma_wait3A_62] : memref<10240x16xf32, #tpu.memory_space<vmem_shared>> -> memref<80x16xf32, #tpu.memory_space<vmem_shared>>
      tpu.wait_dma2 semaphore(%run_scoped3A : memref<!tpu.dma_semaphore, #tpu.memory_space<semaphore_mem>>) src(%arg8 : memref<80x16xf32, #tpu.memory_space<vmem>>) dst(%dma_wait3A_63 : memref<80x16xf32, #tpu.memory_space<vmem_shared>>)
      tpu.yield
    }) : () -> ()
    %add3A_17 = arith.constant 560 : i32
    %add3A_18 = arith.addi %mul3A_2, %add3A_17 : i32
    "tpu.region"() ({
      %run_scoped3A = tpu.sem_alloc : memref<!tpu.dma_semaphore, #tpu.memory_space<semaphore_mem>>
      %dma_start3A = arith.constant 0 : i32
      %dma_start3A_58 = tpu.memref_slice %arg9[%add3A_18, %dma_start3A] : memref<10240x16xf32, #tpu.memory_space<vmem_shared>> -> memref<80x16xf32, #tpu.memory_space<vmem_shared>>
      %dma_start3A_59 = arith.constant 0 : i32
      %dma_start3A_60 = tpu.memref_slice %arg9[%add3A_18, %dma_start3A_59] : memref<10240x16xf32, #tpu.memory_space<vmem_shared>> -> memref<80x16xf32, #tpu.memory_space<vmem_shared>>
      tpu.enqueue_dma source(%arg8 : memref<80x16xf32, #tpu.memory_space<vmem>>) target(%dma_start3A_60 : memref<80x16xf32, #tpu.memory_space<vmem_shared>>) target_semaphore(%run_scoped3A : memref<!tpu.dma_semaphore, #tpu.memory_space<semaphore_mem>>)
      %dma_wait3A = arith.constant 0 : i32
      %dma_wait3A_61 = tpu.memref_slice %arg9[%add3A_18, %dma_wait3A] : memref<10240x16xf32, #tpu.memory_space<vmem_shared>> -> memref<80x16xf32, #tpu.memory_space<vmem_shared>>
      %dma_wait3A_62 = arith.constant 0 : i32
      %dma_wait3A_63 = tpu.memref_slice %arg9[%add3A_18, %dma_wait3A_62] : memref<10240x16xf32, #tpu.memory_space<vmem_shared>> -> memref<80x16xf32, #tpu.memory_space<vmem_shared>>
      tpu.wait_dma2 semaphore(%run_scoped3A : memref<!tpu.dma_semaphore, #tpu.memory_space<semaphore_mem>>) src(%arg8 : memref<80x16xf32, #tpu.memory_space<vmem>>) dst(%dma_wait3A_63 : memref<80x16xf32, #tpu.memory_space<vmem_shared>>)
      tpu.yield
    }) : () -> ()
    "tpu.region"() ({
      %run_scoped3A = tpu.sem_alloc : memref<!tpu.dma_semaphore, #tpu.memory_space<semaphore_mem>>
      %dma_start3A = arith.constant 0 : i32
      %dma_start3A_58 = arith.constant 0 : i32
      %dma_start3A_59 = tpu.memref_slice %arg2[%add3A, %dma_start3A, %dma_start3A_58] : memref<32x80x128xi32, #tpu.memory_space<hbm>> -> memref<1x80x128xi32, #tpu.memory_space<hbm>>
      %dma_start3A_60 = tpu.memref_squeeze %dma_start3A_59 : memref<1x80x128xi32, #tpu.memory_space<hbm>> -> memref<80x128xi32, #tpu.memory_space<hbm>>
      %dma_start3A_61 = arith.constant 0 : i32
      %dma_start3A_62 = arith.constant 0 : i32
      %dma_start3A_63 = tpu.memref_slice %arg2[%add3A, %dma_start3A_61, %dma_start3A_62] : memref<32x80x128xi32, #tpu.memory_space<hbm>> -> memref<1x80x128xi32, #tpu.memory_space<hbm>>
      %dma_start3A_64 = tpu.memref_squeeze %dma_start3A_63 : memref<1x80x128xi32, #tpu.memory_space<hbm>> -> memref<80x128xi32, #tpu.memory_space<hbm>>
      tpu.enqueue_dma source(%dma_start3A_64 : memref<80x128xi32, #tpu.memory_space<hbm>>) target(%arg6 : memref<80x128xi32, #tpu.memory_space<vmem>>) target_semaphore(%run_scoped3A : memref<!tpu.dma_semaphore, #tpu.memory_space<semaphore_mem>>)
      %dma_wait3A = arith.constant 0 : i32
      %dma_wait3A_65 = arith.constant 0 : i32
      %dma_wait3A_66 = tpu.memref_slice %arg2[%add3A, %dma_wait3A, %dma_wait3A_65] : memref<32x80x128xi32, #tpu.memory_space<hbm>> -> memref<1x80x128xi32, #tpu.memory_space<hbm>>
      %dma_wait3A_67 = tpu.memref_squeeze %dma_wait3A_66 : memref<1x80x128xi32, #tpu.memory_space<hbm>> -> memref<80x128xi32, #tpu.memory_space<hbm>>
      %dma_wait3A_68 = arith.constant 0 : i32
      %dma_wait3A_69 = arith.constant 0 : i32
      %dma_wait3A_70 = tpu.memref_slice %arg2[%add3A, %dma_wait3A_68, %dma_wait3A_69] : memref<32x80x128xi32, #tpu.memory_space<hbm>> -> memref<1x80x128xi32, #tpu.memory_space<hbm>>
      %dma_wait3A_71 = tpu.memref_squeeze %dma_wait3A_70 : memref<1x80x128xi32, #tpu.memory_space<hbm>> -> memref<80x128xi32, #tpu.memory_space<hbm>>
      tpu.wait_dma2 semaphore(%run_scoped3A : memref<!tpu.dma_semaphore, #tpu.memory_space<semaphore_mem>>) src(%dma_wait3A_71 : memref<80x128xi32, #tpu.memory_space<hbm>>) dst(%arg6 : memref<80x128xi32, #tpu.memory_space<vmem>>)
      tpu.yield
    }) : () -> ()
    %barrier3A = arith.constant 0 : index
    tpu.barrier barrier_id(%barrier3A)
    %scan3A = arith.constant 0 : i32
    %scan3A_19 = arith.constant 0 : i32
    %scan3A_20 = arith.constant 80 : i32
    %scan3A_21 = arith.addi %scan3A_19, %scan3A_20 : i32
    %scan3A_22 = arith.constant 1 : i32
    %scan3A_23 = scf.for %scan3A_58 = %scan3A_19 to %scan3A_21 step %scan3A_22 iter_args(%scan3A_59 = %scan3A) -> (i32)  : i32 {
      "tpu.region"() ({
        %run_scoped3A = tpu.sem_alloc : memref<!tpu.dma_semaphore, #tpu.memory_space<semaphore_mem>>
        %dma_start3A = arith.constant 0 : i32
        %dma_start3A_61 = tpu.memref_slice %arg6[%scan3A_58, %dma_start3A] : memref<80x128xi32, #tpu.memory_space<vmem>> -> memref<1x128xi32, #tpu.memory_space<vmem>>
        %dma_start3A_62 = tpu.memref_squeeze %dma_start3A_61 : memref<1x128xi32, #tpu.memory_space<vmem>> -> memref<128xi32, #tpu.memory_space<vmem>>
        %dma_start3A_63 = arith.constant 0 : i32
        %dma_start3A_64 = arith.constant 0 : i32
        %dma_start3A_65 = tpu.memref_slice %arg9[%dma_start3A_63, %dma_start3A_64] : memref<10240x16xf32, #tpu.memory_space<vmem_shared>> -> memref<10240x16xf32, #tpu.memory_space<vmem_shared>>
        tpu.enqueue_indirect_dma source(%arg7 : memref<128x16xf32, #tpu.memory_space<vmem>>) target(%dma_start3A_65 : memref<10240x16xf32, #tpu.memory_space<vmem_shared>>) offsets(%dma_start3A_62 : memref<128xi32, #tpu.memory_space<vmem>>) semaphore(%run_scoped3A : memref<!tpu.dma_semaphore, #tpu.memory_space<semaphore_mem>>) {add = true}
        %dma_wait3A = arith.constant 0 : i32
        %dma_wait3A_66 = tpu.memref_slice %arg6[%scan3A_58, %dma_wait3A] : memref<80x128xi32, #tpu.memory_space<vmem>> -> memref<1x128xi32, #tpu.memory_space<vmem>>
        %dma_wait3A_67 = tpu.memref_squeeze %dma_wait3A_66 : memref<1x128xi32, #tpu.memory_space<vmem>> -> memref<128xi32, #tpu.memory_space<vmem>>
        %dma_wait3A_68 = arith.constant 0 : i32
        %dma_wait3A_69 = arith.constant 0 : i32
        %dma_wait3A_70 = tpu.memref_slice %arg9[%dma_wait3A_68, %dma_wait3A_69] : memref<10240x16xf32, #tpu.memory_space<vmem_shared>> -> memref<10240x16xf32, #tpu.memory_space<vmem_shared>>
        tpu.wait_indirect_dma semaphore(%run_scoped3A : memref<!tpu.dma_semaphore, #tpu.memory_space<semaphore_mem>>) src(%arg7 : memref<128x16xf32, #tpu.memory_space<vmem>>) dst(%dma_wait3A_70 : memref<10240x16xf32, #tpu.memory_space<vmem_shared>>)
        tpu.yield
      }) : () -> ()
      %scan3A_60 = arith.constant 0 : i32
      scf.yield %scan3A_60 : i32
    }
    %scan3A_24 = arith.constant 80 : i32
    %barrier3A_25 = arith.constant 0 : index
    tpu.barrier barrier_id(%barrier3A_25)
    %add3A_26 = arith.constant 0 : i32
    %add3A_27 = arith.addi %mul3A_2, %add3A_26 : i32
    "tpu.region"() ({
      %run_scoped3A = tpu.sem_alloc : memref<!tpu.dma_semaphore, #tpu.memory_space<semaphore_mem>>
      %dma_start3A = arith.constant 0 : i32
      %dma_start3A_58 = tpu.memref_slice %arg9[%add3A_27, %dma_start3A] : memref<10240x16xf32, #tpu.memory_space<vmem_shared>> -> memref<80x16xf32, #tpu.memory_space<vmem_shared>>
      %dma_start3A_59 = arith.constant 0 : i32
      %dma_start3A_60 = tpu.memref_slice %arg9[%add3A_27, %dma_start3A_59] : memref<10240x16xf32, #tpu.memory_space<vmem_shared>> -> memref<80x16xf32, #tpu.memory_space<vmem_shared>>
      tpu.enqueue_dma source(%dma_start3A_60 : memref<80x16xf32, #tpu.memory_space<vmem_shared>>) target(%arg8 : memref<80x16xf32, #tpu.memory_space<vmem>>) target_semaphore(%run_scoped3A : memref<!tpu.dma_semaphore, #tpu.memory_space<semaphore_mem>>)
      %dma_wait3A = arith.constant 0 : i32
      %dma_wait3A_61 = tpu.memref_slice %arg9[%add3A_27, %dma_wait3A] : memref<10240x16xf32, #tpu.memory_space<vmem_shared>> -> memref<80x16xf32, #tpu.memory_space<vmem_shared>>
      %dma_wait3A_62 = arith.constant 0 : i32
      %dma_wait3A_63 = tpu.memref_slice %arg9[%add3A_27, %dma_wait3A_62] : memref<10240x16xf32, #tpu.memory_space<vmem_shared>> -> memref<80x16xf32, #tpu.memory_space<vmem_shared>>
      tpu.wait_dma2 semaphore(%run_scoped3A : memref<!tpu.dma_semaphore, #tpu.memory_space<semaphore_mem>>) src(%dma_wait3A_63 : memref<80x16xf32, #tpu.memory_space<vmem_shared>>) dst(%arg8 : memref<80x16xf32, #tpu.memory_space<vmem>>)
      tpu.yield
    }) : () -> ()
    %add3A_28 = arith.constant 0 : i32
    %add3A_29 = arith.addi %mul3A_2, %add3A_28 : i32
    "tpu.region"() ({
      %run_scoped3A = tpu.sem_alloc : memref<!tpu.dma_semaphore, #tpu.memory_space<semaphore_mem>>
      %dma_start3A = arith.constant 0 : i32
      %dma_start3A_58 = tpu.memref_slice %arg5[%arg0, %add3A_29, %dma_start3A] : memref<2x10240x16xf32, #tpu.memory_space<hbm>> -> memref<1x80x16xf32, #tpu.memory_space<hbm>>
      %dma_start3A_59 = tpu.memref_squeeze %dma_start3A_58 : memref<1x80x16xf32, #tpu.memory_space<hbm>> -> memref<80x16xf32, #tpu.memory_space<hbm>>
      %dma_start3A_60 = arith.constant 0 : i32
      %dma_start3A_61 = tpu.memref_slice %arg5[%arg0, %add3A_29, %dma_start3A_60] : memref<2x10240x16xf32, #tpu.memory_space<hbm>> -> memref<1x80x16xf32, #tpu.memory_space<hbm>>
      %dma_start3A_62 = tpu.memref_squeeze %dma_start3A_61 : memref<1x80x16xf32, #tpu.memory_space<hbm>> -> memref<80x16xf32, #tpu.memory_space<hbm>>
      tpu.enqueue_dma source(%arg8 : memref<80x16xf32, #tpu.memory_space<vmem>>) target(%dma_start3A_62 : memref<80x16xf32, #tpu.memory_space<hbm>>) target_semaphore(%run_scoped3A : memref<!tpu.dma_semaphore, #tpu.memory_space<semaphore_mem>>)
      %dma_wait3A = arith.constant 0 : i32
      %dma_wait3A_63 = tpu.memref_slice %arg5[%arg0, %add3A_29, %dma_wait3A] : memref<2x10240x16xf32, #tpu.memory_space<hbm>> -> memref<1x80x16xf32, #tpu.memory_space<hbm>>
      %dma_wait3A_64 = tpu.memref_squeeze %dma_wait3A_63 : memref<1x80x16xf32, #tpu.memory_space<hbm>> -> memref<80x16xf32, #tpu.memory_space<hbm>>
      %dma_wait3A_65 = arith.constant 0 : i32
      %dma_wait3A_66 = tpu.memref_slice %arg5[%arg0, %add3A_29, %dma_wait3A_65] : memref<2x10240x16xf32, #tpu.memory_space<hbm>> -> memref<1x80x16xf32, #tpu.memory_space<hbm>>
      %dma_wait3A_67 = tpu.memref_squeeze %dma_wait3A_66 : memref<1x80x16xf32, #tpu.memory_space<hbm>> -> memref<80x16xf32, #tpu.memory_space<hbm>>
      tpu.wait_dma2 semaphore(%run_scoped3A : memref<!tpu.dma_semaphore, #tpu.memory_space<semaphore_mem>>) src(%arg8 : memref<80x16xf32, #tpu.memory_space<vmem>>) dst(%dma_wait3A_67 : memref<80x16xf32, #tpu.memory_space<hbm>>)
      tpu.yield
    }) : () -> ()
    %add3A_30 = arith.constant 80 : i32
    %add3A_31 = arith.addi %mul3A_2, %add3A_30 : i32
    "tpu.region"() ({
      %run_scoped3A = tpu.sem_alloc : memref<!tpu.dma_semaphore, #tpu.memory_space<semaphore_mem>>
      %dma_start3A = arith.constant 0 : i32
      %dma_start3A_58 = tpu.memref_slice %arg9[%add3A_31, %dma_start3A] : memref<10240x16xf32, #tpu.memory_space<vmem_shared>> -> memref<80x16xf32, #tpu.memory_space<vmem_shared>>
      %dma_start3A_59 = arith.constant 0 : i32
      %dma_start3A_60 = tpu.memref_slice %arg9[%add3A_31, %dma_start3A_59] : memref<10240x16xf32, #tpu.memory_space<vmem_shared>> -> memref<80x16xf32, #tpu.memory_space<vmem_shared>>
      tpu.enqueue_dma source(%dma_start3A_60 : memref<80x16xf32, #tpu.memory_space<vmem_shared>>) target(%arg8 : memref<80x16xf32, #tpu.memory_space<vmem>>) target_semaphore(%run_scoped3A : memref<!tpu.dma_semaphore, #tpu.memory_space<semaphore_mem>>)
      %dma_wait3A = arith.constant 0 : i32
      %dma_wait3A_61 = tpu.memref_slice %arg9[%add3A_31, %dma_wait3A] : memref<10240x16xf32, #tpu.memory_space<vmem_shared>> -> memref<80x16xf32, #tpu.memory_space<vmem_shared>>
      %dma_wait3A_62 = arith.constant 0 : i32
      %dma_wait3A_63 = tpu.memref_slice %arg9[%add3A_31, %dma_wait3A_62] : memref<10240x16xf32, #tpu.memory_space<vmem_shared>> -> memref<80x16xf32, #tpu.memory_space<vmem_shared>>
      tpu.wait_dma2 semaphore(%run_scoped3A : memref<!tpu.dma_semaphore, #tpu.memory_space<semaphore_mem>>) src(%dma_wait3A_63 : memref<80x16xf32, #tpu.memory_space<vmem_shared>>) dst(%arg8 : memref<80x16xf32, #tpu.memory_space<vmem>>)
      tpu.yield
    }) : () -> ()
    %add3A_32 = arith.constant 80 : i32
    %add3A_33 = arith.addi %mul3A_2, %add3A_32 : i32
    "tpu.region"() ({
      %run_scoped3A = tpu.sem_alloc : memref<!tpu.dma_semaphore, #tpu.memory_space<semaphore_mem>>
      %dma_start3A = arith.constant 0 : i32
      %dma_start3A_58 = tpu.memref_slice %arg5[%arg0, %add3A_33, %dma_start3A] : memref<2x10240x16xf32, #tpu.memory_space<hbm>> -> memref<1x80x16xf32, #tpu.memory_space<hbm>>
      %dma_start3A_59 = tpu.memref_squeeze %dma_start3A_58 : memref<1x80x16xf32, #tpu.memory_space<hbm>> -> memref<80x16xf32, #tpu.memory_space<hbm>>
      %dma_start3A_60 = arith.constant 0 : i32
      %dma_start3A_61 = tpu.memref_slice %arg5[%arg0, %add3A_33, %dma_start3A_60] : memref<2x10240x16xf32, #tpu.memory_space<hbm>> -> memref<1x80x16xf32, #tpu.memory_space<hbm>>
      %dma_start3A_62 = tpu.memref_squeeze %dma_start3A_61 : memref<1x80x16xf32, #tpu.memory_space<hbm>> -> memref<80x16xf32, #tpu.memory_space<hbm>>
      tpu.enqueue_dma source(%arg8 : memref<80x16xf32, #tpu.memory_space<vmem>>) target(%dma_start3A_62 : memref<80x16xf32, #tpu.memory_space<hbm>>) target_semaphore(%run_scoped3A : memref<!tpu.dma_semaphore, #tpu.memory_space<semaphore_mem>>)
      %dma_wait3A = arith.constant 0 : i32
      %dma_wait3A_63 = tpu.memref_slice %arg5[%arg0, %add3A_33, %dma_wait3A] : memref<2x10240x16xf32, #tpu.memory_space<hbm>> -> memref<1x80x16xf32, #tpu.memory_space<hbm>>
      %dma_wait3A_64 = tpu.memref_squeeze %dma_wait3A_63 : memref<1x80x16xf32, #tpu.memory_space<hbm>> -> memref<80x16xf32, #tpu.memory_space<hbm>>
      %dma_wait3A_65 = arith.constant 0 : i32
      %dma_wait3A_66 = tpu.memref_slice %arg5[%arg0, %add3A_33, %dma_wait3A_65] : memref<2x10240x16xf32, #tpu.memory_space<hbm>> -> memref<1x80x16xf32, #tpu.memory_space<hbm>>
      %dma_wait3A_67 = tpu.memref_squeeze %dma_wait3A_66 : memref<1x80x16xf32, #tpu.memory_space<hbm>> -> memref<80x16xf32, #tpu.memory_space<hbm>>
      tpu.wait_dma2 semaphore(%run_scoped3A : memref<!tpu.dma_semaphore, #tpu.memory_space<semaphore_mem>>) src(%arg8 : memref<80x16xf32, #tpu.memory_space<vmem>>) dst(%dma_wait3A_67 : memref<80x16xf32, #tpu.memory_space<hbm>>)
      tpu.yield
    }) : () -> ()
    %add3A_34 = arith.constant 160 : i32
    %add3A_35 = arith.addi %mul3A_2, %add3A_34 : i32
    "tpu.region"() ({
      %run_scoped3A = tpu.sem_alloc : memref<!tpu.dma_semaphore, #tpu.memory_space<semaphore_mem>>
      %dma_start3A = arith.constant 0 : i32
      %dma_start3A_58 = tpu.memref_slice %arg9[%add3A_35, %dma_start3A] : memref<10240x16xf32, #tpu.memory_space<vmem_shared>> -> memref<80x16xf32, #tpu.memory_space<vmem_shared>>
      %dma_start3A_59 = arith.constant 0 : i32
      %dma_start3A_60 = tpu.memref_slice %arg9[%add3A_35, %dma_start3A_59] : memref<10240x16xf32, #tpu.memory_space<vmem_shared>> -> memref<80x16xf32, #tpu.memory_space<vmem_shared>>
      tpu.enqueue_dma source(%dma_start3A_60 : memref<80x16xf32, #tpu.memory_space<vmem_shared>>) target(%arg8 : memref<80x16xf32, #tpu.memory_space<vmem>>) target_semaphore(%run_scoped3A : memref<!tpu.dma_semaphore, #tpu.memory_space<semaphore_mem>>)
      %dma_wait3A = arith.constant 0 : i32
      %dma_wait3A_61 = tpu.memref_slice %arg9[%add3A_35, %dma_wait3A] : memref<10240x16xf32, #tpu.memory_space<vmem_shared>> -> memref<80x16xf32, #tpu.memory_space<vmem_shared>>
      %dma_wait3A_62 = arith.constant 0 : i32
      %dma_wait3A_63 = tpu.memref_slice %arg9[%add3A_35, %dma_wait3A_62] : memref<10240x16xf32, #tpu.memory_space<vmem_shared>> -> memref<80x16xf32, #tpu.memory_space<vmem_shared>>
      tpu.wait_dma2 semaphore(%run_scoped3A : memref<!tpu.dma_semaphore, #tpu.memory_space<semaphore_mem>>) src(%dma_wait3A_63 : memref<80x16xf32, #tpu.memory_space<vmem_shared>>) dst(%arg8 : memref<80x16xf32, #tpu.memory_space<vmem>>)
      tpu.yield
    }) : () -> ()
    %add3A_36 = arith.constant 160 : i32
    %add3A_37 = arith.addi %mul3A_2, %add3A_36 : i32
    "tpu.region"() ({
      %run_scoped3A = tpu.sem_alloc : memref<!tpu.dma_semaphore, #tpu.memory_space<semaphore_mem>>
      %dma_start3A = arith.constant 0 : i32
      %dma_start3A_58 = tpu.memref_slice %arg5[%arg0, %add3A_37, %dma_start3A] : memref<2x10240x16xf32, #tpu.memory_space<hbm>> -> memref<1x80x16xf32, #tpu.memory_space<hbm>>
      %dma_start3A_59 = tpu.memref_squeeze %dma_start3A_58 : memref<1x80x16xf32, #tpu.memory_space<hbm>> -> memref<80x16xf32, #tpu.memory_space<hbm>>
      %dma_start3A_60 = arith.constant 0 : i32
      %dma_start3A_61 = tpu.memref_slice %arg5[%arg0, %add3A_37, %dma_start3A_60] : memref<2x10240x16xf32, #tpu.memory_space<hbm>> -> memref<1x80x16xf32, #tpu.memory_space<hbm>>
      %dma_start3A_62 = tpu.memref_squeeze %dma_start3A_61 : memref<1x80x16xf32, #tpu.memory_space<hbm>> -> memref<80x16xf32, #tpu.memory_space<hbm>>
      tpu.enqueue_dma source(%arg8 : memref<80x16xf32, #tpu.memory_space<vmem>>) target(%dma_start3A_62 : memref<80x16xf32, #tpu.memory_space<hbm>>) target_semaphore(%run_scoped3A : memref<!tpu.dma_semaphore, #tpu.memory_space<semaphore_mem>>)
      %dma_wait3A = arith.constant 0 : i32
      %dma_wait3A_63 = tpu.memref_slice %arg5[%arg0, %add3A_37, %dma_wait3A] : memref<2x10240x16xf32, #tpu.memory_space<hbm>> -> memref<1x80x16xf32, #tpu.memory_space<hbm>>
      %dma_wait3A_64 = tpu.memref_squeeze %dma_wait3A_63 : memref<1x80x16xf32, #tpu.memory_space<hbm>> -> memref<80x16xf32, #tpu.memory_space<hbm>>
      %dma_wait3A_65 = arith.constant 0 : i32
      %dma_wait3A_66 = tpu.memref_slice %arg5[%arg0, %add3A_37, %dma_wait3A_65] : memref<2x10240x16xf32, #tpu.memory_space<hbm>> -> memref<1x80x16xf32, #tpu.memory_space<hbm>>
      %dma_wait3A_67 = tpu.memref_squeeze %dma_wait3A_66 : memref<1x80x16xf32, #tpu.memory_space<hbm>> -> memref<80x16xf32, #tpu.memory_space<hbm>>
      tpu.wait_dma2 semaphore(%run_scoped3A : memref<!tpu.dma_semaphore, #tpu.memory_space<semaphore_mem>>) src(%arg8 : memref<80x16xf32, #tpu.memory_space<vmem>>) dst(%dma_wait3A_67 : memref<80x16xf32, #tpu.memory_space<hbm>>)
      tpu.yield
    }) : () -> ()
    %add3A_38 = arith.constant 240 : i32
    %add3A_39 = arith.addi %mul3A_2, %add3A_38 : i32
    "tpu.region"() ({
      %run_scoped3A = tpu.sem_alloc : memref<!tpu.dma_semaphore, #tpu.memory_space<semaphore_mem>>
      %dma_start3A = arith.constant 0 : i32
      %dma_start3A_58 = tpu.memref_slice %arg9[%add3A_39, %dma_start3A] : memref<10240x16xf32, #tpu.memory_space<vmem_shared>> -> memref<80x16xf32, #tpu.memory_space<vmem_shared>>
      %dma_start3A_59 = arith.constant 0 : i32
      %dma_start3A_60 = tpu.memref_slice %arg9[%add3A_39, %dma_start3A_59] : memref<10240x16xf32, #tpu.memory_space<vmem_shared>> -> memref<80x16xf32, #tpu.memory_space<vmem_shared>>
      tpu.enqueue_dma source(%dma_start3A_60 : memref<80x16xf32, #tpu.memory_space<vmem_shared>>) target(%arg8 : memref<80x16xf32, #tpu.memory_space<vmem>>) target_semaphore(%run_scoped3A : memref<!tpu.dma_semaphore, #tpu.memory_space<semaphore_mem>>)
      %dma_wait3A = arith.constant 0 : i32
      %dma_wait3A_61 = tpu.memref_slice %arg9[%add3A_39, %dma_wait3A] : memref<10240x16xf32, #tpu.memory_space<vmem_shared>> -> memref<80x16xf32, #tpu.memory_space<vmem_shared>>
      %dma_wait3A_62 = arith.constant 0 : i32
      %dma_wait3A_63 = tpu.memref_slice %arg9[%add3A_39, %dma_wait3A_62] : memref<10240x16xf32, #tpu.memory_space<vmem_shared>> -> memref<80x16xf32, #tpu.memory_space<vmem_shared>>
      tpu.wait_dma2 semaphore(%run_scoped3A : memref<!tpu.dma_semaphore, #tpu.memory_space<semaphore_mem>>) src(%dma_wait3A_63 : memref<80x16xf32, #tpu.memory_space<vmem_shared>>) dst(%arg8 : memref<80x16xf32, #tpu.memory_space<vmem>>)
      tpu.yield
    }) : () -> ()
    %add3A_40 = arith.constant 240 : i32
    %add3A_41 = arith.addi %mul3A_2, %add3A_40 : i32
    "tpu.region"() ({
      %run_scoped3A = tpu.sem_alloc : memref<!tpu.dma_semaphore, #tpu.memory_space<semaphore_mem>>
      %dma_start3A = arith.constant 0 : i32
      %dma_start3A_58 = tpu.memref_slice %arg5[%arg0, %add3A_41, %dma_start3A] : memref<2x10240x16xf32, #tpu.memory_space<hbm>> -> memref<1x80x16xf32, #tpu.memory_space<hbm>>
      %dma_start3A_59 = tpu.memref_squeeze %dma_start3A_58 : memref<1x80x16xf32, #tpu.memory_space<hbm>> -> memref<80x16xf32, #tpu.memory_space<hbm>>
      %dma_start3A_60 = arith.constant 0 : i32
      %dma_start3A_61 = tpu.memref_slice %arg5[%arg0, %add3A_41, %dma_start3A_60] : memref<2x10240x16xf32, #tpu.memory_space<hbm>> -> memref<1x80x16xf32, #tpu.memory_space<hbm>>
      %dma_start3A_62 = tpu.memref_squeeze %dma_start3A_61 : memref<1x80x16xf32, #tpu.memory_space<hbm>> -> memref<80x16xf32, #tpu.memory_space<hbm>>
      tpu.enqueue_dma source(%arg8 : memref<80x16xf32, #tpu.memory_space<vmem>>) target(%dma_start3A_62 : memref<80x16xf32, #tpu.memory_space<hbm>>) target_semaphore(%run_scoped3A : memref<!tpu.dma_semaphore, #tpu.memory_space<semaphore_mem>>)
      %dma_wait3A = arith.constant 0 : i32
      %dma_wait3A_63 = tpu.memref_slice %arg5[%arg0, %add3A_41, %dma_wait3A] : memref<2x10240x16xf32, #tpu.memory_space<hbm>> -> memref<1x80x16xf32, #tpu.memory_space<hbm>>
      %dma_wait3A_64 = tpu.memref_squeeze %dma_wait3A_63 : memref<1x80x16xf32, #tpu.memory_space<hbm>> -> memref<80x16xf32, #tpu.memory_space<hbm>>
      %dma_wait3A_65 = arith.constant 0 : i32
      %dma_wait3A_66 = tpu.memref_slice %arg5[%arg0, %add3A_41, %dma_wait3A_65] : memref<2x10240x16xf32, #tpu.memory_space<hbm>> -> memref<1x80x16xf32, #tpu.memory_space<hbm>>
      %dma_wait3A_67 = tpu.memref_squeeze %dma_wait3A_66 : memref<1x80x16xf32, #tpu.memory_space<hbm>> -> memref<80x16xf32, #tpu.memory_space<hbm>>
      tpu.wait_dma2 semaphore(%run_scoped3A : memref<!tpu.dma_semaphore, #tpu.memory_space<semaphore_mem>>) src(%arg8 : memref<80x16xf32, #tpu.memory_space<vmem>>) dst(%dma_wait3A_67 : memref<80x16xf32, #tpu.memory_space<hbm>>)
      tpu.yield
    }) : () -> ()
    %add3A_42 = arith.constant 320 : i32
    %add3A_43 = arith.addi %mul3A_2, %add3A_42 : i32
    "tpu.region"() ({
      %run_scoped3A = tpu.sem_alloc : memref<!tpu.dma_semaphore, #tpu.memory_space<semaphore_mem>>
      %dma_start3A = arith.constant 0 : i32
      %dma_start3A_58 = tpu.memref_slice %arg9[%add3A_43, %dma_start3A] : memref<10240x16xf32, #tpu.memory_space<vmem_shared>> -> memref<80x16xf32, #tpu.memory_space<vmem_shared>>
      %dma_start3A_59 = arith.constant 0 : i32
      %dma_start3A_60 = tpu.memref_slice %arg9[%add3A_43, %dma_start3A_59] : memref<10240x16xf32, #tpu.memory_space<vmem_shared>> -> memref<80x16xf32, #tpu.memory_space<vmem_shared>>
      tpu.enqueue_dma source(%dma_start3A_60 : memref<80x16xf32, #tpu.memory_space<vmem_shared>>) target(%arg8 : memref<80x16xf32, #tpu.memory_space<vmem>>) target_semaphore(%run_scoped3A : memref<!tpu.dma_semaphore, #tpu.memory_space<semaphore_mem>>)
      %dma_wait3A = arith.constant 0 : i32
      %dma_wait3A_61 = tpu.memref_slice %arg9[%add3A_43, %dma_wait3A] : memref<10240x16xf32, #tpu.memory_space<vmem_shared>> -> memref<80x16xf32, #tpu.memory_space<vmem_shared>>
      %dma_wait3A_62 = arith.constant 0 : i32
      %dma_wait3A_63 = tpu.memref_slice %arg9[%add3A_43, %dma_wait3A_62] : memref<10240x16xf32, #tpu.memory_space<vmem_shared>> -> memref<80x16xf32, #tpu.memory_space<vmem_shared>>
      tpu.wait_dma2 semaphore(%run_scoped3A : memref<!tpu.dma_semaphore, #tpu.memory_space<semaphore_mem>>) src(%dma_wait3A_63 : memref<80x16xf32, #tpu.memory_space<vmem_shared>>) dst(%arg8 : memref<80x16xf32, #tpu.memory_space<vmem>>)
      tpu.yield
    }) : () -> ()
    %add3A_44 = arith.constant 320 : i32
    %add3A_45 = arith.addi %mul3A_2, %add3A_44 : i32
    "tpu.region"() ({
      %run_scoped3A = tpu.sem_alloc : memref<!tpu.dma_semaphore, #tpu.memory_space<semaphore_mem>>
      %dma_start3A = arith.constant 0 : i32
      %dma_start3A_58 = tpu.memref_slice %arg5[%arg0, %add3A_45, %dma_start3A] : memref<2x10240x16xf32, #tpu.memory_space<hbm>> -> memref<1x80x16xf32, #tpu.memory_space<hbm>>
      %dma_start3A_59 = tpu.memref_squeeze %dma_start3A_58 : memref<1x80x16xf32, #tpu.memory_space<hbm>> -> memref<80x16xf32, #tpu.memory_space<hbm>>
      %dma_start3A_60 = arith.constant 0 : i32
      %dma_start3A_61 = tpu.memref_slice %arg5[%arg0, %add3A_45, %dma_start3A_60] : memref<2x10240x16xf32, #tpu.memory_space<hbm>> -> memref<1x80x16xf32, #tpu.memory_space<hbm>>
      %dma_start3A_62 = tpu.memref_squeeze %dma_start3A_61 : memref<1x80x16xf32, #tpu.memory_space<hbm>> -> memref<80x16xf32, #tpu.memory_space<hbm>>
      tpu.enqueue_dma source(%arg8 : memref<80x16xf32, #tpu.memory_space<vmem>>) target(%dma_start3A_62 : memref<80x16xf32, #tpu.memory_space<hbm>>) target_semaphore(%run_scoped3A : memref<!tpu.dma_semaphore, #tpu.memory_space<semaphore_mem>>)
      %dma_wait3A = arith.constant 0 : i32
      %dma_wait3A_63 = tpu.memref_slice %arg5[%arg0, %add3A_45, %dma_wait3A] : memref<2x10240x16xf32, #tpu.memory_space<hbm>> -> memref<1x80x16xf32, #tpu.memory_space<hbm>>
      %dma_wait3A_64 = tpu.memref_squeeze %dma_wait3A_63 : memref<1x80x16xf32, #tpu.memory_space<hbm>> -> memref<80x16xf32, #tpu.memory_space<hbm>>
      %dma_wait3A_65 = arith.constant 0 : i32
      %dma_wait3A_66 = tpu.memref_slice %arg5[%arg0, %add3A_45, %dma_wait3A_65] : memref<2x10240x16xf32, #tpu.memory_space<hbm>> -> memref<1x80x16xf32, #tpu.memory_space<hbm>>
      %dma_wait3A_67 = tpu.memref_squeeze %dma_wait3A_66 : memref<1x80x16xf32, #tpu.memory_space<hbm>> -> memref<80x16xf32, #tpu.memory_space<hbm>>
      tpu.wait_dma2 semaphore(%run_scoped3A : memref<!tpu.dma_semaphore, #tpu.memory_space<semaphore_mem>>) src(%arg8 : memref<80x16xf32, #tpu.memory_space<vmem>>) dst(%dma_wait3A_67 : memref<80x16xf32, #tpu.memory_space<hbm>>)
      tpu.yield
    }) : () -> ()
    %add3A_46 = arith.constant 400 : i32
    %add3A_47 = arith.addi %mul3A_2, %add3A_46 : i32
    "tpu.region"() ({
      %run_scoped3A = tpu.sem_alloc : memref<!tpu.dma_semaphore, #tpu.memory_space<semaphore_mem>>
      %dma_start3A = arith.constant 0 : i32
      %dma_start3A_58 = tpu.memref_slice %arg9[%add3A_47, %dma_start3A] : memref<10240x16xf32, #tpu.memory_space<vmem_shared>> -> memref<80x16xf32, #tpu.memory_space<vmem_shared>>
      %dma_start3A_59 = arith.constant 0 : i32
      %dma_start3A_60 = tpu.memref_slice %arg9[%add3A_47, %dma_start3A_59] : memref<10240x16xf32, #tpu.memory_space<vmem_shared>> -> memref<80x16xf32, #tpu.memory_space<vmem_shared>>
      tpu.enqueue_dma source(%dma_start3A_60 : memref<80x16xf32, #tpu.memory_space<vmem_shared>>) target(%arg8 : memref<80x16xf32, #tpu.memory_space<vmem>>) target_semaphore(%run_scoped3A : memref<!tpu.dma_semaphore, #tpu.memory_space<semaphore_mem>>)
      %dma_wait3A = arith.constant 0 : i32
      %dma_wait3A_61 = tpu.memref_slice %arg9[%add3A_47, %dma_wait3A] : memref<10240x16xf32, #tpu.memory_space<vmem_shared>> -> memref<80x16xf32, #tpu.memory_space<vmem_shared>>
      %dma_wait3A_62 = arith.constant 0 : i32
      %dma_wait3A_63 = tpu.memref_slice %arg9[%add3A_47, %dma_wait3A_62] : memref<10240x16xf32, #tpu.memory_space<vmem_shared>> -> memref<80x16xf32, #tpu.memory_space<vmem_shared>>
      tpu.wait_dma2 semaphore(%run_scoped3A : memref<!tpu.dma_semaphore, #tpu.memory_space<semaphore_mem>>) src(%dma_wait3A_63 : memref<80x16xf32, #tpu.memory_space<vmem_shared>>) dst(%arg8 : memref<80x16xf32, #tpu.memory_space<vmem>>)
      tpu.yield
    }) : () -> ()
    %add3A_48 = arith.constant 400 : i32
    %add3A_49 = arith.addi %mul3A_2, %add3A_48 : i32
    "tpu.region"() ({
      %run_scoped3A = tpu.sem_alloc : memref<!tpu.dma_semaphore, #tpu.memory_space<semaphore_mem>>
      %dma_start3A = arith.constant 0 : i32
      %dma_start3A_58 = tpu.memref_slice %arg5[%arg0, %add3A_49, %dma_start3A] : memref<2x10240x16xf32, #tpu.memory_space<hbm>> -> memref<1x80x16xf32, #tpu.memory_space<hbm>>
      %dma_start3A_59 = tpu.memref_squeeze %dma_start3A_58 : memref<1x80x16xf32, #tpu.memory_space<hbm>> -> memref<80x16xf32, #tpu.memory_space<hbm>>
      %dma_start3A_60 = arith.constant 0 : i32
      %dma_start3A_61 = tpu.memref_slice %arg5[%arg0, %add3A_49, %dma_start3A_60] : memref<2x10240x16xf32, #tpu.memory_space<hbm>> -> memref<1x80x16xf32, #tpu.memory_space<hbm>>
      %dma_start3A_62 = tpu.memref_squeeze %dma_start3A_61 : memref<1x80x16xf32, #tpu.memory_space<hbm>> -> memref<80x16xf32, #tpu.memory_space<hbm>>
      tpu.enqueue_dma source(%arg8 : memref<80x16xf32, #tpu.memory_space<vmem>>) target(%dma_start3A_62 : memref<80x16xf32, #tpu.memory_space<hbm>>) target_semaphore(%run_scoped3A : memref<!tpu.dma_semaphore, #tpu.memory_space<semaphore_mem>>)
      %dma_wait3A = arith.constant 0 : i32
      %dma_wait3A_63 = tpu.memref_slice %arg5[%arg0, %add3A_49, %dma_wait3A] : memref<2x10240x16xf32, #tpu.memory_space<hbm>> -> memref<1x80x16xf32, #tpu.memory_space<hbm>>
      %dma_wait3A_64 = tpu.memref_squeeze %dma_wait3A_63 : memref<1x80x16xf32, #tpu.memory_space<hbm>> -> memref<80x16xf32, #tpu.memory_space<hbm>>
      %dma_wait3A_65 = arith.constant 0 : i32
      %dma_wait3A_66 = tpu.memref_slice %arg5[%arg0, %add3A_49, %dma_wait3A_65] : memref<2x10240x16xf32, #tpu.memory_space<hbm>> -> memref<1x80x16xf32, #tpu.memory_space<hbm>>
      %dma_wait3A_67 = tpu.memref_squeeze %dma_wait3A_66 : memref<1x80x16xf32, #tpu.memory_space<hbm>> -> memref<80x16xf32, #tpu.memory_space<hbm>>
      tpu.wait_dma2 semaphore(%run_scoped3A : memref<!tpu.dma_semaphore, #tpu.memory_space<semaphore_mem>>) src(%arg8 : memref<80x16xf32, #tpu.memory_space<vmem>>) dst(%dma_wait3A_67 : memref<80x16xf32, #tpu.memory_space<hbm>>)
      tpu.yield
    }) : () -> ()
    %add3A_50 = arith.constant 480 : i32
    %add3A_51 = arith.addi %mul3A_2, %add3A_50 : i32
    "tpu.region"() ({
      %run_scoped3A = tpu.sem_alloc : memref<!tpu.dma_semaphore, #tpu.memory_space<semaphore_mem>>
      %dma_start3A = arith.constant 0 : i32
      %dma_start3A_58 = tpu.memref_slice %arg9[%add3A_51, %dma_start3A] : memref<10240x16xf32, #tpu.memory_space<vmem_shared>> -> memref<80x16xf32, #tpu.memory_space<vmem_shared>>
      %dma_start3A_59 = arith.constant 0 : i32
      %dma_start3A_60 = tpu.memref_slice %arg9[%add3A_51, %dma_start3A_59] : memref<10240x16xf32, #tpu.memory_space<vmem_shared>> -> memref<80x16xf32, #tpu.memory_space<vmem_shared>>
      tpu.enqueue_dma source(%dma_start3A_60 : memref<80x16xf32, #tpu.memory_space<vmem_shared>>) target(%arg8 : memref<80x16xf32, #tpu.memory_space<vmem>>) target_semaphore(%run_scoped3A : memref<!tpu.dma_semaphore, #tpu.memory_space<semaphore_mem>>)
      %dma_wait3A = arith.constant 0 : i32
      %dma_wait3A_61 = tpu.memref_slice %arg9[%add3A_51, %dma_wait3A] : memref<10240x16xf32, #tpu.memory_space<vmem_shared>> -> memref<80x16xf32, #tpu.memory_space<vmem_shared>>
      %dma_wait3A_62 = arith.constant 0 : i32
      %dma_wait3A_63 = tpu.memref_slice %arg9[%add3A_51, %dma_wait3A_62] : memref<10240x16xf32, #tpu.memory_space<vmem_shared>> -> memref<80x16xf32, #tpu.memory_space<vmem_shared>>
      tpu.wait_dma2 semaphore(%run_scoped3A : memref<!tpu.dma_semaphore, #tpu.memory_space<semaphore_mem>>) src(%dma_wait3A_63 : memref<80x16xf32, #tpu.memory_space<vmem_shared>>) dst(%arg8 : memref<80x16xf32, #tpu.memory_space<vmem>>)
      tpu.yield
    }) : () -> ()
    %add3A_52 = arith.constant 480 : i32
    %add3A_53 = arith.addi %mul3A_2, %add3A_52 : i32
    "tpu.region"() ({
      %run_scoped3A = tpu.sem_alloc : memref<!tpu.dma_semaphore, #tpu.memory_space<semaphore_mem>>
      %dma_start3A = arith.constant 0 : i32
      %dma_start3A_58 = tpu.memref_slice %arg5[%arg0, %add3A_53, %dma_start3A] : memref<2x10240x16xf32, #tpu.memory_space<hbm>> -> memref<1x80x16xf32, #tpu.memory_space<hbm>>
      %dma_start3A_59 = tpu.memref_squeeze %dma_start3A_58 : memref<1x80x16xf32, #tpu.memory_space<hbm>> -> memref<80x16xf32, #tpu.memory_space<hbm>>
      %dma_start3A_60 = arith.constant 0 : i32
      %dma_start3A_61 = tpu.memref_slice %arg5[%arg0, %add3A_53, %dma_start3A_60] : memref<2x10240x16xf32, #tpu.memory_space<hbm>> -> memref<1x80x16xf32, #tpu.memory_space<hbm>>
      %dma_start3A_62 = tpu.memref_squeeze %dma_start3A_61 : memref<1x80x16xf32, #tpu.memory_space<hbm>> -> memref<80x16xf32, #tpu.memory_space<hbm>>
      tpu.enqueue_dma source(%arg8 : memref<80x16xf32, #tpu.memory_space<vmem>>) target(%dma_start3A_62 : memref<80x16xf32, #tpu.memory_space<hbm>>) target_semaphore(%run_scoped3A : memref<!tpu.dma_semaphore, #tpu.memory_space<semaphore_mem>>)
      %dma_wait3A = arith.constant 0 : i32
      %dma_wait3A_63 = tpu.memref_slice %arg5[%arg0, %add3A_53, %dma_wait3A] : memref<2x10240x16xf32, #tpu.memory_space<hbm>> -> memref<1x80x16xf32, #tpu.memory_space<hbm>>
      %dma_wait3A_64 = tpu.memref_squeeze %dma_wait3A_63 : memref<1x80x16xf32, #tpu.memory_space<hbm>> -> memref<80x16xf32, #tpu.memory_space<hbm>>
      %dma_wait3A_65 = arith.constant 0 : i32
      %dma_wait3A_66 = tpu.memref_slice %arg5[%arg0, %add3A_53, %dma_wait3A_65] : memref<2x10240x16xf32, #tpu.memory_space<hbm>> -> memref<1x80x16xf32, #tpu.memory_space<hbm>>
      %dma_wait3A_67 = tpu.memref_squeeze %dma_wait3A_66 : memref<1x80x16xf32, #tpu.memory_space<hbm>> -> memref<80x16xf32, #tpu.memory_space<hbm>>
      tpu.wait_dma2 semaphore(%run_scoped3A : memref<!tpu.dma_semaphore, #tpu.memory_space<semaphore_mem>>) src(%arg8 : memref<80x16xf32, #tpu.memory_space<vmem>>) dst(%dma_wait3A_67 : memref<80x16xf32, #tpu.memory_space<hbm>>)
      tpu.yield
    }) : () -> ()
    %add3A_54 = arith.constant 560 : i32
    %add3A_55 = arith.addi %mul3A_2, %add3A_54 : i32
    "tpu.region"() ({
      %run_scoped3A = tpu.sem_alloc : memref<!tpu.dma_semaphore, #tpu.memory_space<semaphore_mem>>
      %dma_start3A = arith.constant 0 : i32
      %dma_start3A_58 = tpu.memref_slice %arg9[%add3A_55, %dma_start3A] : memref<10240x16xf32, #tpu.memory_space<vmem_shared>> -> memref<80x16xf32, #tpu.memory_space<vmem_shared>>
      %dma_start3A_59 = arith.constant 0 : i32
      %dma_start3A_60 = tpu.memref_slice %arg9[%add3A_55, %dma_start3A_59] : memref<10240x16xf32, #tpu.memory_space<vmem_shared>> -> memref<80x16xf32, #tpu.memory_space<vmem_shared>>
      tpu.enqueue_dma source(%dma_start3A_60 : memref<80x16xf32, #tpu.memory_space<vmem_shared>>) target(%arg8 : memref<80x16xf32, #tpu.memory_space<vmem>>) target_semaphore(%run_scoped3A : memref<!tpu.dma_semaphore, #tpu.memory_space<semaphore_mem>>)
      %dma_wait3A = arith.constant 0 : i32
      %dma_wait3A_61 = tpu.memref_slice %arg9[%add3A_55, %dma_wait3A] : memref<10240x16xf32, #tpu.memory_space<vmem_shared>> -> memref<80x16xf32, #tpu.memory_space<vmem_shared>>
      %dma_wait3A_62 = arith.constant 0 : i32
      %dma_wait3A_63 = tpu.memref_slice %arg9[%add3A_55, %dma_wait3A_62] : memref<10240x16xf32, #tpu.memory_space<vmem_shared>> -> memref<80x16xf32, #tpu.memory_space<vmem_shared>>
      tpu.wait_dma2 semaphore(%run_scoped3A : memref<!tpu.dma_semaphore, #tpu.memory_space<semaphore_mem>>) src(%dma_wait3A_63 : memref<80x16xf32, #tpu.memory_space<vmem_shared>>) dst(%arg8 : memref<80x16xf32, #tpu.memory_space<vmem>>)
      tpu.yield
    }) : () -> ()
    %add3A_56 = arith.constant 560 : i32
    %add3A_57 = arith.addi %mul3A_2, %add3A_56 : i32
    "tpu.region"() ({
      %run_scoped3A = tpu.sem_alloc : memref<!tpu.dma_semaphore, #tpu.memory_space<semaphore_mem>>
      %dma_start3A = arith.constant 0 : i32
      %dma_start3A_58 = tpu.memref_slice %arg5[%arg0, %add3A_57, %dma_start3A] : memref<2x10240x16xf32, #tpu.memory_space<hbm>> -> memref<1x80x16xf32, #tpu.memory_space<hbm>>
      %dma_start3A_59 = tpu.memref_squeeze %dma_start3A_58 : memref<1x80x16xf32, #tpu.memory_space<hbm>> -> memref<80x16xf32, #tpu.memory_space<hbm>>
      %dma_start3A_60 = arith.constant 0 : i32
      %dma_start3A_61 = tpu.memref_slice %arg5[%arg0, %add3A_57, %dma_start3A_60] : memref<2x10240x16xf32, #tpu.memory_space<hbm>> -> memref<1x80x16xf32, #tpu.memory_space<hbm>>
      %dma_start3A_62 = tpu.memref_squeeze %dma_start3A_61 : memref<1x80x16xf32, #tpu.memory_space<hbm>> -> memref<80x16xf32, #tpu.memory_space<hbm>>
      tpu.enqueue_dma source(%arg8 : memref<80x16xf32, #tpu.memory_space<vmem>>) target(%dma_start3A_62 : memref<80x16xf32, #tpu.memory_space<hbm>>) target_semaphore(%run_scoped3A : memref<!tpu.dma_semaphore, #tpu.memory_space<semaphore_mem>>)
      %dma_wait3A = arith.constant 0 : i32
      %dma_wait3A_63 = tpu.memref_slice %arg5[%arg0, %add3A_57, %dma_wait3A] : memref<2x10240x16xf32, #tpu.memory_space<hbm>> -> memref<1x80x16xf32, #tpu.memory_space<hbm>>
      %dma_wait3A_64 = tpu.memref_squeeze %dma_wait3A_63 : memref<1x80x16xf32, #tpu.memory_space<hbm>> -> memref<80x16xf32, #tpu.memory_space<hbm>>
      %dma_wait3A_65 = arith.constant 0 : i32
      %dma_wait3A_66 = tpu.memref_slice %arg5[%arg0, %add3A_57, %dma_wait3A_65] : memref<2x10240x16xf32, #tpu.memory_space<hbm>> -> memref<1x80x16xf32, #tpu.memory_space<hbm>>
      %dma_wait3A_67 = tpu.memref_squeeze %dma_wait3A_66 : memref<1x80x16xf32, #tpu.memory_space<hbm>> -> memref<80x16xf32, #tpu.memory_space<hbm>>
      tpu.wait_dma2 semaphore(%run_scoped3A : memref<!tpu.dma_semaphore, #tpu.memory_space<semaphore_mem>>) src(%arg8 : memref<80x16xf32, #tpu.memory_space<vmem>>) dst(%dma_wait3A_67 : memref<80x16xf32, #tpu.memory_space<hbm>>)
      tpu.yield
    }) : () -> ()
    return
  }
}

#map = affine_map<(d0, d1) -> (0, 0)>
#map1 = affine_map<(d0, d1) -> (0, 0, 0)>
module attributes {stable_mosaic.version = 14 : i64} {
  func.func @_agg_kernel_core(%arg0: i32, %arg1: i32, %arg2: memref<10000x128xf32, #tpu.memory_space<hbm>>, %arg3: memref<10000x128xf32, #tpu.memory_space<hbm>>, %arg4: memref<32x80x128xi32, #tpu.memory_space<hbm>>, %arg5: memref<32x80x128xi32, #tpu.memory_space<hbm>>, %arg6: memref<2x10000x128xf32, #tpu.memory_space<hbm>>, %arg7: memref<40x128xi32, #tpu.memory_space<vmem>>, %arg8: memref<40x128xi32, #tpu.memory_space<vmem>>, %arg9: memref<128x128xf32, #tpu.memory_space<vmem>>, %arg10: memref<128x128xf32, #tpu.memory_space<vmem>>, %arg11: memref<!tpu.dma_semaphore, #tpu.memory_space<semaphore_mem>>, %arg12: memref<!tpu.dma_semaphore, #tpu.memory_space<semaphore_mem>>, %arg13: memref<!tpu.dma_semaphore, #tpu.memory_space<semaphore_mem>>, %arg14: memref<!tpu.dma_semaphore, #tpu.memory_space<semaphore_mem>>, %arg15: memref<10240x128xf32, #tpu.memory_space<vmem_shared>>) attributes {dimension_semantics = [#tpu.dimension_semantics<core_parallel>, #tpu.dimension_semantics<subcore_parallel>], iteration_bounds = array<i64: 2, 16>, scalar_prefetch = 0 : i64, scratch_operands = 9 : i64, tpu.core_type = #tpu.core_type<sc_vector_subcore>, window_params = [{transform_indices = #map}, {transform_indices = #map}, {transform_indices = #map1}, {transform_indices = #map1}, {transform_indices = #map1}]} {
    %mul3A = arith.constant 2 : i32
    %mul3A_0 = arith.muli %arg1, %mul3A : i32
    %add3A = arith.addi %mul3A_0, %arg0 : i32
    %mul3A_1 = arith.constant 640 : i32
    %mul3A_2 = arith.muli %arg1, %mul3A_1 : i32
    %min3A = arith.constant 9360 : i32
    %min3A_3 = arith.minsi %mul3A_2, %min3A : i32
    %add3A_4 = arith.constant 0 : i32
    %add3A_5 = arith.addi %min3A_3, %add3A_4 : i32
    "tpu.region"() ({
      %run_scoped3A = tpu.sem_alloc : memref<!tpu.dma_semaphore, #tpu.memory_space<semaphore_mem>>
      %dma_start3A_312 = arith.constant 0 : i32
      %dma_start3A_313 = arith.constant 0 : i32
      %dma_start3A_314 = tpu.memref_slice %arg9[%dma_start3A_312, %dma_start3A_313] : memref<128x128xf32, #tpu.memory_space<vmem>> -> memref<80x128xf32, #tpu.memory_space<vmem>>
      %dma_start3A_315 = arith.constant 0 : i32
      %dma_start3A_316 = tpu.memref_slice %arg3[%add3A_5, %dma_start3A_315] : memref<10000x128xf32, #tpu.memory_space<hbm>> -> memref<80x128xf32, #tpu.memory_space<hbm>>
      %dma_start3A_317 = arith.constant 0 : i32
      %dma_start3A_318 = arith.constant 0 : i32
      %dma_start3A_319 = tpu.memref_slice %arg9[%dma_start3A_317, %dma_start3A_318] : memref<128x128xf32, #tpu.memory_space<vmem>> -> memref<80x128xf32, #tpu.memory_space<vmem>>
      %dma_start3A_320 = arith.constant 0 : i32
      %dma_start3A_321 = tpu.memref_slice %arg3[%add3A_5, %dma_start3A_320] : memref<10000x128xf32, #tpu.memory_space<hbm>> -> memref<80x128xf32, #tpu.memory_space<hbm>>
      tpu.enqueue_dma source(%dma_start3A_321 : memref<80x128xf32, #tpu.memory_space<hbm>>) target(%dma_start3A_319 : memref<80x128xf32, #tpu.memory_space<vmem>>) target_semaphore(%run_scoped3A : memref<!tpu.dma_semaphore, #tpu.memory_space<semaphore_mem>>)
      %dma_wait3A_322 = arith.constant 0 : i32
      %dma_wait3A_323 = arith.constant 0 : i32
      %dma_wait3A_324 = tpu.memref_slice %arg9[%dma_wait3A_322, %dma_wait3A_323] : memref<128x128xf32, #tpu.memory_space<vmem>> -> memref<80x128xf32, #tpu.memory_space<vmem>>
      %dma_wait3A_325 = arith.constant 0 : i32
      %dma_wait3A_326 = tpu.memref_slice %arg3[%add3A_5, %dma_wait3A_325] : memref<10000x128xf32, #tpu.memory_space<hbm>> -> memref<80x128xf32, #tpu.memory_space<hbm>>
      %dma_wait3A_327 = arith.constant 0 : i32
      %dma_wait3A_328 = arith.constant 0 : i32
      %dma_wait3A_329 = tpu.memref_slice %arg9[%dma_wait3A_327, %dma_wait3A_328] : memref<128x128xf32, #tpu.memory_space<vmem>> -> memref<80x128xf32, #tpu.memory_space<vmem>>
      %dma_wait3A_330 = arith.constant 0 : i32
      %dma_wait3A_331 = tpu.memref_slice %arg3[%add3A_5, %dma_wait3A_330] : memref<10000x128xf32, #tpu.memory_space<hbm>> -> memref<80x128xf32, #tpu.memory_space<hbm>>
      tpu.wait_dma2 semaphore(%run_scoped3A : memref<!tpu.dma_semaphore, #tpu.memory_space<semaphore_mem>>) src(%dma_wait3A_331 : memref<80x128xf32, #tpu.memory_space<hbm>>) dst(%dma_wait3A_329 : memref<80x128xf32, #tpu.memory_space<vmem>>)
      tpu.yield
    }) : () -> ()
    %add3A_6 = arith.constant 0 : i32
    %add3A_7 = arith.addi %min3A_3, %add3A_6 : i32
    "tpu.region"() ({
      %run_scoped3A = tpu.sem_alloc : memref<!tpu.dma_semaphore, #tpu.memory_space<semaphore_mem>>
      %dma_start3A_312 = arith.constant 0 : i32
      %dma_start3A_313 = arith.constant 0 : i32
      %dma_start3A_314 = tpu.memref_slice %arg9[%dma_start3A_312, %dma_start3A_313] : memref<128x128xf32, #tpu.memory_space<vmem>> -> memref<80x128xf32, #tpu.memory_space<vmem>>
      %dma_start3A_315 = arith.constant 0 : i32
      %dma_start3A_316 = tpu.memref_slice %arg15[%add3A_7, %dma_start3A_315] : memref<10240x128xf32, #tpu.memory_space<vmem_shared>> -> memref<80x128xf32, #tpu.memory_space<vmem_shared>>
      %dma_start3A_317 = arith.constant 0 : i32
      %dma_start3A_318 = tpu.memref_slice %arg15[%add3A_7, %dma_start3A_317] : memref<10240x128xf32, #tpu.memory_space<vmem_shared>> -> memref<80x128xf32, #tpu.memory_space<vmem_shared>>
      %dma_start3A_319 = arith.constant 0 : i32
      %dma_start3A_320 = arith.constant 0 : i32
      %dma_start3A_321 = tpu.memref_slice %arg9[%dma_start3A_319, %dma_start3A_320] : memref<128x128xf32, #tpu.memory_space<vmem>> -> memref<80x128xf32, #tpu.memory_space<vmem>>
      tpu.enqueue_dma source(%dma_start3A_321 : memref<80x128xf32, #tpu.memory_space<vmem>>) target(%dma_start3A_318 : memref<80x128xf32, #tpu.memory_space<vmem_shared>>) target_semaphore(%run_scoped3A : memref<!tpu.dma_semaphore, #tpu.memory_space<semaphore_mem>>)
      %dma_wait3A_322 = arith.constant 0 : i32
      %dma_wait3A_323 = arith.constant 0 : i32
      %dma_wait3A_324 = tpu.memref_slice %arg9[%dma_wait3A_322, %dma_wait3A_323] : memref<128x128xf32, #tpu.memory_space<vmem>> -> memref<80x128xf32, #tpu.memory_space<vmem>>
      %dma_wait3A_325 = arith.constant 0 : i32
      %dma_wait3A_326 = tpu.memref_slice %arg15[%add3A_7, %dma_wait3A_325] : memref<10240x128xf32, #tpu.memory_space<vmem_shared>> -> memref<80x128xf32, #tpu.memory_space<vmem_shared>>
      %dma_wait3A_327 = arith.constant 0 : i32
      %dma_wait3A_328 = tpu.memref_slice %arg15[%add3A_7, %dma_wait3A_327] : memref<10240x128xf32, #tpu.memory_space<vmem_shared>> -> memref<80x128xf32, #tpu.memory_space<vmem_shared>>
      %dma_wait3A_329 = arith.constant 0 : i32
      %dma_wait3A_330 = arith.constant 0 : i32
      %dma_wait3A_331 = tpu.memref_slice %arg9[%dma_wait3A_329, %dma_wait3A_330] : memref<128x128xf32, #tpu.memory_space<vmem>> -> memref<80x128xf32, #tpu.memory_space<vmem>>
      tpu.wait_dma2 semaphore(%run_scoped3A : memref<!tpu.dma_semaphore, #tpu.memory_space<semaphore_mem>>) src(%dma_wait3A_331 : memref<80x128xf32, #tpu.memory_space<vmem>>) dst(%dma_wait3A_328 : memref<80x128xf32, #tpu.memory_space<vmem_shared>>)
      tpu.yield
    }) : () -> ()
    %add3A_8 = arith.constant 80 : i32
    %add3A_9 = arith.addi %min3A_3, %add3A_8 : i32
    "tpu.region"() ({
      %run_scoped3A = tpu.sem_alloc : memref<!tpu.dma_semaphore, #tpu.memory_space<semaphore_mem>>
      %dma_start3A_312 = arith.constant 0 : i32
      %dma_start3A_313 = arith.constant 0 : i32
      %dma_start3A_314 = tpu.memref_slice %arg9[%dma_start3A_312, %dma_start3A_313] : memref<128x128xf32, #tpu.memory_space<vmem>> -> memref<80x128xf32, #tpu.memory_space<vmem>>
      %dma_start3A_315 = arith.constant 0 : i32
      %dma_start3A_316 = tpu.memref_slice %arg3[%add3A_9, %dma_start3A_315] : memref<10000x128xf32, #tpu.memory_space<hbm>> -> memref<80x128xf32, #tpu.memory_space<hbm>>
      %dma_start3A_317 = arith.constant 0 : i32
      %dma_start3A_318 = arith.constant 0 : i32
      %dma_start3A_319 = tpu.memref_slice %arg9[%dma_start3A_317, %dma_start3A_318] : memref<128x128xf32, #tpu.memory_space<vmem>> -> memref<80x128xf32, #tpu.memory_space<vmem>>
      %dma_start3A_320 = arith.constant 0 : i32
      %dma_start3A_321 = tpu.memref_slice %arg3[%add3A_9, %dma_start3A_320] : memref<10000x128xf32, #tpu.memory_space<hbm>> -> memref<80x128xf32, #tpu.memory_space<hbm>>
      tpu.enqueue_dma source(%dma_start3A_321 : memref<80x128xf32, #tpu.memory_space<hbm>>) target(%dma_start3A_319 : memref<80x128xf32, #tpu.memory_space<vmem>>) target_semaphore(%run_scoped3A : memref<!tpu.dma_semaphore, #tpu.memory_space<semaphore_mem>>)
      %dma_wait3A_322 = arith.constant 0 : i32
      %dma_wait3A_323 = arith.constant 0 : i32
      %dma_wait3A_324 = tpu.memref_slice %arg9[%dma_wait3A_322, %dma_wait3A_323] : memref<128x128xf32, #tpu.memory_space<vmem>> -> memref<80x128xf32, #tpu.memory_space<vmem>>
      %dma_wait3A_325 = arith.constant 0 : i32
      %dma_wait3A_326 = tpu.memref_slice %arg3[%add3A_9, %dma_wait3A_325] : memref<10000x128xf32, #tpu.memory_space<hbm>> -> memref<80x128xf32, #tpu.memory_space<hbm>>
      %dma_wait3A_327 = arith.constant 0 : i32
      %dma_wait3A_328 = arith.constant 0 : i32
      %dma_wait3A_329 = tpu.memref_slice %arg9[%dma_wait3A_327, %dma_wait3A_328] : memref<128x128xf32, #tpu.memory_space<vmem>> -> memref<80x128xf32, #tpu.memory_space<vmem>>
      %dma_wait3A_330 = arith.constant 0 : i32
      %dma_wait3A_331 = tpu.memref_slice %arg3[%add3A_9, %dma_wait3A_330] : memref<10000x128xf32, #tpu.memory_space<hbm>> -> memref<80x128xf32, #tpu.memory_space<hbm>>
      tpu.wait_dma2 semaphore(%run_scoped3A : memref<!tpu.dma_semaphore, #tpu.memory_space<semaphore_mem>>) src(%dma_wait3A_331 : memref<80x128xf32, #tpu.memory_space<hbm>>) dst(%dma_wait3A_329 : memref<80x128xf32, #tpu.memory_space<vmem>>)
      tpu.yield
    }) : () -> ()
    %add3A_10 = arith.constant 80 : i32
    %add3A_11 = arith.addi %min3A_3, %add3A_10 : i32
    "tpu.region"() ({
      %run_scoped3A = tpu.sem_alloc : memref<!tpu.dma_semaphore, #tpu.memory_space<semaphore_mem>>
      %dma_start3A_312 = arith.constant 0 : i32
      %dma_start3A_313 = arith.constant 0 : i32
      %dma_start3A_314 = tpu.memref_slice %arg9[%dma_start3A_312, %dma_start3A_313] : memref<128x128xf32, #tpu.memory_space<vmem>> -> memref<80x128xf32, #tpu.memory_space<vmem>>
      %dma_start3A_315 = arith.constant 0 : i32
      %dma_start3A_316 = tpu.memref_slice %arg15[%add3A_11, %dma_start3A_315] : memref<10240x128xf32, #tpu.memory_space<vmem_shared>> -> memref<80x128xf32, #tpu.memory_space<vmem_shared>>
      %dma_start3A_317 = arith.constant 0 : i32
      %dma_start3A_318 = tpu.memref_slice %arg15[%add3A_11, %dma_start3A_317] : memref<10240x128xf32, #tpu.memory_space<vmem_shared>> -> memref<80x128xf32, #tpu.memory_space<vmem_shared>>
      %dma_start3A_319 = arith.constant 0 : i32
      %dma_start3A_320 = arith.constant 0 : i32
      %dma_start3A_321 = tpu.memref_slice %arg9[%dma_start3A_319, %dma_start3A_320] : memref<128x128xf32, #tpu.memory_space<vmem>> -> memref<80x128xf32, #tpu.memory_space<vmem>>
      tpu.enqueue_dma source(%dma_start3A_321 : memref<80x128xf32, #tpu.memory_space<vmem>>) target(%dma_start3A_318 : memref<80x128xf32, #tpu.memory_space<vmem_shared>>) target_semaphore(%run_scoped3A : memref<!tpu.dma_semaphore, #tpu.memory_space<semaphore_mem>>)
      %dma_wait3A_322 = arith.constant 0 : i32
      %dma_wait3A_323 = arith.constant 0 : i32
      %dma_wait3A_324 = tpu.memref_slice %arg9[%dma_wait3A_322, %dma_wait3A_323] : memref<128x128xf32, #tpu.memory_space<vmem>> -> memref<80x128xf32, #tpu.memory_space<vmem>>
      %dma_wait3A_325 = arith.constant 0 : i32
      %dma_wait3A_326 = tpu.memref_slice %arg15[%add3A_11, %dma_wait3A_325] : memref<10240x128xf32, #tpu.memory_space<vmem_shared>> -> memref<80x128xf32, #tpu.memory_space<vmem_shared>>
      %dma_wait3A_327 = arith.constant 0 : i32
      %dma_wait3A_328 = tpu.memref_slice %arg15[%add3A_11, %dma_wait3A_327] : memref<10240x128xf32, #tpu.memory_space<vmem_shared>> -> memref<80x128xf32, #tpu.memory_space<vmem_shared>>
      %dma_wait3A_329 = arith.constant 0 : i32
      %dma_wait3A_330 = arith.constant 0 : i32
      %dma_wait3A_331 = tpu.memref_slice %arg9[%dma_wait3A_329, %dma_wait3A_330] : memref<128x128xf32, #tpu.memory_space<vmem>> -> memref<80x128xf32, #tpu.memory_space<vmem>>
      tpu.wait_dma2 semaphore(%run_scoped3A : memref<!tpu.dma_semaphore, #tpu.memory_space<semaphore_mem>>) src(%dma_wait3A_331 : memref<80x128xf32, #tpu.memory_space<vmem>>) dst(%dma_wait3A_328 : memref<80x128xf32, #tpu.memory_space<vmem_shared>>)
      tpu.yield
    }) : () -> ()
    %add3A_12 = arith.constant 160 : i32
    %add3A_13 = arith.addi %min3A_3, %add3A_12 : i32
    "tpu.region"() ({
      %run_scoped3A = tpu.sem_alloc : memref<!tpu.dma_semaphore, #tpu.memory_space<semaphore_mem>>
      %dma_start3A_312 = arith.constant 0 : i32
      %dma_start3A_313 = arith.constant 0 : i32
      %dma_start3A_314 = tpu.memref_slice %arg9[%dma_start3A_312, %dma_start3A_313] : memref<128x128xf32, #tpu.memory_space<vmem>> -> memref<80x128xf32, #tpu.memory_space<vmem>>
      %dma_start3A_315 = arith.constant 0 : i32
      %dma_start3A_316 = tpu.memref_slice %arg3[%add3A_13, %dma_start3A_315] : memref<10000x128xf32, #tpu.memory_space<hbm>> -> memref<80x128xf32, #tpu.memory_space<hbm>>
      %dma_start3A_317 = arith.constant 0 : i32
      %dma_start3A_318 = arith.constant 0 : i32
      %dma_start3A_319 = tpu.memref_slice %arg9[%dma_start3A_317, %dma_start3A_318] : memref<128x128xf32, #tpu.memory_space<vmem>> -> memref<80x128xf32, #tpu.memory_space<vmem>>
      %dma_start3A_320 = arith.constant 0 : i32
      %dma_start3A_321 = tpu.memref_slice %arg3[%add3A_13, %dma_start3A_320] : memref<10000x128xf32, #tpu.memory_space<hbm>> -> memref<80x128xf32, #tpu.memory_space<hbm>>
      tpu.enqueue_dma source(%dma_start3A_321 : memref<80x128xf32, #tpu.memory_space<hbm>>) target(%dma_start3A_319 : memref<80x128xf32, #tpu.memory_space<vmem>>) target_semaphore(%run_scoped3A : memref<!tpu.dma_semaphore, #tpu.memory_space<semaphore_mem>>)
      %dma_wait3A_322 = arith.constant 0 : i32
      %dma_wait3A_323 = arith.constant 0 : i32
      %dma_wait3A_324 = tpu.memref_slice %arg9[%dma_wait3A_322, %dma_wait3A_323] : memref<128x128xf32, #tpu.memory_space<vmem>> -> memref<80x128xf32, #tpu.memory_space<vmem>>
      %dma_wait3A_325 = arith.constant 0 : i32
      %dma_wait3A_326 = tpu.memref_slice %arg3[%add3A_13, %dma_wait3A_325] : memref<10000x128xf32, #tpu.memory_space<hbm>> -> memref<80x128xf32, #tpu.memory_space<hbm>>
      %dma_wait3A_327 = arith.constant 0 : i32
      %dma_wait3A_328 = arith.constant 0 : i32
      %dma_wait3A_329 = tpu.memref_slice %arg9[%dma_wait3A_327, %dma_wait3A_328] : memref<128x128xf32, #tpu.memory_space<vmem>> -> memref<80x128xf32, #tpu.memory_space<vmem>>
      %dma_wait3A_330 = arith.constant 0 : i32
      %dma_wait3A_331 = tpu.memref_slice %arg3[%add3A_13, %dma_wait3A_330] : memref<10000x128xf32, #tpu.memory_space<hbm>> -> memref<80x128xf32, #tpu.memory_space<hbm>>
      tpu.wait_dma2 semaphore(%run_scoped3A : memref<!tpu.dma_semaphore, #tpu.memory_space<semaphore_mem>>) src(%dma_wait3A_331 : memref<80x128xf32, #tpu.memory_space<hbm>>) dst(%dma_wait3A_329 : memref<80x128xf32, #tpu.memory_space<vmem>>)
      tpu.yield
    }) : () -> ()
    %add3A_14 = arith.constant 160 : i32
    %add3A_15 = arith.addi %min3A_3, %add3A_14 : i32
    "tpu.region"() ({
      %run_scoped3A = tpu.sem_alloc : memref<!tpu.dma_semaphore, #tpu.memory_space<semaphore_mem>>
      %dma_start3A_312 = arith.constant 0 : i32
      %dma_start3A_313 = arith.constant 0 : i32
      %dma_start3A_314 = tpu.memref_slice %arg9[%dma_start3A_312, %dma_start3A_313] : memref<128x128xf32, #tpu.memory_space<vmem>> -> memref<80x128xf32, #tpu.memory_space<vmem>>
      %dma_start3A_315 = arith.constant 0 : i32
      %dma_start3A_316 = tpu.memref_slice %arg15[%add3A_15, %dma_start3A_315] : memref<10240x128xf32, #tpu.memory_space<vmem_shared>> -> memref<80x128xf32, #tpu.memory_space<vmem_shared>>
      %dma_start3A_317 = arith.constant 0 : i32
      %dma_start3A_318 = tpu.memref_slice %arg15[%add3A_15, %dma_start3A_317] : memref<10240x128xf32, #tpu.memory_space<vmem_shared>> -> memref<80x128xf32, #tpu.memory_space<vmem_shared>>
      %dma_start3A_319 = arith.constant 0 : i32
      %dma_start3A_320 = arith.constant 0 : i32
      %dma_start3A_321 = tpu.memref_slice %arg9[%dma_start3A_319, %dma_start3A_320] : memref<128x128xf32, #tpu.memory_space<vmem>> -> memref<80x128xf32, #tpu.memory_space<vmem>>
      tpu.enqueue_dma source(%dma_start3A_321 : memref<80x128xf32, #tpu.memory_space<vmem>>) target(%dma_start3A_318 : memref<80x128xf32, #tpu.memory_space<vmem_shared>>) target_semaphore(%run_scoped3A : memref<!tpu.dma_semaphore, #tpu.memory_space<semaphore_mem>>)
      %dma_wait3A_322 = arith.constant 0 : i32
      %dma_wait3A_323 = arith.constant 0 : i32
      %dma_wait3A_324 = tpu.memref_slice %arg9[%dma_wait3A_322, %dma_wait3A_323] : memref<128x128xf32, #tpu.memory_space<vmem>> -> memref<80x128xf32, #tpu.memory_space<vmem>>
      %dma_wait3A_325 = arith.constant 0 : i32
      %dma_wait3A_326 = tpu.memref_slice %arg15[%add3A_15, %dma_wait3A_325] : memref<10240x128xf32, #tpu.memory_space<vmem_shared>> -> memref<80x128xf32, #tpu.memory_space<vmem_shared>>
      %dma_wait3A_327 = arith.constant 0 : i32
      %dma_wait3A_328 = tpu.memref_slice %arg15[%add3A_15, %dma_wait3A_327] : memref<10240x128xf32, #tpu.memory_space<vmem_shared>> -> memref<80x128xf32, #tpu.memory_space<vmem_shared>>
      %dma_wait3A_329 = arith.constant 0 : i32
      %dma_wait3A_330 = arith.constant 0 : i32
      %dma_wait3A_331 = tpu.memref_slice %arg9[%dma_wait3A_329, %dma_wait3A_330] : memref<128x128xf32, #tpu.memory_space<vmem>> -> memref<80x128xf32, #tpu.memory_space<vmem>>
      tpu.wait_dma2 semaphore(%run_scoped3A : memref<!tpu.dma_semaphore, #tpu.memory_space<semaphore_mem>>) src(%dma_wait3A_331 : memref<80x128xf32, #tpu.memory_space<vmem>>) dst(%dma_wait3A_328 : memref<80x128xf32, #tpu.memory_space<vmem_shared>>)
      tpu.yield
    }) : () -> ()
    %add3A_16 = arith.constant 240 : i32
    %add3A_17 = arith.addi %min3A_3, %add3A_16 : i32
    "tpu.region"() ({
      %run_scoped3A = tpu.sem_alloc : memref<!tpu.dma_semaphore, #tpu.memory_space<semaphore_mem>>
      %dma_start3A_312 = arith.constant 0 : i32
      %dma_start3A_313 = arith.constant 0 : i32
      %dma_start3A_314 = tpu.memref_slice %arg9[%dma_start3A_312, %dma_start3A_313] : memref<128x128xf32, #tpu.memory_space<vmem>> -> memref<80x128xf32, #tpu.memory_space<vmem>>
      %dma_start3A_315 = arith.constant 0 : i32
      %dma_start3A_316 = tpu.memref_slice %arg3[%add3A_17, %dma_start3A_315] : memref<10000x128xf32, #tpu.memory_space<hbm>> -> memref<80x128xf32, #tpu.memory_space<hbm>>
      %dma_start3A_317 = arith.constant 0 : i32
      %dma_start3A_318 = arith.constant 0 : i32
      %dma_start3A_319 = tpu.memref_slice %arg9[%dma_start3A_317, %dma_start3A_318] : memref<128x128xf32, #tpu.memory_space<vmem>> -> memref<80x128xf32, #tpu.memory_space<vmem>>
      %dma_start3A_320 = arith.constant 0 : i32
      %dma_start3A_321 = tpu.memref_slice %arg3[%add3A_17, %dma_start3A_320] : memref<10000x128xf32, #tpu.memory_space<hbm>> -> memref<80x128xf32, #tpu.memory_space<hbm>>
      tpu.enqueue_dma source(%dma_start3A_321 : memref<80x128xf32, #tpu.memory_space<hbm>>) target(%dma_start3A_319 : memref<80x128xf32, #tpu.memory_space<vmem>>) target_semaphore(%run_scoped3A : memref<!tpu.dma_semaphore, #tpu.memory_space<semaphore_mem>>)
      %dma_wait3A_322 = arith.constant 0 : i32
      %dma_wait3A_323 = arith.constant 0 : i32
      %dma_wait3A_324 = tpu.memref_slice %arg9[%dma_wait3A_322, %dma_wait3A_323] : memref<128x128xf32, #tpu.memory_space<vmem>> -> memref<80x128xf32, #tpu.memory_space<vmem>>
      %dma_wait3A_325 = arith.constant 0 : i32
      %dma_wait3A_326 = tpu.memref_slice %arg3[%add3A_17, %dma_wait3A_325] : memref<10000x128xf32, #tpu.memory_space<hbm>> -> memref<80x128xf32, #tpu.memory_space<hbm>>
      %dma_wait3A_327 = arith.constant 0 : i32
      %dma_wait3A_328 = arith.constant 0 : i32
      %dma_wait3A_329 = tpu.memref_slice %arg9[%dma_wait3A_327, %dma_wait3A_328] : memref<128x128xf32, #tpu.memory_space<vmem>> -> memref<80x128xf32, #tpu.memory_space<vmem>>
      %dma_wait3A_330 = arith.constant 0 : i32
      %dma_wait3A_331 = tpu.memref_slice %arg3[%add3A_17, %dma_wait3A_330] : memref<10000x128xf32, #tpu.memory_space<hbm>> -> memref<80x128xf32, #tpu.memory_space<hbm>>
      tpu.wait_dma2 semaphore(%run_scoped3A : memref<!tpu.dma_semaphore, #tpu.memory_space<semaphore_mem>>) src(%dma_wait3A_331 : memref<80x128xf32, #tpu.memory_space<hbm>>) dst(%dma_wait3A_329 : memref<80x128xf32, #tpu.memory_space<vmem>>)
      tpu.yield
    }) : () -> ()
    %add3A_18 = arith.constant 240 : i32
    %add3A_19 = arith.addi %min3A_3, %add3A_18 : i32
    "tpu.region"() ({
      %run_scoped3A = tpu.sem_alloc : memref<!tpu.dma_semaphore, #tpu.memory_space<semaphore_mem>>
      %dma_start3A_312 = arith.constant 0 : i32
      %dma_start3A_313 = arith.constant 0 : i32
      %dma_start3A_314 = tpu.memref_slice %arg9[%dma_start3A_312, %dma_start3A_313] : memref<128x128xf32, #tpu.memory_space<vmem>> -> memref<80x128xf32, #tpu.memory_space<vmem>>
      %dma_start3A_315 = arith.constant 0 : i32
      %dma_start3A_316 = tpu.memref_slice %arg15[%add3A_19, %dma_start3A_315] : memref<10240x128xf32, #tpu.memory_space<vmem_shared>> -> memref<80x128xf32, #tpu.memory_space<vmem_shared>>
      %dma_start3A_317 = arith.constant 0 : i32
      %dma_start3A_318 = tpu.memref_slice %arg15[%add3A_19, %dma_start3A_317] : memref<10240x128xf32, #tpu.memory_space<vmem_shared>> -> memref<80x128xf32, #tpu.memory_space<vmem_shared>>
      %dma_start3A_319 = arith.constant 0 : i32
      %dma_start3A_320 = arith.constant 0 : i32
      %dma_start3A_321 = tpu.memref_slice %arg9[%dma_start3A_319, %dma_start3A_320] : memref<128x128xf32, #tpu.memory_space<vmem>> -> memref<80x128xf32, #tpu.memory_space<vmem>>
      tpu.enqueue_dma source(%dma_start3A_321 : memref<80x128xf32, #tpu.memory_space<vmem>>) target(%dma_start3A_318 : memref<80x128xf32, #tpu.memory_space<vmem_shared>>) target_semaphore(%run_scoped3A : memref<!tpu.dma_semaphore, #tpu.memory_space<semaphore_mem>>)
      %dma_wait3A_322 = arith.constant 0 : i32
      %dma_wait3A_323 = arith.constant 0 : i32
      %dma_wait3A_324 = tpu.memref_slice %arg9[%dma_wait3A_322, %dma_wait3A_323] : memref<128x128xf32, #tpu.memory_space<vmem>> -> memref<80x128xf32, #tpu.memory_space<vmem>>
      %dma_wait3A_325 = arith.constant 0 : i32
      %dma_wait3A_326 = tpu.memref_slice %arg15[%add3A_19, %dma_wait3A_325] : memref<10240x128xf32, #tpu.memory_space<vmem_shared>> -> memref<80x128xf32, #tpu.memory_space<vmem_shared>>
      %dma_wait3A_327 = arith.constant 0 : i32
      %dma_wait3A_328 = tpu.memref_slice %arg15[%add3A_19, %dma_wait3A_327] : memref<10240x128xf32, #tpu.memory_space<vmem_shared>> -> memref<80x128xf32, #tpu.memory_space<vmem_shared>>
      %dma_wait3A_329 = arith.constant 0 : i32
      %dma_wait3A_330 = arith.constant 0 : i32
      %dma_wait3A_331 = tpu.memref_slice %arg9[%dma_wait3A_329, %dma_wait3A_330] : memref<128x128xf32, #tpu.memory_space<vmem>> -> memref<80x128xf32, #tpu.memory_space<vmem>>
      tpu.wait_dma2 semaphore(%run_scoped3A : memref<!tpu.dma_semaphore, #tpu.memory_space<semaphore_mem>>) src(%dma_wait3A_331 : memref<80x128xf32, #tpu.memory_space<vmem>>) dst(%dma_wait3A_328 : memref<80x128xf32, #tpu.memory_space<vmem_shared>>)
      tpu.yield
    }) : () -> ()
    %add3A_20 = arith.constant 320 : i32
    %add3A_21 = arith.addi %min3A_3, %add3A_20 : i32
    "tpu.region"() ({
      %run_scoped3A = tpu.sem_alloc : memref<!tpu.dma_semaphore, #tpu.memory_space<semaphore_mem>>
      %dma_start3A_312 = arith.constant 0 : i32
      %dma_start3A_313 = arith.constant 0 : i32
      %dma_start3A_314 = tpu.memref_slice %arg9[%dma_start3A_312, %dma_start3A_313] : memref<128x128xf32, #tpu.memory_space<vmem>> -> memref<80x128xf32, #tpu.memory_space<vmem>>
      %dma_start3A_315 = arith.constant 0 : i32
      %dma_start3A_316 = tpu.memref_slice %arg3[%add3A_21, %dma_start3A_315] : memref<10000x128xf32, #tpu.memory_space<hbm>> -> memref<80x128xf32, #tpu.memory_space<hbm>>
      %dma_start3A_317 = arith.constant 0 : i32
      %dma_start3A_318 = arith.constant 0 : i32
      %dma_start3A_319 = tpu.memref_slice %arg9[%dma_start3A_317, %dma_start3A_318] : memref<128x128xf32, #tpu.memory_space<vmem>> -> memref<80x128xf32, #tpu.memory_space<vmem>>
      %dma_start3A_320 = arith.constant 0 : i32
      %dma_start3A_321 = tpu.memref_slice %arg3[%add3A_21, %dma_start3A_320] : memref<10000x128xf32, #tpu.memory_space<hbm>> -> memref<80x128xf32, #tpu.memory_space<hbm>>
      tpu.enqueue_dma source(%dma_start3A_321 : memref<80x128xf32, #tpu.memory_space<hbm>>) target(%dma_start3A_319 : memref<80x128xf32, #tpu.memory_space<vmem>>) target_semaphore(%run_scoped3A : memref<!tpu.dma_semaphore, #tpu.memory_space<semaphore_mem>>)
      %dma_wait3A_322 = arith.constant 0 : i32
      %dma_wait3A_323 = arith.constant 0 : i32
      %dma_wait3A_324 = tpu.memref_slice %arg9[%dma_wait3A_322, %dma_wait3A_323] : memref<128x128xf32, #tpu.memory_space<vmem>> -> memref<80x128xf32, #tpu.memory_space<vmem>>
      %dma_wait3A_325 = arith.constant 0 : i32
      %dma_wait3A_326 = tpu.memref_slice %arg3[%add3A_21, %dma_wait3A_325] : memref<10000x128xf32, #tpu.memory_space<hbm>> -> memref<80x128xf32, #tpu.memory_space<hbm>>
      %dma_wait3A_327 = arith.constant 0 : i32
      %dma_wait3A_328 = arith.constant 0 : i32
      %dma_wait3A_329 = tpu.memref_slice %arg9[%dma_wait3A_327, %dma_wait3A_328] : memref<128x128xf32, #tpu.memory_space<vmem>> -> memref<80x128xf32, #tpu.memory_space<vmem>>
      %dma_wait3A_330 = arith.constant 0 : i32
      %dma_wait3A_331 = tpu.memref_slice %arg3[%add3A_21, %dma_wait3A_330] : memref<10000x128xf32, #tpu.memory_space<hbm>> -> memref<80x128xf32, #tpu.memory_space<hbm>>
      tpu.wait_dma2 semaphore(%run_scoped3A : memref<!tpu.dma_semaphore, #tpu.memory_space<semaphore_mem>>) src(%dma_wait3A_331 : memref<80x128xf32, #tpu.memory_space<hbm>>) dst(%dma_wait3A_329 : memref<80x128xf32, #tpu.memory_space<vmem>>)
      tpu.yield
    }) : () -> ()
    %add3A_22 = arith.constant 320 : i32
    %add3A_23 = arith.addi %min3A_3, %add3A_22 : i32
    "tpu.region"() ({
      %run_scoped3A = tpu.sem_alloc : memref<!tpu.dma_semaphore, #tpu.memory_space<semaphore_mem>>
      %dma_start3A_312 = arith.constant 0 : i32
      %dma_start3A_313 = arith.constant 0 : i32
      %dma_start3A_314 = tpu.memref_slice %arg9[%dma_start3A_312, %dma_start3A_313] : memref<128x128xf32, #tpu.memory_space<vmem>> -> memref<80x128xf32, #tpu.memory_space<vmem>>
      %dma_start3A_315 = arith.constant 0 : i32
      %dma_start3A_316 = tpu.memref_slice %arg15[%add3A_23, %dma_start3A_315] : memref<10240x128xf32, #tpu.memory_space<vmem_shared>> -> memref<80x128xf32, #tpu.memory_space<vmem_shared>>
      %dma_start3A_317 = arith.constant 0 : i32
      %dma_start3A_318 = tpu.memref_slice %arg15[%add3A_23, %dma_start3A_317] : memref<10240x128xf32, #tpu.memory_space<vmem_shared>> -> memref<80x128xf32, #tpu.memory_space<vmem_shared>>
      %dma_start3A_319 = arith.constant 0 : i32
      %dma_start3A_320 = arith.constant 0 : i32
      %dma_start3A_321 = tpu.memref_slice %arg9[%dma_start3A_319, %dma_start3A_320] : memref<128x128xf32, #tpu.memory_space<vmem>> -> memref<80x128xf32, #tpu.memory_space<vmem>>
      tpu.enqueue_dma source(%dma_start3A_321 : memref<80x128xf32, #tpu.memory_space<vmem>>) target(%dma_start3A_318 : memref<80x128xf32, #tpu.memory_space<vmem_shared>>) target_semaphore(%run_scoped3A : memref<!tpu.dma_semaphore, #tpu.memory_space<semaphore_mem>>)
      %dma_wait3A_322 = arith.constant 0 : i32
      %dma_wait3A_323 = arith.constant 0 : i32
      %dma_wait3A_324 = tpu.memref_slice %arg9[%dma_wait3A_322, %dma_wait3A_323] : memref<128x128xf32, #tpu.memory_space<vmem>> -> memref<80x128xf32, #tpu.memory_space<vmem>>
      %dma_wait3A_325 = arith.constant 0 : i32
      %dma_wait3A_326 = tpu.memref_slice %arg15[%add3A_23, %dma_wait3A_325] : memref<10240x128xf32, #tpu.memory_space<vmem_shared>> -> memref<80x128xf32, #tpu.memory_space<vmem_shared>>
      %dma_wait3A_327 = arith.constant 0 : i32
      %dma_wait3A_328 = tpu.memref_slice %arg15[%add3A_23, %dma_wait3A_327] : memref<10240x128xf32, #tpu.memory_space<vmem_shared>> -> memref<80x128xf32, #tpu.memory_space<vmem_shared>>
      %dma_wait3A_329 = arith.constant 0 : i32
      %dma_wait3A_330 = arith.constant 0 : i32
      %dma_wait3A_331 = tpu.memref_slice %arg9[%dma_wait3A_329, %dma_wait3A_330] : memref<128x128xf32, #tpu.memory_space<vmem>> -> memref<80x128xf32, #tpu.memory_space<vmem>>
      tpu.wait_dma2 semaphore(%run_scoped3A : memref<!tpu.dma_semaphore, #tpu.memory_space<semaphore_mem>>) src(%dma_wait3A_331 : memref<80x128xf32, #tpu.memory_space<vmem>>) dst(%dma_wait3A_328 : memref<80x128xf32, #tpu.memory_space<vmem_shared>>)
      tpu.yield
    }) : () -> ()
    %add3A_24 = arith.constant 400 : i32
    %add3A_25 = arith.addi %min3A_3, %add3A_24 : i32
    "tpu.region"() ({
      %run_scoped3A = tpu.sem_alloc : memref<!tpu.dma_semaphore, #tpu.memory_space<semaphore_mem>>
      %dma_start3A_312 = arith.constant 0 : i32
      %dma_start3A_313 = arith.constant 0 : i32
      %dma_start3A_314 = tpu.memref_slice %arg9[%dma_start3A_312, %dma_start3A_313] : memref<128x128xf32, #tpu.memory_space<vmem>> -> memref<80x128xf32, #tpu.memory_space<vmem>>
      %dma_start3A_315 = arith.constant 0 : i32
      %dma_start3A_316 = tpu.memref_slice %arg3[%add3A_25, %dma_start3A_315] : memref<10000x128xf32, #tpu.memory_space<hbm>> -> memref<80x128xf32, #tpu.memory_space<hbm>>
      %dma_start3A_317 = arith.constant 0 : i32
      %dma_start3A_318 = arith.constant 0 : i32
      %dma_start3A_319 = tpu.memref_slice %arg9[%dma_start3A_317, %dma_start3A_318] : memref<128x128xf32, #tpu.memory_space<vmem>> -> memref<80x128xf32, #tpu.memory_space<vmem>>
      %dma_start3A_320 = arith.constant 0 : i32
      %dma_start3A_321 = tpu.memref_slice %arg3[%add3A_25, %dma_start3A_320] : memref<10000x128xf32, #tpu.memory_space<hbm>> -> memref<80x128xf32, #tpu.memory_space<hbm>>
      tpu.enqueue_dma source(%dma_start3A_321 : memref<80x128xf32, #tpu.memory_space<hbm>>) target(%dma_start3A_319 : memref<80x128xf32, #tpu.memory_space<vmem>>) target_semaphore(%run_scoped3A : memref<!tpu.dma_semaphore, #tpu.memory_space<semaphore_mem>>)
      %dma_wait3A_322 = arith.constant 0 : i32
      %dma_wait3A_323 = arith.constant 0 : i32
      %dma_wait3A_324 = tpu.memref_slice %arg9[%dma_wait3A_322, %dma_wait3A_323] : memref<128x128xf32, #tpu.memory_space<vmem>> -> memref<80x128xf32, #tpu.memory_space<vmem>>
      %dma_wait3A_325 = arith.constant 0 : i32
      %dma_wait3A_326 = tpu.memref_slice %arg3[%add3A_25, %dma_wait3A_325] : memref<10000x128xf32, #tpu.memory_space<hbm>> -> memref<80x128xf32, #tpu.memory_space<hbm>>
      %dma_wait3A_327 = arith.constant 0 : i32
      %dma_wait3A_328 = arith.constant 0 : i32
      %dma_wait3A_329 = tpu.memref_slice %arg9[%dma_wait3A_327, %dma_wait3A_328] : memref<128x128xf32, #tpu.memory_space<vmem>> -> memref<80x128xf32, #tpu.memory_space<vmem>>
      %dma_wait3A_330 = arith.constant 0 : i32
      %dma_wait3A_331 = tpu.memref_slice %arg3[%add3A_25, %dma_wait3A_330] : memref<10000x128xf32, #tpu.memory_space<hbm>> -> memref<80x128xf32, #tpu.memory_space<hbm>>
      tpu.wait_dma2 semaphore(%run_scoped3A : memref<!tpu.dma_semaphore, #tpu.memory_space<semaphore_mem>>) src(%dma_wait3A_331 : memref<80x128xf32, #tpu.memory_space<hbm>>) dst(%dma_wait3A_329 : memref<80x128xf32, #tpu.memory_space<vmem>>)
      tpu.yield
    }) : () -> ()
    %add3A_26 = arith.constant 400 : i32
    %add3A_27 = arith.addi %min3A_3, %add3A_26 : i32
    "tpu.region"() ({
      %run_scoped3A = tpu.sem_alloc : memref<!tpu.dma_semaphore, #tpu.memory_space<semaphore_mem>>
      %dma_start3A_312 = arith.constant 0 : i32
      %dma_start3A_313 = arith.constant 0 : i32
      %dma_start3A_314 = tpu.memref_slice %arg9[%dma_start3A_312, %dma_start3A_313] : memref<128x128xf32, #tpu.memory_space<vmem>> -> memref<80x128xf32, #tpu.memory_space<vmem>>
      %dma_start3A_315 = arith.constant 0 : i32
      %dma_start3A_316 = tpu.memref_slice %arg15[%add3A_27, %dma_start3A_315] : memref<10240x128xf32, #tpu.memory_space<vmem_shared>> -> memref<80x128xf32, #tpu.memory_space<vmem_shared>>
      %dma_start3A_317 = arith.constant 0 : i32
      %dma_start3A_318 = tpu.memref_slice %arg15[%add3A_27, %dma_start3A_317] : memref<10240x128xf32, #tpu.memory_space<vmem_shared>> -> memref<80x128xf32, #tpu.memory_space<vmem_shared>>
      %dma_start3A_319 = arith.constant 0 : i32
      %dma_start3A_320 = arith.constant 0 : i32
      %dma_start3A_321 = tpu.memref_slice %arg9[%dma_start3A_319, %dma_start3A_320] : memref<128x128xf32, #tpu.memory_space<vmem>> -> memref<80x128xf32, #tpu.memory_space<vmem>>
      tpu.enqueue_dma source(%dma_start3A_321 : memref<80x128xf32, #tpu.memory_space<vmem>>) target(%dma_start3A_318 : memref<80x128xf32, #tpu.memory_space<vmem_shared>>) target_semaphore(%run_scoped3A : memref<!tpu.dma_semaphore, #tpu.memory_space<semaphore_mem>>)
      %dma_wait3A_322 = arith.constant 0 : i32
      %dma_wait3A_323 = arith.constant 0 : i32
      %dma_wait3A_324 = tpu.memref_slice %arg9[%dma_wait3A_322, %dma_wait3A_323] : memref<128x128xf32, #tpu.memory_space<vmem>> -> memref<80x128xf32, #tpu.memory_space<vmem>>
      %dma_wait3A_325 = arith.constant 0 : i32
      %dma_wait3A_326 = tpu.memref_slice %arg15[%add3A_27, %dma_wait3A_325] : memref<10240x128xf32, #tpu.memory_space<vmem_shared>> -> memref<80x128xf32, #tpu.memory_space<vmem_shared>>
      %dma_wait3A_327 = arith.constant 0 : i32
      %dma_wait3A_328 = tpu.memref_slice %arg15[%add3A_27, %dma_wait3A_327] : memref<10240x128xf32, #tpu.memory_space<vmem_shared>> -> memref<80x128xf32, #tpu.memory_space<vmem_shared>>
      %dma_wait3A_329 = arith.constant 0 : i32
      %dma_wait3A_330 = arith.constant 0 : i32
      %dma_wait3A_331 = tpu.memref_slice %arg9[%dma_wait3A_329, %dma_wait3A_330] : memref<128x128xf32, #tpu.memory_space<vmem>> -> memref<80x128xf32, #tpu.memory_space<vmem>>
      tpu.wait_dma2 semaphore(%run_scoped3A : memref<!tpu.dma_semaphore, #tpu.memory_space<semaphore_mem>>) src(%dma_wait3A_331 : memref<80x128xf32, #tpu.memory_space<vmem>>) dst(%dma_wait3A_328 : memref<80x128xf32, #tpu.memory_space<vmem_shared>>)
      tpu.yield
    }) : () -> ()
    %add3A_28 = arith.constant 480 : i32
    %add3A_29 = arith.addi %min3A_3, %add3A_28 : i32
    "tpu.region"() ({
      %run_scoped3A = tpu.sem_alloc : memref<!tpu.dma_semaphore, #tpu.memory_space<semaphore_mem>>
      %dma_start3A_312 = arith.constant 0 : i32
      %dma_start3A_313 = arith.constant 0 : i32
      %dma_start3A_314 = tpu.memref_slice %arg9[%dma_start3A_312, %dma_start3A_313] : memref<128x128xf32, #tpu.memory_space<vmem>> -> memref<80x128xf32, #tpu.memory_space<vmem>>
      %dma_start3A_315 = arith.constant 0 : i32
      %dma_start3A_316 = tpu.memref_slice %arg3[%add3A_29, %dma_start3A_315] : memref<10000x128xf32, #tpu.memory_space<hbm>> -> memref<80x128xf32, #tpu.memory_space<hbm>>
      %dma_start3A_317 = arith.constant 0 : i32
      %dma_start3A_318 = arith.constant 0 : i32
      %dma_start3A_319 = tpu.memref_slice %arg9[%dma_start3A_317, %dma_start3A_318] : memref<128x128xf32, #tpu.memory_space<vmem>> -> memref<80x128xf32, #tpu.memory_space<vmem>>
      %dma_start3A_320 = arith.constant 0 : i32
      %dma_start3A_321 = tpu.memref_slice %arg3[%add3A_29, %dma_start3A_320] : memref<10000x128xf32, #tpu.memory_space<hbm>> -> memref<80x128xf32, #tpu.memory_space<hbm>>
      tpu.enqueue_dma source(%dma_start3A_321 : memref<80x128xf32, #tpu.memory_space<hbm>>) target(%dma_start3A_319 : memref<80x128xf32, #tpu.memory_space<vmem>>) target_semaphore(%run_scoped3A : memref<!tpu.dma_semaphore, #tpu.memory_space<semaphore_mem>>)
      %dma_wait3A_322 = arith.constant 0 : i32
      %dma_wait3A_323 = arith.constant 0 : i32
      %dma_wait3A_324 = tpu.memref_slice %arg9[%dma_wait3A_322, %dma_wait3A_323] : memref<128x128xf32, #tpu.memory_space<vmem>> -> memref<80x128xf32, #tpu.memory_space<vmem>>
      %dma_wait3A_325 = arith.constant 0 : i32
      %dma_wait3A_326 = tpu.memref_slice %arg3[%add3A_29, %dma_wait3A_325] : memref<10000x128xf32, #tpu.memory_space<hbm>> -> memref<80x128xf32, #tpu.memory_space<hbm>>
      %dma_wait3A_327 = arith.constant 0 : i32
      %dma_wait3A_328 = arith.constant 0 : i32
      %dma_wait3A_329 = tpu.memref_slice %arg9[%dma_wait3A_327, %dma_wait3A_328] : memref<128x128xf32, #tpu.memory_space<vmem>> -> memref<80x128xf32, #tpu.memory_space<vmem>>
      %dma_wait3A_330 = arith.constant 0 : i32
      %dma_wait3A_331 = tpu.memref_slice %arg3[%add3A_29, %dma_wait3A_330] : memref<10000x128xf32, #tpu.memory_space<hbm>> -> memref<80x128xf32, #tpu.memory_space<hbm>>
      tpu.wait_dma2 semaphore(%run_scoped3A : memref<!tpu.dma_semaphore, #tpu.memory_space<semaphore_mem>>) src(%dma_wait3A_331 : memref<80x128xf32, #tpu.memory_space<hbm>>) dst(%dma_wait3A_329 : memref<80x128xf32, #tpu.memory_space<vmem>>)
      tpu.yield
    }) : () -> ()
    %add3A_30 = arith.constant 480 : i32
    %add3A_31 = arith.addi %min3A_3, %add3A_30 : i32
    "tpu.region"() ({
      %run_scoped3A = tpu.sem_alloc : memref<!tpu.dma_semaphore, #tpu.memory_space<semaphore_mem>>
      %dma_start3A_312 = arith.constant 0 : i32
      %dma_start3A_313 = arith.constant 0 : i32
      %dma_start3A_314 = tpu.memref_slice %arg9[%dma_start3A_312, %dma_start3A_313] : memref<128x128xf32, #tpu.memory_space<vmem>> -> memref<80x128xf32, #tpu.memory_space<vmem>>
      %dma_start3A_315 = arith.constant 0 : i32
      %dma_start3A_316 = tpu.memref_slice %arg15[%add3A_31, %dma_start3A_315] : memref<10240x128xf32, #tpu.memory_space<vmem_shared>> -> memref<80x128xf32, #tpu.memory_space<vmem_shared>>
      %dma_start3A_317 = arith.constant 0 : i32
      %dma_start3A_318 = tpu.memref_slice %arg15[%add3A_31, %dma_start3A_317] : memref<10240x128xf32, #tpu.memory_space<vmem_shared>> -> memref<80x128xf32, #tpu.memory_space<vmem_shared>>
      %dma_start3A_319 = arith.constant 0 : i32
      %dma_start3A_320 = arith.constant 0 : i32
      %dma_start3A_321 = tpu.memref_slice %arg9[%dma_start3A_319, %dma_start3A_320] : memref<128x128xf32, #tpu.memory_space<vmem>> -> memref<80x128xf32, #tpu.memory_space<vmem>>
      tpu.enqueue_dma source(%dma_start3A_321 : memref<80x128xf32, #tpu.memory_space<vmem>>) target(%dma_start3A_318 : memref<80x128xf32, #tpu.memory_space<vmem_shared>>) target_semaphore(%run_scoped3A : memref<!tpu.dma_semaphore, #tpu.memory_space<semaphore_mem>>)
      %dma_wait3A_322 = arith.constant 0 : i32
      %dma_wait3A_323 = arith.constant 0 : i32
      %dma_wait3A_324 = tpu.memref_slice %arg9[%dma_wait3A_322, %dma_wait3A_323] : memref<128x128xf32, #tpu.memory_space<vmem>> -> memref<80x128xf32, #tpu.memory_space<vmem>>
      %dma_wait3A_325 = arith.constant 0 : i32
      %dma_wait3A_326 = tpu.memref_slice %arg15[%add3A_31, %dma_wait3A_325] : memref<10240x128xf32, #tpu.memory_space<vmem_shared>> -> memref<80x128xf32, #tpu.memory_space<vmem_shared>>
      %dma_wait3A_327 = arith.constant 0 : i32
      %dma_wait3A_328 = tpu.memref_slice %arg15[%add3A_31, %dma_wait3A_327] : memref<10240x128xf32, #tpu.memory_space<vmem_shared>> -> memref<80x128xf32, #tpu.memory_space<vmem_shared>>
      %dma_wait3A_329 = arith.constant 0 : i32
      %dma_wait3A_330 = arith.constant 0 : i32
      %dma_wait3A_331 = tpu.memref_slice %arg9[%dma_wait3A_329, %dma_wait3A_330] : memref<128x128xf32, #tpu.memory_space<vmem>> -> memref<80x128xf32, #tpu.memory_space<vmem>>
      tpu.wait_dma2 semaphore(%run_scoped3A : memref<!tpu.dma_semaphore, #tpu.memory_space<semaphore_mem>>) src(%dma_wait3A_331 : memref<80x128xf32, #tpu.memory_space<vmem>>) dst(%dma_wait3A_328 : memref<80x128xf32, #tpu.memory_space<vmem_shared>>)
      tpu.yield
    }) : () -> ()
    %add3A_32 = arith.constant 560 : i32
    %add3A_33 = arith.addi %min3A_3, %add3A_32 : i32
    "tpu.region"() ({
      %run_scoped3A = tpu.sem_alloc : memref<!tpu.dma_semaphore, #tpu.memory_space<semaphore_mem>>
      %dma_start3A_312 = arith.constant 0 : i32
      %dma_start3A_313 = arith.constant 0 : i32
      %dma_start3A_314 = tpu.memref_slice %arg9[%dma_start3A_312, %dma_start3A_313] : memref<128x128xf32, #tpu.memory_space<vmem>> -> memref<80x128xf32, #tpu.memory_space<vmem>>
      %dma_start3A_315 = arith.constant 0 : i32
      %dma_start3A_316 = tpu.memref_slice %arg3[%add3A_33, %dma_start3A_315] : memref<10000x128xf32, #tpu.memory_space<hbm>> -> memref<80x128xf32, #tpu.memory_space<hbm>>
      %dma_start3A_317 = arith.constant 0 : i32
      %dma_start3A_318 = arith.constant 0 : i32
      %dma_start3A_319 = tpu.memref_slice %arg9[%dma_start3A_317, %dma_start3A_318] : memref<128x128xf32, #tpu.memory_space<vmem>> -> memref<80x128xf32, #tpu.memory_space<vmem>>
      %dma_start3A_320 = arith.constant 0 : i32
      %dma_start3A_321 = tpu.memref_slice %arg3[%add3A_33, %dma_start3A_320] : memref<10000x128xf32, #tpu.memory_space<hbm>> -> memref<80x128xf32, #tpu.memory_space<hbm>>
      tpu.enqueue_dma source(%dma_start3A_321 : memref<80x128xf32, #tpu.memory_space<hbm>>) target(%dma_start3A_319 : memref<80x128xf32, #tpu.memory_space<vmem>>) target_semaphore(%run_scoped3A : memref<!tpu.dma_semaphore, #tpu.memory_space<semaphore_mem>>)
      %dma_wait3A_322 = arith.constant 0 : i32
      %dma_wait3A_323 = arith.constant 0 : i32
      %dma_wait3A_324 = tpu.memref_slice %arg9[%dma_wait3A_322, %dma_wait3A_323] : memref<128x128xf32, #tpu.memory_space<vmem>> -> memref<80x128xf32, #tpu.memory_space<vmem>>
      %dma_wait3A_325 = arith.constant 0 : i32
      %dma_wait3A_326 = tpu.memref_slice %arg3[%add3A_33, %dma_wait3A_325] : memref<10000x128xf32, #tpu.memory_space<hbm>> -> memref<80x128xf32, #tpu.memory_space<hbm>>
      %dma_wait3A_327 = arith.constant 0 : i32
      %dma_wait3A_328 = arith.constant 0 : i32
      %dma_wait3A_329 = tpu.memref_slice %arg9[%dma_wait3A_327, %dma_wait3A_328] : memref<128x128xf32, #tpu.memory_space<vmem>> -> memref<80x128xf32, #tpu.memory_space<vmem>>
      %dma_wait3A_330 = arith.constant 0 : i32
      %dma_wait3A_331 = tpu.memref_slice %arg3[%add3A_33, %dma_wait3A_330] : memref<10000x128xf32, #tpu.memory_space<hbm>> -> memref<80x128xf32, #tpu.memory_space<hbm>>
      tpu.wait_dma2 semaphore(%run_scoped3A : memref<!tpu.dma_semaphore, #tpu.memory_space<semaphore_mem>>) src(%dma_wait3A_331 : memref<80x128xf32, #tpu.memory_space<hbm>>) dst(%dma_wait3A_329 : memref<80x128xf32, #tpu.memory_space<vmem>>)
      tpu.yield
    }) : () -> ()
    %add3A_34 = arith.constant 560 : i32
    %add3A_35 = arith.addi %min3A_3, %add3A_34 : i32
    "tpu.region"() ({
      %run_scoped3A = tpu.sem_alloc : memref<!tpu.dma_semaphore, #tpu.memory_space<semaphore_mem>>
      %dma_start3A_312 = arith.constant 0 : i32
      %dma_start3A_313 = arith.constant 0 : i32
      %dma_start3A_314 = tpu.memref_slice %arg9[%dma_start3A_312, %dma_start3A_313] : memref<128x128xf32, #tpu.memory_space<vmem>> -> memref<80x128xf32, #tpu.memory_space<vmem>>
      %dma_start3A_315 = arith.constant 0 : i32
      %dma_start3A_316 = tpu.memref_slice %arg15[%add3A_35, %dma_start3A_315] : memref<10240x128xf32, #tpu.memory_space<vmem_shared>> -> memref<80x128xf32, #tpu.memory_space<vmem_shared>>
      %dma_start3A_317 = arith.constant 0 : i32
      %dma_start3A_318 = tpu.memref_slice %arg15[%add3A_35, %dma_start3A_317] : memref<10240x128xf32, #tpu.memory_space<vmem_shared>> -> memref<80x128xf32, #tpu.memory_space<vmem_shared>>
      %dma_start3A_319 = arith.constant 0 : i32
      %dma_start3A_320 = arith.constant 0 : i32
      %dma_start3A_321 = tpu.memref_slice %arg9[%dma_start3A_319, %dma_start3A_320] : memref<128x128xf32, #tpu.memory_space<vmem>> -> memref<80x128xf32, #tpu.memory_space<vmem>>
      tpu.enqueue_dma source(%dma_start3A_321 : memref<80x128xf32, #tpu.memory_space<vmem>>) target(%dma_start3A_318 : memref<80x128xf32, #tpu.memory_space<vmem_shared>>) target_semaphore(%run_scoped3A : memref<!tpu.dma_semaphore, #tpu.memory_space<semaphore_mem>>)
      %dma_wait3A_322 = arith.constant 0 : i32
      %dma_wait3A_323 = arith.constant 0 : i32
      %dma_wait3A_324 = tpu.memref_slice %arg9[%dma_wait3A_322, %dma_wait3A_323] : memref<128x128xf32, #tpu.memory_space<vmem>> -> memref<80x128xf32, #tpu.memory_space<vmem>>
      %dma_wait3A_325 = arith.constant 0 : i32
      %dma_wait3A_326 = tpu.memref_slice %arg15[%add3A_35, %dma_wait3A_325] : memref<10240x128xf32, #tpu.memory_space<vmem_shared>> -> memref<80x128xf32, #tpu.memory_space<vmem_shared>>
      %dma_wait3A_327 = arith.constant 0 : i32
      %dma_wait3A_328 = tpu.memref_slice %arg15[%add3A_35, %dma_wait3A_327] : memref<10240x128xf32, #tpu.memory_space<vmem_shared>> -> memref<80x128xf32, #tpu.memory_space<vmem_shared>>
      %dma_wait3A_329 = arith.constant 0 : i32
      %dma_wait3A_330 = arith.constant 0 : i32
      %dma_wait3A_331 = tpu.memref_slice %arg9[%dma_wait3A_329, %dma_wait3A_330] : memref<128x128xf32, #tpu.memory_space<vmem>> -> memref<80x128xf32, #tpu.memory_space<vmem>>
      tpu.wait_dma2 semaphore(%run_scoped3A : memref<!tpu.dma_semaphore, #tpu.memory_space<semaphore_mem>>) src(%dma_wait3A_331 : memref<80x128xf32, #tpu.memory_space<vmem>>) dst(%dma_wait3A_328 : memref<80x128xf32, #tpu.memory_space<vmem_shared>>)
      tpu.yield
    }) : () -> ()
    %barrier3A = arith.constant 0 : index
    tpu.barrier barrier_id(%barrier3A)
    "tpu.region"() ({
      %run_scoped3A = tpu.sem_alloc : memref<!tpu.dma_semaphore, #tpu.memory_space<semaphore_mem>>
      %dma_start3A_312 = arith.constant 0 : i32
      %dma_start3A_313 = arith.constant 0 : i32
      %dma_start3A_314 = tpu.memref_slice %arg4[%add3A, %dma_start3A_312, %dma_start3A_313] : memref<32x80x128xi32, #tpu.memory_space<hbm>> -> memref<1x40x128xi32, #tpu.memory_space<hbm>>
      %dma_start3A_315 = tpu.memref_squeeze %dma_start3A_314 : memref<1x40x128xi32, #tpu.memory_space<hbm>> -> memref<40x128xi32, #tpu.memory_space<hbm>>
      %dma_start3A_316 = arith.constant 0 : i32
      %dma_start3A_317 = arith.constant 0 : i32
      %dma_start3A_318 = tpu.memref_slice %arg4[%add3A, %dma_start3A_316, %dma_start3A_317] : memref<32x80x128xi32, #tpu.memory_space<hbm>> -> memref<1x40x128xi32, #tpu.memory_space<hbm>>
      %dma_start3A_319 = tpu.memref_squeeze %dma_start3A_318 : memref<1x40x128xi32, #tpu.memory_space<hbm>> -> memref<40x128xi32, #tpu.memory_space<hbm>>
      tpu.enqueue_dma source(%dma_start3A_319 : memref<40x128xi32, #tpu.memory_space<hbm>>) target(%arg7 : memref<40x128xi32, #tpu.memory_space<vmem>>) target_semaphore(%run_scoped3A : memref<!tpu.dma_semaphore, #tpu.memory_space<semaphore_mem>>)
      %dma_wait3A_320 = arith.constant 0 : i32
      %dma_wait3A_321 = arith.constant 0 : i32
      %dma_wait3A_322 = tpu.memref_slice %arg4[%add3A, %dma_wait3A_320, %dma_wait3A_321] : memref<32x80x128xi32, #tpu.memory_space<hbm>> -> memref<1x40x128xi32, #tpu.memory_space<hbm>>
      %dma_wait3A_323 = tpu.memref_squeeze %dma_wait3A_322 : memref<1x40x128xi32, #tpu.memory_space<hbm>> -> memref<40x128xi32, #tpu.memory_space<hbm>>
      %dma_wait3A_324 = arith.constant 0 : i32
      %dma_wait3A_325 = arith.constant 0 : i32
      %dma_wait3A_326 = tpu.memref_slice %arg4[%add3A, %dma_wait3A_324, %dma_wait3A_325] : memref<32x80x128xi32, #tpu.memory_space<hbm>> -> memref<1x40x128xi32, #tpu.memory_space<hbm>>
      %dma_wait3A_327 = tpu.memref_squeeze %dma_wait3A_326 : memref<1x40x128xi32, #tpu.memory_space<hbm>> -> memref<40x128xi32, #tpu.memory_space<hbm>>
      tpu.wait_dma2 semaphore(%run_scoped3A : memref<!tpu.dma_semaphore, #tpu.memory_space<semaphore_mem>>) src(%dma_wait3A_327 : memref<40x128xi32, #tpu.memory_space<hbm>>) dst(%arg7 : memref<40x128xi32, #tpu.memory_space<vmem>>)
      tpu.yield
    }) : () -> ()
    "tpu.region"() ({
      %run_scoped3A = tpu.sem_alloc : memref<!tpu.dma_semaphore, #tpu.memory_space<semaphore_mem>>
      %dma_start3A_312 = arith.constant 0 : i32
      %dma_start3A_313 = arith.constant 0 : i32
      %dma_start3A_314 = tpu.memref_slice %arg5[%add3A, %dma_start3A_312, %dma_start3A_313] : memref<32x80x128xi32, #tpu.memory_space<hbm>> -> memref<1x40x128xi32, #tpu.memory_space<hbm>>
      %dma_start3A_315 = tpu.memref_squeeze %dma_start3A_314 : memref<1x40x128xi32, #tpu.memory_space<hbm>> -> memref<40x128xi32, #tpu.memory_space<hbm>>
      %dma_start3A_316 = arith.constant 0 : i32
      %dma_start3A_317 = arith.constant 0 : i32
      %dma_start3A_318 = tpu.memref_slice %arg5[%add3A, %dma_start3A_316, %dma_start3A_317] : memref<32x80x128xi32, #tpu.memory_space<hbm>> -> memref<1x40x128xi32, #tpu.memory_space<hbm>>
      %dma_start3A_319 = tpu.memref_squeeze %dma_start3A_318 : memref<1x40x128xi32, #tpu.memory_space<hbm>> -> memref<40x128xi32, #tpu.memory_space<hbm>>
      tpu.enqueue_dma source(%dma_start3A_319 : memref<40x128xi32, #tpu.memory_space<hbm>>) target(%arg8 : memref<40x128xi32, #tpu.memory_space<vmem>>) target_semaphore(%run_scoped3A : memref<!tpu.dma_semaphore, #tpu.memory_space<semaphore_mem>>)
      %dma_wait3A_320 = arith.constant 0 : i32
      %dma_wait3A_321 = arith.constant 0 : i32
      %dma_wait3A_322 = tpu.memref_slice %arg5[%add3A, %dma_wait3A_320, %dma_wait3A_321] : memref<32x80x128xi32, #tpu.memory_space<hbm>> -> memref<1x40x128xi32, #tpu.memory_space<hbm>>
      %dma_wait3A_323 = tpu.memref_squeeze %dma_wait3A_322 : memref<1x40x128xi32, #tpu.memory_space<hbm>> -> memref<40x128xi32, #tpu.memory_space<hbm>>
      %dma_wait3A_324 = arith.constant 0 : i32
      %dma_wait3A_325 = arith.constant 0 : i32
      %dma_wait3A_326 = tpu.memref_slice %arg5[%add3A, %dma_wait3A_324, %dma_wait3A_325] : memref<32x80x128xi32, #tpu.memory_space<hbm>> -> memref<1x40x128xi32, #tpu.memory_space<hbm>>
      %dma_wait3A_327 = tpu.memref_squeeze %dma_wait3A_326 : memref<1x40x128xi32, #tpu.memory_space<hbm>> -> memref<40x128xi32, #tpu.memory_space<hbm>>
      tpu.wait_dma2 semaphore(%run_scoped3A : memref<!tpu.dma_semaphore, #tpu.memory_space<semaphore_mem>>) src(%dma_wait3A_327 : memref<40x128xi32, #tpu.memory_space<hbm>>) dst(%arg8 : memref<40x128xi32, #tpu.memory_space<vmem>>)
      tpu.yield
    }) : () -> ()
    %dma_start3A = arith.constant 0 : i32
    %dma_start3A_36 = arith.constant 0 : i32
    %dma_start3A_37 = tpu.memref_slice %arg7[%dma_start3A, %dma_start3A_36] : memref<40x128xi32, #tpu.memory_space<vmem>> -> memref<1x128xi32, #tpu.memory_space<vmem>>
    %dma_start3A_38 = tpu.memref_squeeze %dma_start3A_37 : memref<1x128xi32, #tpu.memory_space<vmem>> -> memref<128xi32, #tpu.memory_space<vmem>>
    %dma_start3A_39 = arith.constant 0 : i32
    %dma_start3A_40 = arith.constant 0 : i32
    %dma_start3A_41 = tpu.memref_slice %arg2[%dma_start3A_39, %dma_start3A_40] : memref<10000x128xf32, #tpu.memory_space<hbm>> -> memref<10000x128xf32, #tpu.memory_space<hbm>>
    tpu.enqueue_indirect_dma source(%dma_start3A_41 : memref<10000x128xf32, #tpu.memory_space<hbm>>) target(%arg9 : memref<128x128xf32, #tpu.memory_space<vmem>>) offsets(%dma_start3A_38 : memref<128xi32, #tpu.memory_space<vmem>>) semaphore(%arg11 : memref<!tpu.dma_semaphore, #tpu.memory_space<semaphore_mem>>)
    %scan3A = arith.constant 0 : i32
    %scan3A_42 = arith.constant 18 : i32
    %scan3A_43 = arith.addi %scan3A, %scan3A_42 : i32
    %scan3A_44 = arith.constant 2 : i32
    scf.for %scan3A_312 = %scan3A to %scan3A_43 step %scan3A_44  : i32 {
      %mul3A_313 = arith.constant 1 : i32
      %mul3A_314 = arith.muli %scan3A_312, %mul3A_313 : i32
      %add3A_315 = arith.constant 0 : i32
      %add3A_316 = arith.addi %add3A_315, %mul3A_314 : i32
      %mul3A_317 = arith.constant 2 : i32
      %mul3A_318 = arith.muli %mul3A_317, %add3A_316 : i32
      %mul3A_319 = arith.constant 2 : i32
      %mul3A_320 = arith.muli %mul3A_319, %add3A_316 : i32
      %add3A_321 = arith.constant 1 : i32
      %add3A_322 = arith.addi %mul3A_320, %add3A_321 : i32
      %dma_start3A_323 = arith.constant 0 : i32
      %dma_start3A_324 = tpu.memref_slice %arg7[%add3A_322, %dma_start3A_323] : memref<40x128xi32, #tpu.memory_space<vmem>> -> memref<1x128xi32, #tpu.memory_space<vmem>>
      %dma_start3A_325 = tpu.memref_squeeze %dma_start3A_324 : memref<1x128xi32, #tpu.memory_space<vmem>> -> memref<128xi32, #tpu.memory_space<vmem>>
      %dma_start3A_326 = arith.constant 0 : i32
      %dma_start3A_327 = arith.constant 0 : i32
      %dma_start3A_328 = tpu.memref_slice %arg2[%dma_start3A_326, %dma_start3A_327] : memref<10000x128xf32, #tpu.memory_space<hbm>> -> memref<10000x128xf32, #tpu.memory_space<hbm>>
      tpu.enqueue_indirect_dma source(%dma_start3A_328 : memref<10000x128xf32, #tpu.memory_space<hbm>>) target(%arg10 : memref<128x128xf32, #tpu.memory_space<vmem>>) offsets(%dma_start3A_325 : memref<128xi32, #tpu.memory_space<vmem>>) semaphore(%arg12 : memref<!tpu.dma_semaphore, #tpu.memory_space<semaphore_mem>>)
      %dma_wait3A_329 = arith.constant 0 : i32
      %dma_wait3A_330 = tpu.memref_slice %arg7[%mul3A_318, %dma_wait3A_329] : memref<40x128xi32, #tpu.memory_space<vmem>> -> memref<1x128xi32, #tpu.memory_space<vmem>>
      %dma_wait3A_331 = tpu.memref_squeeze %dma_wait3A_330 : memref<1x128xi32, #tpu.memory_space<vmem>> -> memref<128xi32, #tpu.memory_space<vmem>>
      %dma_wait3A_332 = arith.constant 0 : i32
      %dma_wait3A_333 = arith.constant 0 : i32
      %dma_wait3A_334 = tpu.memref_slice %arg2[%dma_wait3A_332, %dma_wait3A_333] : memref<10000x128xf32, #tpu.memory_space<hbm>> -> memref<10000x128xf32, #tpu.memory_space<hbm>>
      tpu.wait_indirect_dma semaphore(%arg11 : memref<!tpu.dma_semaphore, #tpu.memory_space<semaphore_mem>>) src(%dma_wait3A_334 : memref<10000x128xf32, #tpu.memory_space<hbm>>) dst(%arg9 : memref<128x128xf32, #tpu.memory_space<vmem>>)
      %dma_start3A_335 = arith.constant 0 : i32
      %dma_start3A_336 = tpu.memref_slice %arg8[%mul3A_318, %dma_start3A_335] : memref<40x128xi32, #tpu.memory_space<vmem>> -> memref<1x128xi32, #tpu.memory_space<vmem>>
      %dma_start3A_337 = tpu.memref_squeeze %dma_start3A_336 : memref<1x128xi32, #tpu.memory_space<vmem>> -> memref<128xi32, #tpu.memory_space<vmem>>
      %dma_start3A_338 = arith.constant 0 : i32
      %dma_start3A_339 = arith.constant 0 : i32
      %dma_start3A_340 = tpu.memref_slice %arg15[%dma_start3A_338, %dma_start3A_339] : memref<10240x128xf32, #tpu.memory_space<vmem_shared>> -> memref<10240x128xf32, #tpu.memory_space<vmem_shared>>
      tpu.enqueue_indirect_dma source(%arg9 : memref<128x128xf32, #tpu.memory_space<vmem>>) target(%dma_start3A_340 : memref<10240x128xf32, #tpu.memory_space<vmem_shared>>) offsets(%dma_start3A_337 : memref<128xi32, #tpu.memory_space<vmem>>) semaphore(%arg13 : memref<!tpu.dma_semaphore, #tpu.memory_space<semaphore_mem>>) {add = true}
      %dma_wait3A_341 = arith.constant 0 : i32
      %dma_wait3A_342 = tpu.memref_slice %arg7[%add3A_322, %dma_wait3A_341] : memref<40x128xi32, #tpu.memory_space<vmem>> -> memref<1x128xi32, #tpu.memory_space<vmem>>
      %dma_wait3A_343 = tpu.memref_squeeze %dma_wait3A_342 : memref<1x128xi32, #tpu.memory_space<vmem>> -> memref<128xi32, #tpu.memory_space<vmem>>
      %dma_wait3A_344 = arith.constant 0 : i32
      %dma_wait3A_345 = arith.constant 0 : i32
      %dma_wait3A_346 = tpu.memref_slice %arg2[%dma_wait3A_344, %dma_wait3A_345] : memref<10000x128xf32, #tpu.memory_space<hbm>> -> memref<10000x128xf32, #tpu.memory_space<hbm>>
      tpu.wait_indirect_dma semaphore(%arg12 : memref<!tpu.dma_semaphore, #tpu.memory_space<semaphore_mem>>) src(%dma_wait3A_346 : memref<10000x128xf32, #tpu.memory_space<hbm>>) dst(%arg10 : memref<128x128xf32, #tpu.memory_space<vmem>>)
      %dma_wait3A_347 = arith.constant 0 : i32
      %dma_wait3A_348 = tpu.memref_slice %arg8[%mul3A_318, %dma_wait3A_347] : memref<40x128xi32, #tpu.memory_space<vmem>> -> memref<1x128xi32, #tpu.memory_space<vmem>>
      %dma_wait3A_349 = tpu.memref_squeeze %dma_wait3A_348 : memref<1x128xi32, #tpu.memory_space<vmem>> -> memref<128xi32, #tpu.memory_space<vmem>>
      %dma_wait3A_350 = arith.constant 0 : i32
      %dma_wait3A_351 = arith.constant 0 : i32
      %dma_wait3A_352 = tpu.memref_slice %arg15[%dma_wait3A_350, %dma_wait3A_351] : memref<10240x128xf32, #tpu.memory_space<vmem_shared>> -> memref<10240x128xf32, #tpu.memory_space<vmem_shared>>
      tpu.wait_indirect_dma semaphore(%arg13 : memref<!tpu.dma_semaphore, #tpu.memory_space<semaphore_mem>>) src(%arg9 : memref<128x128xf32, #tpu.memory_space<vmem>>) dst(%dma_wait3A_352 : memref<10240x128xf32, #tpu.memory_space<vmem_shared>>)
      %add3A_353 = arith.constant 2 : i32
      %add3A_354 = arith.addi %mul3A_318, %add3A_353 : i32
      %dma_start3A_355 = arith.constant 0 : i32
      %dma_start3A_356 = tpu.memref_slice %arg7[%add3A_354, %dma_start3A_355] : memref<40x128xi32, #tpu.memory_space<vmem>> -> memref<1x128xi32, #tpu.memory_space<vmem>>
      %dma_start3A_357 = tpu.memref_squeeze %dma_start3A_356 : memref<1x128xi32, #tpu.memory_space<vmem>> -> memref<128xi32, #tpu.memory_space<vmem>>
      %dma_start3A_358 = arith.constant 0 : i32
      %dma_start3A_359 = arith.constant 0 : i32
      %dma_start3A_360 = tpu.memref_slice %arg2[%dma_start3A_358, %dma_start3A_359] : memref<10000x128xf32, #tpu.memory_space<hbm>> -> memref<10000x128xf32, #tpu.memory_space<hbm>>
      tpu.enqueue_indirect_dma source(%dma_start3A_360 : memref<10000x128xf32, #tpu.memory_space<hbm>>) target(%arg9 : memref<128x128xf32, #tpu.memory_space<vmem>>) offsets(%dma_start3A_357 : memref<128xi32, #tpu.memory_space<vmem>>) semaphore(%arg11 : memref<!tpu.dma_semaphore, #tpu.memory_space<semaphore_mem>>)
      %dma_start3A_361 = arith.constant 0 : i32
      %dma_start3A_362 = tpu.memref_slice %arg8[%add3A_322, %dma_start3A_361] : memref<40x128xi32, #tpu.memory_space<vmem>> -> memref<1x128xi32, #tpu.memory_space<vmem>>
      %dma_start3A_363 = tpu.memref_squeeze %dma_start3A_362 : memref<1x128xi32, #tpu.memory_space<vmem>> -> memref<128xi32, #tpu.memory_space<vmem>>
      %dma_start3A_364 = arith.constant 0 : i32
      %dma_start3A_365 = arith.constant 0 : i32
      %dma_start3A_366 = tpu.memref_slice %arg15[%dma_start3A_364, %dma_start3A_365] : memref<10240x128xf32, #tpu.memory_space<vmem_shared>> -> memref<10240x128xf32, #tpu.memory_space<vmem_shared>>
      tpu.enqueue_indirect_dma source(%arg10 : memref<128x128xf32, #tpu.memory_space<vmem>>) target(%dma_start3A_366 : memref<10240x128xf32, #tpu.memory_space<vmem_shared>>) offsets(%dma_start3A_363 : memref<128xi32, #tpu.memory_space<vmem>>) semaphore(%arg14 : memref<!tpu.dma_semaphore, #tpu.memory_space<semaphore_mem>>) {add = true}
      %dma_wait3A_367 = arith.constant 0 : i32
      %dma_wait3A_368 = tpu.memref_slice %arg8[%add3A_322, %dma_wait3A_367] : memref<40x128xi32, #tpu.memory_space<vmem>> -> memref<1x128xi32, #tpu.memory_space<vmem>>
      %dma_wait3A_369 = tpu.memref_squeeze %dma_wait3A_368 : memref<1x128xi32, #tpu.memory_space<vmem>> -> memref<128xi32, #tpu.memory_space<vmem>>
      %dma_wait3A_370 = arith.constant 0 : i32
      %dma_wait3A_371 = arith.constant 0 : i32
      %dma_wait3A_372 = tpu.memref_slice %arg15[%dma_wait3A_370, %dma_wait3A_371] : memref<10240x128xf32, #tpu.memory_space<vmem_shared>> -> memref<10240x128xf32, #tpu.memory_space<vmem_shared>>
      tpu.wait_indirect_dma semaphore(%arg14 : memref<!tpu.dma_semaphore, #tpu.memory_space<semaphore_mem>>) src(%arg10 : memref<128x128xf32, #tpu.memory_space<vmem>>) dst(%dma_wait3A_372 : memref<10240x128xf32, #tpu.memory_space<vmem_shared>>)
      %scan3A_373 = arith.constant 1 : i32
      %scan3A_374 = arith.addi %scan3A_312, %scan3A_373 : i32
      %mul3A_375 = arith.constant 1 : i32
      %mul3A_376 = arith.muli %scan3A_374, %mul3A_375 : i32
      %add3A_377 = arith.constant 0 : i32
      %add3A_378 = arith.addi %add3A_377, %mul3A_376 : i32
      %mul3A_379 = arith.constant 2 : i32
      %mul3A_380 = arith.muli %mul3A_379, %add3A_378 : i32
      %mul3A_381 = arith.constant 2 : i32
      %mul3A_382 = arith.muli %mul3A_381, %add3A_378 : i32
      %add3A_383 = arith.constant 1 : i32
      %add3A_384 = arith.addi %mul3A_382, %add3A_383 : i32
      %dma_start3A_385 = arith.constant 0 : i32
      %dma_start3A_386 = tpu.memref_slice %arg7[%add3A_384, %dma_start3A_385] : memref<40x128xi32, #tpu.memory_space<vmem>> -> memref<1x128xi32, #tpu.memory_space<vmem>>
      %dma_start3A_387 = tpu.memref_squeeze %dma_start3A_386 : memref<1x128xi32, #tpu.memory_space<vmem>> -> memref<128xi32, #tpu.memory_space<vmem>>
      %dma_start3A_388 = arith.constant 0 : i32
      %dma_start3A_389 = arith.constant 0 : i32
      %dma_start3A_390 = tpu.memref_slice %arg2[%dma_start3A_388, %dma_start3A_389] : memref<10000x128xf32, #tpu.memory_space<hbm>> -> memref<10000x128xf32, #tpu.memory_space<hbm>>
      tpu.enqueue_indirect_dma source(%dma_start3A_390 : memref<10000x128xf32, #tpu.memory_space<hbm>>) target(%arg10 : memref<128x128xf32, #tpu.memory_space<vmem>>) offsets(%dma_start3A_387 : memref<128xi32, #tpu.memory_space<vmem>>) semaphore(%arg12 : memref<!tpu.dma_semaphore, #tpu.memory_space<semaphore_mem>>)
      %dma_wait3A_391 = arith.constant 0 : i32
      %dma_wait3A_392 = tpu.memref_slice %arg7[%mul3A_380, %dma_wait3A_391] : memref<40x128xi32, #tpu.memory_space<vmem>> -> memref<1x128xi32, #tpu.memory_space<vmem>>
      %dma_wait3A_393 = tpu.memref_squeeze %dma_wait3A_392 : memref<1x128xi32, #tpu.memory_space<vmem>> -> memref<128xi32, #tpu.memory_space<vmem>>
      %dma_wait3A_394 = arith.constant 0 : i32
      %dma_wait3A_395 = arith.constant 0 : i32
      %dma_wait3A_396 = tpu.memref_slice %arg2[%dma_wait3A_394, %dma_wait3A_395] : memref<10000x128xf32, #tpu.memory_space<hbm>> -> memref<10000x128xf32, #tpu.memory_space<hbm>>
      tpu.wait_indirect_dma semaphore(%arg11 : memref<!tpu.dma_semaphore, #tpu.memory_space<semaphore_mem>>) src(%dma_wait3A_396 : memref<10000x128xf32, #tpu.memory_space<hbm>>) dst(%arg9 : memref<128x128xf32, #tpu.memory_space<vmem>>)
      %dma_start3A_397 = arith.constant 0 : i32
      %dma_start3A_398 = tpu.memref_slice %arg8[%mul3A_380, %dma_start3A_397] : memref<40x128xi32, #tpu.memory_space<vmem>> -> memref<1x128xi32, #tpu.memory_space<vmem>>
      %dma_start3A_399 = tpu.memref_squeeze %dma_start3A_398 : memref<1x128xi32, #tpu.memory_space<vmem>> -> memref<128xi32, #tpu.memory_space<vmem>>
      %dma_start3A_400 = arith.constant 0 : i32
      %dma_start3A_401 = arith.constant 0 : i32
      %dma_start3A_402 = tpu.memref_slice %arg15[%dma_start3A_400, %dma_start3A_401] : memref<10240x128xf32, #tpu.memory_space<vmem_shared>> -> memref<10240x128xf32, #tpu.memory_space<vmem_shared>>
      tpu.enqueue_indirect_dma source(%arg9 : memref<128x128xf32, #tpu.memory_space<vmem>>) target(%dma_start3A_402 : memref<10240x128xf32, #tpu.memory_space<vmem_shared>>) offsets(%dma_start3A_399 : memref<128xi32, #tpu.memory_space<vmem>>) semaphore(%arg13 : memref<!tpu.dma_semaphore, #tpu.memory_space<semaphore_mem>>) {add = true}
      %dma_wait3A_403 = arith.constant 0 : i32
      %dma_wait3A_404 = tpu.memref_slice %arg7[%add3A_384, %dma_wait3A_403] : memref<40x128xi32, #tpu.memory_space<vmem>> -> memref<1x128xi32, #tpu.memory_space<vmem>>
      %dma_wait3A_405 = tpu.memref_squeeze %dma_wait3A_404 : memref<1x128xi32, #tpu.memory_space<vmem>> -> memref<128xi32, #tpu.memory_space<vmem>>
      %dma_wait3A_406 = arith.constant 0 : i32
      %dma_wait3A_407 = arith.constant 0 : i32
      %dma_wait3A_408 = tpu.memref_slice %arg2[%dma_wait3A_406, %dma_wait3A_407] : memref<10000x128xf32, #tpu.memory_space<hbm>> -> memref<10000x128xf32, #tpu.memory_space<hbm>>
      tpu.wait_indirect_dma semaphore(%arg12 : memref<!tpu.dma_semaphore, #tpu.memory_space<semaphore_mem>>) src(%dma_wait3A_408 : memref<10000x128xf32, #tpu.memory_space<hbm>>) dst(%arg10 : memref<128x128xf32, #tpu.memory_space<vmem>>)
      %dma_wait3A_409 = arith.constant 0 : i32
      %dma_wait3A_410 = tpu.memref_slice %arg8[%mul3A_380, %dma_wait3A_409] : memref<40x128xi32, #tpu.memory_space<vmem>> -> memref<1x128xi32, #tpu.memory_space<vmem>>
      %dma_wait3A_411 = tpu.memref_squeeze %dma_wait3A_410 : memref<1x128xi32, #tpu.memory_space<vmem>> -> memref<128xi32, #tpu.memory_space<vmem>>
      %dma_wait3A_412 = arith.constant 0 : i32
      %dma_wait3A_413 = arith.constant 0 : i32
      %dma_wait3A_414 = tpu.memref_slice %arg15[%dma_wait3A_412, %dma_wait3A_413] : memref<10240x128xf32, #tpu.memory_space<vmem_shared>> -> memref<10240x128xf32, #tpu.memory_space<vmem_shared>>
      tpu.wait_indirect_dma semaphore(%arg13 : memref<!tpu.dma_semaphore, #tpu.memory_space<semaphore_mem>>) src(%arg9 : memref<128x128xf32, #tpu.memory_space<vmem>>) dst(%dma_wait3A_414 : memref<10240x128xf32, #tpu.memory_space<vmem_shared>>)
      %add3A_415 = arith.constant 2 : i32
      %add3A_416 = arith.addi %mul3A_380, %add3A_415 : i32
      %dma_start3A_417 = arith.constant 0 : i32
      %dma_start3A_418 = tpu.memref_slice %arg7[%add3A_416, %dma_start3A_417] : memref<40x128xi32, #tpu.memory_space<vmem>> -> memref<1x128xi32, #tpu.memory_space<vmem>>
      %dma_start3A_419 = tpu.memref_squeeze %dma_start3A_418 : memref<1x128xi32, #tpu.memory_space<vmem>> -> memref<128xi32, #tpu.memory_space<vmem>>
      %dma_start3A_420 = arith.constant 0 : i32
      %dma_start3A_421 = arith.constant 0 : i32
      %dma_start3A_422 = tpu.memref_slice %arg2[%dma_start3A_420, %dma_start3A_421] : memref<10000x128xf32, #tpu.memory_space<hbm>> -> memref<10000x128xf32, #tpu.memory_space<hbm>>
      tpu.enqueue_indirect_dma source(%dma_start3A_422 : memref<10000x128xf32, #tpu.memory_space<hbm>>) target(%arg9 : memref<128x128xf32, #tpu.memory_space<vmem>>) offsets(%dma_start3A_419 : memref<128xi32, #tpu.memory_space<vmem>>) semaphore(%arg11 : memref<!tpu.dma_semaphore, #tpu.memory_space<semaphore_mem>>)
      %dma_start3A_423 = arith.constant 0 : i32
      %dma_start3A_424 = tpu.memref_slice %arg8[%add3A_384, %dma_start3A_423] : memref<40x128xi32, #tpu.memory_space<vmem>> -> memref<1x128xi32, #tpu.memory_space<vmem>>
      %dma_start3A_425 = tpu.memref_squeeze %dma_start3A_424 : memref<1x128xi32, #tpu.memory_space<vmem>> -> memref<128xi32, #tpu.memory_space<vmem>>
      %dma_start3A_426 = arith.constant 0 : i32
      %dma_start3A_427 = arith.constant 0 : i32
      %dma_start3A_428 = tpu.memref_slice %arg15[%dma_start3A_426, %dma_start3A_427] : memref<10240x128xf32, #tpu.memory_space<vmem_shared>> -> memref<10240x128xf32, #tpu.memory_space<vmem_shared>>
      tpu.enqueue_indirect_dma source(%arg10 : memref<128x128xf32, #tpu.memory_space<vmem>>) target(%dma_start3A_428 : memref<10240x128xf32, #tpu.memory_space<vmem_shared>>) offsets(%dma_start3A_425 : memref<128xi32, #tpu.memory_space<vmem>>) semaphore(%arg14 : memref<!tpu.dma_semaphore, #tpu.memory_space<semaphore_mem>>) {add = true}
      %dma_wait3A_429 = arith.constant 0 : i32
      %dma_wait3A_430 = tpu.memref_slice %arg8[%add3A_384, %dma_wait3A_429] : memref<40x128xi32, #tpu.memory_space<vmem>> -> memref<1x128xi32, #tpu.memory_space<vmem>>
      %dma_wait3A_431 = tpu.memref_squeeze %dma_wait3A_430 : memref<1x128xi32, #tpu.memory_space<vmem>> -> memref<128xi32, #tpu.memory_space<vmem>>
      %dma_wait3A_432 = arith.constant 0 : i32
      %dma_wait3A_433 = arith.constant 0 : i32
      %dma_wait3A_434 = tpu.memref_slice %arg15[%dma_wait3A_432, %dma_wait3A_433] : memref<10240x128xf32, #tpu.memory_space<vmem_shared>> -> memref<10240x128xf32, #tpu.memory_space<vmem_shared>>
      tpu.wait_indirect_dma semaphore(%arg14 : memref<!tpu.dma_semaphore, #tpu.memory_space<semaphore_mem>>) src(%arg10 : memref<128x128xf32, #tpu.memory_space<vmem>>) dst(%dma_wait3A_434 : memref<10240x128xf32, #tpu.memory_space<vmem_shared>>)
    }
    %scan3A_45 = arith.constant 18 : i32
    %scan3A_46 = arith.addi %scan3A, %scan3A_45 : i32
    %mul3A_47 = arith.constant 1 : i32
    %mul3A_48 = arith.muli %scan3A_46, %mul3A_47 : i32
    %add3A_49 = arith.constant 0 : i32
    %add3A_50 = arith.addi %add3A_49, %mul3A_48 : i32
    %mul3A_51 = arith.constant 2 : i32
    %mul3A_52 = arith.muli %mul3A_51, %add3A_50 : i32
    %mul3A_53 = arith.constant 2 : i32
    %mul3A_54 = arith.muli %mul3A_53, %add3A_50 : i32
    %add3A_55 = arith.constant 1 : i32
    %add3A_56 = arith.addi %mul3A_54, %add3A_55 : i32
    %dma_start3A_57 = arith.constant 0 : i32
    %dma_start3A_58 = tpu.memref_slice %arg7[%add3A_56, %dma_start3A_57] : memref<40x128xi32, #tpu.memory_space<vmem>> -> memref<1x128xi32, #tpu.memory_space<vmem>>
    %dma_start3A_59 = tpu.memref_squeeze %dma_start3A_58 : memref<1x128xi32, #tpu.memory_space<vmem>> -> memref<128xi32, #tpu.memory_space<vmem>>
    %dma_start3A_60 = arith.constant 0 : i32
    %dma_start3A_61 = arith.constant 0 : i32
    %dma_start3A_62 = tpu.memref_slice %arg2[%dma_start3A_60, %dma_start3A_61] : memref<10000x128xf32, #tpu.memory_space<hbm>> -> memref<10000x128xf32, #tpu.memory_space<hbm>>
    tpu.enqueue_indirect_dma source(%dma_start3A_62 : memref<10000x128xf32, #tpu.memory_space<hbm>>) target(%arg10 : memref<128x128xf32, #tpu.memory_space<vmem>>) offsets(%dma_start3A_59 : memref<128xi32, #tpu.memory_space<vmem>>) semaphore(%arg12 : memref<!tpu.dma_semaphore, #tpu.memory_space<semaphore_mem>>)
    %dma_wait3A = arith.constant 0 : i32
    %dma_wait3A_63 = tpu.memref_slice %arg7[%mul3A_52, %dma_wait3A] : memref<40x128xi32, #tpu.memory_space<vmem>> -> memref<1x128xi32, #tpu.memory_space<vmem>>
    %dma_wait3A_64 = tpu.memref_squeeze %dma_wait3A_63 : memref<1x128xi32, #tpu.memory_space<vmem>> -> memref<128xi32, #tpu.memory_space<vmem>>
    %dma_wait3A_65 = arith.constant 0 : i32
    %dma_wait3A_66 = arith.constant 0 : i32
    %dma_wait3A_67 = tpu.memref_slice %arg2[%dma_wait3A_65, %dma_wait3A_66] : memref<10000x128xf32, #tpu.memory_space<hbm>> -> memref<10000x128xf32, #tpu.memory_space<hbm>>
    tpu.wait_indirect_dma semaphore(%arg11 : memref<!tpu.dma_semaphore, #tpu.memory_space<semaphore_mem>>) src(%dma_wait3A_67 : memref<10000x128xf32, #tpu.memory_space<hbm>>) dst(%arg9 : memref<128x128xf32, #tpu.memory_space<vmem>>)
    %dma_start3A_68 = arith.constant 0 : i32
    %dma_start3A_69 = tpu.memref_slice %arg8[%mul3A_52, %dma_start3A_68] : memref<40x128xi32, #tpu.memory_space<vmem>> -> memref<1x128xi32, #tpu.memory_space<vmem>>
    %dma_start3A_70 = tpu.memref_squeeze %dma_start3A_69 : memref<1x128xi32, #tpu.memory_space<vmem>> -> memref<128xi32, #tpu.memory_space<vmem>>
    %dma_start3A_71 = arith.constant 0 : i32
    %dma_start3A_72 = arith.constant 0 : i32
    %dma_start3A_73 = tpu.memref_slice %arg15[%dma_start3A_71, %dma_start3A_72] : memref<10240x128xf32, #tpu.memory_space<vmem_shared>> -> memref<10240x128xf32, #tpu.memory_space<vmem_shared>>
    tpu.enqueue_indirect_dma source(%arg9 : memref<128x128xf32, #tpu.memory_space<vmem>>) target(%dma_start3A_73 : memref<10240x128xf32, #tpu.memory_space<vmem_shared>>) offsets(%dma_start3A_70 : memref<128xi32, #tpu.memory_space<vmem>>) semaphore(%arg13 : memref<!tpu.dma_semaphore, #tpu.memory_space<semaphore_mem>>) {add = true}
    %dma_wait3A_74 = arith.constant 0 : i32
    %dma_wait3A_75 = tpu.memref_slice %arg7[%add3A_56, %dma_wait3A_74] : memref<40x128xi32, #tpu.memory_space<vmem>> -> memref<1x128xi32, #tpu.memory_space<vmem>>
    %dma_wait3A_76 = tpu.memref_squeeze %dma_wait3A_75 : memref<1x128xi32, #tpu.memory_space<vmem>> -> memref<128xi32, #tpu.memory_space<vmem>>
    %dma_wait3A_77 = arith.constant 0 : i32
    %dma_wait3A_78 = arith.constant 0 : i32
    %dma_wait3A_79 = tpu.memref_slice %arg2[%dma_wait3A_77, %dma_wait3A_78] : memref<10000x128xf32, #tpu.memory_space<hbm>> -> memref<10000x128xf32, #tpu.memory_space<hbm>>
    tpu.wait_indirect_dma semaphore(%arg12 : memref<!tpu.dma_semaphore, #tpu.memory_space<semaphore_mem>>) src(%dma_wait3A_79 : memref<10000x128xf32, #tpu.memory_space<hbm>>) dst(%arg10 : memref<128x128xf32, #tpu.memory_space<vmem>>)
    %dma_wait3A_80 = arith.constant 0 : i32
    %dma_wait3A_81 = tpu.memref_slice %arg8[%mul3A_52, %dma_wait3A_80] : memref<40x128xi32, #tpu.memory_space<vmem>> -> memref<1x128xi32, #tpu.memory_space<vmem>>
    %dma_wait3A_82 = tpu.memref_squeeze %dma_wait3A_81 : memref<1x128xi32, #tpu.memory_space<vmem>> -> memref<128xi32, #tpu.memory_space<vmem>>
    %dma_wait3A_83 = arith.constant 0 : i32
    %dma_wait3A_84 = arith.constant 0 : i32
    %dma_wait3A_85 = tpu.memref_slice %arg15[%dma_wait3A_83, %dma_wait3A_84] : memref<10240x128xf32, #tpu.memory_space<vmem_shared>> -> memref<10240x128xf32, #tpu.memory_space<vmem_shared>>
    tpu.wait_indirect_dma semaphore(%arg13 : memref<!tpu.dma_semaphore, #tpu.memory_space<semaphore_mem>>) src(%arg9 : memref<128x128xf32, #tpu.memory_space<vmem>>) dst(%dma_wait3A_85 : memref<10240x128xf32, #tpu.memory_space<vmem_shared>>)
    %add3A_86 = arith.constant 2 : i32
    %add3A_87 = arith.addi %mul3A_52, %add3A_86 : i32
    %dma_start3A_88 = arith.constant 0 : i32
    %dma_start3A_89 = tpu.memref_slice %arg7[%add3A_87, %dma_start3A_88] : memref<40x128xi32, #tpu.memory_space<vmem>> -> memref<1x128xi32, #tpu.memory_space<vmem>>
    %dma_start3A_90 = tpu.memref_squeeze %dma_start3A_89 : memref<1x128xi32, #tpu.memory_space<vmem>> -> memref<128xi32, #tpu.memory_space<vmem>>
    %dma_start3A_91 = arith.constant 0 : i32
    %dma_start3A_92 = arith.constant 0 : i32
    %dma_start3A_93 = tpu.memref_slice %arg2[%dma_start3A_91, %dma_start3A_92] : memref<10000x128xf32, #tpu.memory_space<hbm>> -> memref<10000x128xf32, #tpu.memory_space<hbm>>
    tpu.enqueue_indirect_dma source(%dma_start3A_93 : memref<10000x128xf32, #tpu.memory_space<hbm>>) target(%arg9 : memref<128x128xf32, #tpu.memory_space<vmem>>) offsets(%dma_start3A_90 : memref<128xi32, #tpu.memory_space<vmem>>) semaphore(%arg11 : memref<!tpu.dma_semaphore, #tpu.memory_space<semaphore_mem>>)
    %dma_start3A_94 = arith.constant 0 : i32
    %dma_start3A_95 = tpu.memref_slice %arg8[%add3A_56, %dma_start3A_94] : memref<40x128xi32, #tpu.memory_space<vmem>> -> memref<1x128xi32, #tpu.memory_space<vmem>>
    %dma_start3A_96 = tpu.memref_squeeze %dma_start3A_95 : memref<1x128xi32, #tpu.memory_space<vmem>> -> memref<128xi32, #tpu.memory_space<vmem>>
    %dma_start3A_97 = arith.constant 0 : i32
    %dma_start3A_98 = arith.constant 0 : i32
    %dma_start3A_99 = tpu.memref_slice %arg15[%dma_start3A_97, %dma_start3A_98] : memref<10240x128xf32, #tpu.memory_space<vmem_shared>> -> memref<10240x128xf32, #tpu.memory_space<vmem_shared>>
    tpu.enqueue_indirect_dma source(%arg10 : memref<128x128xf32, #tpu.memory_space<vmem>>) target(%dma_start3A_99 : memref<10240x128xf32, #tpu.memory_space<vmem_shared>>) offsets(%dma_start3A_96 : memref<128xi32, #tpu.memory_space<vmem>>) semaphore(%arg14 : memref<!tpu.dma_semaphore, #tpu.memory_space<semaphore_mem>>) {add = true}
    %dma_wait3A_100 = arith.constant 0 : i32
    %dma_wait3A_101 = tpu.memref_slice %arg8[%add3A_56, %dma_wait3A_100] : memref<40x128xi32, #tpu.memory_space<vmem>> -> memref<1x128xi32, #tpu.memory_space<vmem>>
    %dma_wait3A_102 = tpu.memref_squeeze %dma_wait3A_101 : memref<1x128xi32, #tpu.memory_space<vmem>> -> memref<128xi32, #tpu.memory_space<vmem>>
    %dma_wait3A_103 = arith.constant 0 : i32
    %dma_wait3A_104 = arith.constant 0 : i32
    %dma_wait3A_105 = tpu.memref_slice %arg15[%dma_wait3A_103, %dma_wait3A_104] : memref<10240x128xf32, #tpu.memory_space<vmem_shared>> -> memref<10240x128xf32, #tpu.memory_space<vmem_shared>>
    tpu.wait_indirect_dma semaphore(%arg14 : memref<!tpu.dma_semaphore, #tpu.memory_space<semaphore_mem>>) src(%arg10 : memref<128x128xf32, #tpu.memory_space<vmem>>) dst(%dma_wait3A_105 : memref<10240x128xf32, #tpu.memory_space<vmem_shared>>)
    %scan3A_106 = arith.constant 19 : i32
    %dma_start3A_107 = arith.constant 39 : i32
    %dma_start3A_108 = arith.constant 0 : i32
    %dma_start3A_109 = tpu.memref_slice %arg7[%dma_start3A_107, %dma_start3A_108] : memref<40x128xi32, #tpu.memory_space<vmem>> -> memref<1x128xi32, #tpu.memory_space<vmem>>
    %dma_start3A_110 = tpu.memref_squeeze %dma_start3A_109 : memref<1x128xi32, #tpu.memory_space<vmem>> -> memref<128xi32, #tpu.memory_space<vmem>>
    %dma_start3A_111 = arith.constant 0 : i32
    %dma_start3A_112 = arith.constant 0 : i32
    %dma_start3A_113 = tpu.memref_slice %arg2[%dma_start3A_111, %dma_start3A_112] : memref<10000x128xf32, #tpu.memory_space<hbm>> -> memref<10000x128xf32, #tpu.memory_space<hbm>>
    tpu.enqueue_indirect_dma source(%dma_start3A_113 : memref<10000x128xf32, #tpu.memory_space<hbm>>) target(%arg10 : memref<128x128xf32, #tpu.memory_space<vmem>>) offsets(%dma_start3A_110 : memref<128xi32, #tpu.memory_space<vmem>>) semaphore(%arg12 : memref<!tpu.dma_semaphore, #tpu.memory_space<semaphore_mem>>)
    %dma_wait3A_114 = arith.constant 38 : i32
    %dma_wait3A_115 = arith.constant 0 : i32
    %dma_wait3A_116 = tpu.memref_slice %arg7[%dma_wait3A_114, %dma_wait3A_115] : memref<40x128xi32, #tpu.memory_space<vmem>> -> memref<1x128xi32, #tpu.memory_space<vmem>>
    %dma_wait3A_117 = tpu.memref_squeeze %dma_wait3A_116 : memref<1x128xi32, #tpu.memory_space<vmem>> -> memref<128xi32, #tpu.memory_space<vmem>>
    %dma_wait3A_118 = arith.constant 0 : i32
    %dma_wait3A_119 = arith.constant 0 : i32
    %dma_wait3A_120 = tpu.memref_slice %arg2[%dma_wait3A_118, %dma_wait3A_119] : memref<10000x128xf32, #tpu.memory_space<hbm>> -> memref<10000x128xf32, #tpu.memory_space<hbm>>
    tpu.wait_indirect_dma semaphore(%arg11 : memref<!tpu.dma_semaphore, #tpu.memory_space<semaphore_mem>>) src(%dma_wait3A_120 : memref<10000x128xf32, #tpu.memory_space<hbm>>) dst(%arg9 : memref<128x128xf32, #tpu.memory_space<vmem>>)
    %dma_start3A_121 = arith.constant 38 : i32
    %dma_start3A_122 = arith.constant 0 : i32
    %dma_start3A_123 = tpu.memref_slice %arg8[%dma_start3A_121, %dma_start3A_122] : memref<40x128xi32, #tpu.memory_space<vmem>> -> memref<1x128xi32, #tpu.memory_space<vmem>>
    %dma_start3A_124 = tpu.memref_squeeze %dma_start3A_123 : memref<1x128xi32, #tpu.memory_space<vmem>> -> memref<128xi32, #tpu.memory_space<vmem>>
    %dma_start3A_125 = arith.constant 0 : i32
    %dma_start3A_126 = arith.constant 0 : i32
    %dma_start3A_127 = tpu.memref_slice %arg15[%dma_start3A_125, %dma_start3A_126] : memref<10240x128xf32, #tpu.memory_space<vmem_shared>> -> memref<10240x128xf32, #tpu.memory_space<vmem_shared>>
    tpu.enqueue_indirect_dma source(%arg9 : memref<128x128xf32, #tpu.memory_space<vmem>>) target(%dma_start3A_127 : memref<10240x128xf32, #tpu.memory_space<vmem_shared>>) offsets(%dma_start3A_124 : memref<128xi32, #tpu.memory_space<vmem>>) semaphore(%arg13 : memref<!tpu.dma_semaphore, #tpu.memory_space<semaphore_mem>>) {add = true}
    %dma_wait3A_128 = arith.constant 39 : i32
    %dma_wait3A_129 = arith.constant 0 : i32
    %dma_wait3A_130 = tpu.memref_slice %arg7[%dma_wait3A_128, %dma_wait3A_129] : memref<40x128xi32, #tpu.memory_space<vmem>> -> memref<1x128xi32, #tpu.memory_space<vmem>>
    %dma_wait3A_131 = tpu.memref_squeeze %dma_wait3A_130 : memref<1x128xi32, #tpu.memory_space<vmem>> -> memref<128xi32, #tpu.memory_space<vmem>>
    %dma_wait3A_132 = arith.constant 0 : i32
    %dma_wait3A_133 = arith.constant 0 : i32
    %dma_wait3A_134 = tpu.memref_slice %arg2[%dma_wait3A_132, %dma_wait3A_133] : memref<10000x128xf32, #tpu.memory_space<hbm>> -> memref<10000x128xf32, #tpu.memory_space<hbm>>
    tpu.wait_indirect_dma semaphore(%arg12 : memref<!tpu.dma_semaphore, #tpu.memory_space<semaphore_mem>>) src(%dma_wait3A_134 : memref<10000x128xf32, #tpu.memory_space<hbm>>) dst(%arg10 : memref<128x128xf32, #tpu.memory_space<vmem>>)
    %dma_wait3A_135 = arith.constant 38 : i32
    %dma_wait3A_136 = arith.constant 0 : i32
    %dma_wait3A_137 = tpu.memref_slice %arg8[%dma_wait3A_135, %dma_wait3A_136] : memref<40x128xi32, #tpu.memory_space<vmem>> -> memref<1x128xi32, #tpu.memory_space<vmem>>
    %dma_wait3A_138 = tpu.memref_squeeze %dma_wait3A_137 : memref<1x128xi32, #tpu.memory_space<vmem>> -> memref<128xi32, #tpu.memory_space<vmem>>
    %dma_wait3A_139 = arith.constant 0 : i32
    %dma_wait3A_140 = arith.constant 0 : i32
    %dma_wait3A_141 = tpu.memref_slice %arg15[%dma_wait3A_139, %dma_wait3A_140] : memref<10240x128xf32, #tpu.memory_space<vmem_shared>> -> memref<10240x128xf32, #tpu.memory_space<vmem_shared>>
    tpu.wait_indirect_dma semaphore(%arg13 : memref<!tpu.dma_semaphore, #tpu.memory_space<semaphore_mem>>) src(%arg9 : memref<128x128xf32, #tpu.memory_space<vmem>>) dst(%dma_wait3A_141 : memref<10240x128xf32, #tpu.memory_space<vmem_shared>>)
    %dma_start3A_142 = arith.constant 39 : i32
    %dma_start3A_143 = arith.constant 0 : i32
    %dma_start3A_144 = tpu.memref_slice %arg8[%dma_start3A_142, %dma_start3A_143] : memref<40x128xi32, #tpu.memory_space<vmem>> -> memref<1x128xi32, #tpu.memory_space<vmem>>
    %dma_start3A_145 = tpu.memref_squeeze %dma_start3A_144 : memref<1x128xi32, #tpu.memory_space<vmem>> -> memref<128xi32, #tpu.memory_space<vmem>>
    %dma_start3A_146 = arith.constant 0 : i32
    %dma_start3A_147 = arith.constant 0 : i32
    %dma_start3A_148 = tpu.memref_slice %arg15[%dma_start3A_146, %dma_start3A_147] : memref<10240x128xf32, #tpu.memory_space<vmem_shared>> -> memref<10240x128xf32, #tpu.memory_space<vmem_shared>>
    tpu.enqueue_indirect_dma source(%arg10 : memref<128x128xf32, #tpu.memory_space<vmem>>) target(%dma_start3A_148 : memref<10240x128xf32, #tpu.memory_space<vmem_shared>>) offsets(%dma_start3A_145 : memref<128xi32, #tpu.memory_space<vmem>>) semaphore(%arg14 : memref<!tpu.dma_semaphore, #tpu.memory_space<semaphore_mem>>) {add = true}
    %dma_wait3A_149 = arith.constant 39 : i32
    %dma_wait3A_150 = arith.constant 0 : i32
    %dma_wait3A_151 = tpu.memref_slice %arg8[%dma_wait3A_149, %dma_wait3A_150] : memref<40x128xi32, #tpu.memory_space<vmem>> -> memref<1x128xi32, #tpu.memory_space<vmem>>
    %dma_wait3A_152 = tpu.memref_squeeze %dma_wait3A_151 : memref<1x128xi32, #tpu.memory_space<vmem>> -> memref<128xi32, #tpu.memory_space<vmem>>
    %dma_wait3A_153 = arith.constant 0 : i32
    %dma_wait3A_154 = arith.constant 0 : i32
    %dma_wait3A_155 = tpu.memref_slice %arg15[%dma_wait3A_153, %dma_wait3A_154] : memref<10240x128xf32, #tpu.memory_space<vmem_shared>> -> memref<10240x128xf32, #tpu.memory_space<vmem_shared>>
    tpu.wait_indirect_dma semaphore(%arg14 : memref<!tpu.dma_semaphore, #tpu.memory_space<semaphore_mem>>) src(%arg10 : memref<128x128xf32, #tpu.memory_space<vmem>>) dst(%dma_wait3A_155 : memref<10240x128xf32, #tpu.memory_space<vmem_shared>>)
    "tpu.region"() ({
      %run_scoped3A = tpu.sem_alloc : memref<!tpu.dma_semaphore, #tpu.memory_space<semaphore_mem>>
      %dma_start3A_312 = arith.constant 40 : i32
      %dma_start3A_313 = arith.constant 0 : i32
      %dma_start3A_314 = tpu.memref_slice %arg4[%add3A, %dma_start3A_312, %dma_start3A_313] : memref<32x80x128xi32, #tpu.memory_space<hbm>> -> memref<1x40x128xi32, #tpu.memory_space<hbm>>
      %dma_start3A_315 = tpu.memref_squeeze %dma_start3A_314 : memref<1x40x128xi32, #tpu.memory_space<hbm>> -> memref<40x128xi32, #tpu.memory_space<hbm>>
      %dma_start3A_316 = arith.constant 40 : i32
      %dma_start3A_317 = arith.constant 0 : i32
      %dma_start3A_318 = tpu.memref_slice %arg4[%add3A, %dma_start3A_316, %dma_start3A_317] : memref<32x80x128xi32, #tpu.memory_space<hbm>> -> memref<1x40x128xi32, #tpu.memory_space<hbm>>
      %dma_start3A_319 = tpu.memref_squeeze %dma_start3A_318 : memref<1x40x128xi32, #tpu.memory_space<hbm>> -> memref<40x128xi32, #tpu.memory_space<hbm>>
      tpu.enqueue_dma source(%dma_start3A_319 : memref<40x128xi32, #tpu.memory_space<hbm>>) target(%arg7 : memref<40x128xi32, #tpu.memory_space<vmem>>) target_semaphore(%run_scoped3A : memref<!tpu.dma_semaphore, #tpu.memory_space<semaphore_mem>>)
      %dma_wait3A_320 = arith.constant 40 : i32
      %dma_wait3A_321 = arith.constant 0 : i32
      %dma_wait3A_322 = tpu.memref_slice %arg4[%add3A, %dma_wait3A_320, %dma_wait3A_321] : memref<32x80x128xi32, #tpu.memory_space<hbm>> -> memref<1x40x128xi32, #tpu.memory_space<hbm>>
      %dma_wait3A_323 = tpu.memref_squeeze %dma_wait3A_322 : memref<1x40x128xi32, #tpu.memory_space<hbm>> -> memref<40x128xi32, #tpu.memory_space<hbm>>
      %dma_wait3A_324 = arith.constant 40 : i32
      %dma_wait3A_325 = arith.constant 0 : i32
      %dma_wait3A_326 = tpu.memref_slice %arg4[%add3A, %dma_wait3A_324, %dma_wait3A_325] : memref<32x80x128xi32, #tpu.memory_space<hbm>> -> memref<1x40x128xi32, #tpu.memory_space<hbm>>
      %dma_wait3A_327 = tpu.memref_squeeze %dma_wait3A_326 : memref<1x40x128xi32, #tpu.memory_space<hbm>> -> memref<40x128xi32, #tpu.memory_space<hbm>>
      tpu.wait_dma2 semaphore(%run_scoped3A : memref<!tpu.dma_semaphore, #tpu.memory_space<semaphore_mem>>) src(%dma_wait3A_327 : memref<40x128xi32, #tpu.memory_space<hbm>>) dst(%arg7 : memref<40x128xi32, #tpu.memory_space<vmem>>)
      tpu.yield
    }) : () -> ()
    "tpu.region"() ({
      %run_scoped3A = tpu.sem_alloc : memref<!tpu.dma_semaphore, #tpu.memory_space<semaphore_mem>>
      %dma_start3A_312 = arith.constant 40 : i32
      %dma_start3A_313 = arith.constant 0 : i32
      %dma_start3A_314 = tpu.memref_slice %arg5[%add3A, %dma_start3A_312, %dma_start3A_313] : memref<32x80x128xi32, #tpu.memory_space<hbm>> -> memref<1x40x128xi32, #tpu.memory_space<hbm>>
      %dma_start3A_315 = tpu.memref_squeeze %dma_start3A_314 : memref<1x40x128xi32, #tpu.memory_space<hbm>> -> memref<40x128xi32, #tpu.memory_space<hbm>>
      %dma_start3A_316 = arith.constant 40 : i32
      %dma_start3A_317 = arith.constant 0 : i32
      %dma_start3A_318 = tpu.memref_slice %arg5[%add3A, %dma_start3A_316, %dma_start3A_317] : memref<32x80x128xi32, #tpu.memory_space<hbm>> -> memref<1x40x128xi32, #tpu.memory_space<hbm>>
      %dma_start3A_319 = tpu.memref_squeeze %dma_start3A_318 : memref<1x40x128xi32, #tpu.memory_space<hbm>> -> memref<40x128xi32, #tpu.memory_space<hbm>>
      tpu.enqueue_dma source(%dma_start3A_319 : memref<40x128xi32, #tpu.memory_space<hbm>>) target(%arg8 : memref<40x128xi32, #tpu.memory_space<vmem>>) target_semaphore(%run_scoped3A : memref<!tpu.dma_semaphore, #tpu.memory_space<semaphore_mem>>)
      %dma_wait3A_320 = arith.constant 40 : i32
      %dma_wait3A_321 = arith.constant 0 : i32
      %dma_wait3A_322 = tpu.memref_slice %arg5[%add3A, %dma_wait3A_320, %dma_wait3A_321] : memref<32x80x128xi32, #tpu.memory_space<hbm>> -> memref<1x40x128xi32, #tpu.memory_space<hbm>>
      %dma_wait3A_323 = tpu.memref_squeeze %dma_wait3A_322 : memref<1x40x128xi32, #tpu.memory_space<hbm>> -> memref<40x128xi32, #tpu.memory_space<hbm>>
      %dma_wait3A_324 = arith.constant 40 : i32
      %dma_wait3A_325 = arith.constant 0 : i32
      %dma_wait3A_326 = tpu.memref_slice %arg5[%add3A, %dma_wait3A_324, %dma_wait3A_325] : memref<32x80x128xi32, #tpu.memory_space<hbm>> -> memref<1x40x128xi32, #tpu.memory_space<hbm>>
      %dma_wait3A_327 = tpu.memref_squeeze %dma_wait3A_326 : memref<1x40x128xi32, #tpu.memory_space<hbm>> -> memref<40x128xi32, #tpu.memory_space<hbm>>
      tpu.wait_dma2 semaphore(%run_scoped3A : memref<!tpu.dma_semaphore, #tpu.memory_space<semaphore_mem>>) src(%dma_wait3A_327 : memref<40x128xi32, #tpu.memory_space<hbm>>) dst(%arg8 : memref<40x128xi32, #tpu.memory_space<vmem>>)
      tpu.yield
    }) : () -> ()
    %dma_start3A_156 = arith.constant 0 : i32
    %dma_start3A_157 = arith.constant 0 : i32
    %dma_start3A_158 = tpu.memref_slice %arg7[%dma_start3A_156, %dma_start3A_157] : memref<40x128xi32, #tpu.memory_space<vmem>> -> memref<1x128xi32, #tpu.memory_space<vmem>>
    %dma_start3A_159 = tpu.memref_squeeze %dma_start3A_158 : memref<1x128xi32, #tpu.memory_space<vmem>> -> memref<128xi32, #tpu.memory_space<vmem>>
    %dma_start3A_160 = arith.constant 0 : i32
    %dma_start3A_161 = arith.constant 0 : i32
    %dma_start3A_162 = tpu.memref_slice %arg2[%dma_start3A_160, %dma_start3A_161] : memref<10000x128xf32, #tpu.memory_space<hbm>> -> memref<10000x128xf32, #tpu.memory_space<hbm>>
    tpu.enqueue_indirect_dma source(%dma_start3A_162 : memref<10000x128xf32, #tpu.memory_space<hbm>>) target(%arg9 : memref<128x128xf32, #tpu.memory_space<vmem>>) offsets(%dma_start3A_159 : memref<128xi32, #tpu.memory_space<vmem>>) semaphore(%arg11 : memref<!tpu.dma_semaphore, #tpu.memory_space<semaphore_mem>>)
    %scan3A_163 = arith.constant 0 : i32
    %scan3A_164 = arith.constant 18 : i32
    %scan3A_165 = arith.addi %scan3A_163, %scan3A_164 : i32
    %scan3A_166 = arith.constant 2 : i32
    scf.for %scan3A_312 = %scan3A_163 to %scan3A_165 step %scan3A_166  : i32 {
      %mul3A_313 = arith.constant 1 : i32
      %mul3A_314 = arith.muli %scan3A_312, %mul3A_313 : i32
      %add3A_315 = arith.constant 0 : i32
      %add3A_316 = arith.addi %add3A_315, %mul3A_314 : i32
      %mul3A_317 = arith.constant 2 : i32
      %mul3A_318 = arith.muli %mul3A_317, %add3A_316 : i32
      %mul3A_319 = arith.constant 2 : i32
      %mul3A_320 = arith.muli %mul3A_319, %add3A_316 : i32
      %add3A_321 = arith.constant 1 : i32
      %add3A_322 = arith.addi %mul3A_320, %add3A_321 : i32
      %dma_start3A_323 = arith.constant 0 : i32
      %dma_start3A_324 = tpu.memref_slice %arg7[%add3A_322, %dma_start3A_323] : memref<40x128xi32, #tpu.memory_space<vmem>> -> memref<1x128xi32, #tpu.memory_space<vmem>>
      %dma_start3A_325 = tpu.memref_squeeze %dma_start3A_324 : memref<1x128xi32, #tpu.memory_space<vmem>> -> memref<128xi32, #tpu.memory_space<vmem>>
      %dma_start3A_326 = arith.constant 0 : i32
      %dma_start3A_327 = arith.constant 0 : i32
      %dma_start3A_328 = tpu.memref_slice %arg2[%dma_start3A_326, %dma_start3A_327] : memref<10000x128xf32, #tpu.memory_space<hbm>> -> memref<10000x128xf32, #tpu.memory_space<hbm>>
      tpu.enqueue_indirect_dma source(%dma_start3A_328 : memref<10000x128xf32, #tpu.memory_space<hbm>>) target(%arg10 : memref<128x128xf32, #tpu.memory_space<vmem>>) offsets(%dma_start3A_325 : memref<128xi32, #tpu.memory_space<vmem>>) semaphore(%arg12 : memref<!tpu.dma_semaphore, #tpu.memory_space<semaphore_mem>>)
      %dma_wait3A_329 = arith.constant 0 : i32
      %dma_wait3A_330 = tpu.memref_slice %arg7[%mul3A_318, %dma_wait3A_329] : memref<40x128xi32, #tpu.memory_space<vmem>> -> memref<1x128xi32, #tpu.memory_space<vmem>>
      %dma_wait3A_331 = tpu.memref_squeeze %dma_wait3A_330 : memref<1x128xi32, #tpu.memory_space<vmem>> -> memref<128xi32, #tpu.memory_space<vmem>>
      %dma_wait3A_332 = arith.constant 0 : i32
      %dma_wait3A_333 = arith.constant 0 : i32
      %dma_wait3A_334 = tpu.memref_slice %arg2[%dma_wait3A_332, %dma_wait3A_333] : memref<10000x128xf32, #tpu.memory_space<hbm>> -> memref<10000x128xf32, #tpu.memory_space<hbm>>
      tpu.wait_indirect_dma semaphore(%arg11 : memref<!tpu.dma_semaphore, #tpu.memory_space<semaphore_mem>>) src(%dma_wait3A_334 : memref<10000x128xf32, #tpu.memory_space<hbm>>) dst(%arg9 : memref<128x128xf32, #tpu.memory_space<vmem>>)
      %dma_start3A_335 = arith.constant 0 : i32
      %dma_start3A_336 = tpu.memref_slice %arg8[%mul3A_318, %dma_start3A_335] : memref<40x128xi32, #tpu.memory_space<vmem>> -> memref<1x128xi32, #tpu.memory_space<vmem>>
      %dma_start3A_337 = tpu.memref_squeeze %dma_start3A_336 : memref<1x128xi32, #tpu.memory_space<vmem>> -> memref<128xi32, #tpu.memory_space<vmem>>
      %dma_start3A_338 = arith.constant 0 : i32
      %dma_start3A_339 = arith.constant 0 : i32
      %dma_start3A_340 = tpu.memref_slice %arg15[%dma_start3A_338, %dma_start3A_339] : memref<10240x128xf32, #tpu.memory_space<vmem_shared>> -> memref<10240x128xf32, #tpu.memory_space<vmem_shared>>
      tpu.enqueue_indirect_dma source(%arg9 : memref<128x128xf32, #tpu.memory_space<vmem>>) target(%dma_start3A_340 : memref<10240x128xf32, #tpu.memory_space<vmem_shared>>) offsets(%dma_start3A_337 : memref<128xi32, #tpu.memory_space<vmem>>) semaphore(%arg13 : memref<!tpu.dma_semaphore, #tpu.memory_space<semaphore_mem>>) {add = true}
      %dma_wait3A_341 = arith.constant 0 : i32
      %dma_wait3A_342 = tpu.memref_slice %arg7[%add3A_322, %dma_wait3A_341] : memref<40x128xi32, #tpu.memory_space<vmem>> -> memref<1x128xi32, #tpu.memory_space<vmem>>
      %dma_wait3A_343 = tpu.memref_squeeze %dma_wait3A_342 : memref<1x128xi32, #tpu.memory_space<vmem>> -> memref<128xi32, #tpu.memory_space<vmem>>
      %dma_wait3A_344 = arith.constant 0 : i32
      %dma_wait3A_345 = arith.constant 0 : i32
      %dma_wait3A_346 = tpu.memref_slice %arg2[%dma_wait3A_344, %dma_wait3A_345] : memref<10000x128xf32, #tpu.memory_space<hbm>> -> memref<10000x128xf32, #tpu.memory_space<hbm>>
      tpu.wait_indirect_dma semaphore(%arg12 : memref<!tpu.dma_semaphore, #tpu.memory_space<semaphore_mem>>) src(%dma_wait3A_346 : memref<10000x128xf32, #tpu.memory_space<hbm>>) dst(%arg10 : memref<128x128xf32, #tpu.memory_space<vmem>>)
      %dma_wait3A_347 = arith.constant 0 : i32
      %dma_wait3A_348 = tpu.memref_slice %arg8[%mul3A_318, %dma_wait3A_347] : memref<40x128xi32, #tpu.memory_space<vmem>> -> memref<1x128xi32, #tpu.memory_space<vmem>>
      %dma_wait3A_349 = tpu.memref_squeeze %dma_wait3A_348 : memref<1x128xi32, #tpu.memory_space<vmem>> -> memref<128xi32, #tpu.memory_space<vmem>>
      %dma_wait3A_350 = arith.constant 0 : i32
      %dma_wait3A_351 = arith.constant 0 : i32
      %dma_wait3A_352 = tpu.memref_slice %arg15[%dma_wait3A_350, %dma_wait3A_351] : memref<10240x128xf32, #tpu.memory_space<vmem_shared>> -> memref<10240x128xf32, #tpu.memory_space<vmem_shared>>
      tpu.wait_indirect_dma semaphore(%arg13 : memref<!tpu.dma_semaphore, #tpu.memory_space<semaphore_mem>>) src(%arg9 : memref<128x128xf32, #tpu.memory_space<vmem>>) dst(%dma_wait3A_352 : memref<10240x128xf32, #tpu.memory_space<vmem_shared>>)
      %add3A_353 = arith.constant 2 : i32
      %add3A_354 = arith.addi %mul3A_318, %add3A_353 : i32
      %dma_start3A_355 = arith.constant 0 : i32
      %dma_start3A_356 = tpu.memref_slice %arg7[%add3A_354, %dma_start3A_355] : memref<40x128xi32, #tpu.memory_space<vmem>> -> memref<1x128xi32, #tpu.memory_space<vmem>>
      %dma_start3A_357 = tpu.memref_squeeze %dma_start3A_356 : memref<1x128xi32, #tpu.memory_space<vmem>> -> memref<128xi32, #tpu.memory_space<vmem>>
      %dma_start3A_358 = arith.constant 0 : i32
      %dma_start3A_359 = arith.constant 0 : i32
      %dma_start3A_360 = tpu.memref_slice %arg2[%dma_start3A_358, %dma_start3A_359] : memref<10000x128xf32, #tpu.memory_space<hbm>> -> memref<10000x128xf32, #tpu.memory_space<hbm>>
      tpu.enqueue_indirect_dma source(%dma_start3A_360 : memref<10000x128xf32, #tpu.memory_space<hbm>>) target(%arg9 : memref<128x128xf32, #tpu.memory_space<vmem>>) offsets(%dma_start3A_357 : memref<128xi32, #tpu.memory_space<vmem>>) semaphore(%arg11 : memref<!tpu.dma_semaphore, #tpu.memory_space<semaphore_mem>>)
      %dma_start3A_361 = arith.constant 0 : i32
      %dma_start3A_362 = tpu.memref_slice %arg8[%add3A_322, %dma_start3A_361] : memref<40x128xi32, #tpu.memory_space<vmem>> -> memref<1x128xi32, #tpu.memory_space<vmem>>
      %dma_start3A_363 = tpu.memref_squeeze %dma_start3A_362 : memref<1x128xi32, #tpu.memory_space<vmem>> -> memref<128xi32, #tpu.memory_space<vmem>>
      %dma_start3A_364 = arith.constant 0 : i32
      %dma_start3A_365 = arith.constant 0 : i32
      %dma_start3A_366 = tpu.memref_slice %arg15[%dma_start3A_364, %dma_start3A_365] : memref<10240x128xf32, #tpu.memory_space<vmem_shared>> -> memref<10240x128xf32, #tpu.memory_space<vmem_shared>>
      tpu.enqueue_indirect_dma source(%arg10 : memref<128x128xf32, #tpu.memory_space<vmem>>) target(%dma_start3A_366 : memref<10240x128xf32, #tpu.memory_space<vmem_shared>>) offsets(%dma_start3A_363 : memref<128xi32, #tpu.memory_space<vmem>>) semaphore(%arg14 : memref<!tpu.dma_semaphore, #tpu.memory_space<semaphore_mem>>) {add = true}
      %dma_wait3A_367 = arith.constant 0 : i32
      %dma_wait3A_368 = tpu.memref_slice %arg8[%add3A_322, %dma_wait3A_367] : memref<40x128xi32, #tpu.memory_space<vmem>> -> memref<1x128xi32, #tpu.memory_space<vmem>>
      %dma_wait3A_369 = tpu.memref_squeeze %dma_wait3A_368 : memref<1x128xi32, #tpu.memory_space<vmem>> -> memref<128xi32, #tpu.memory_space<vmem>>
      %dma_wait3A_370 = arith.constant 0 : i32
      %dma_wait3A_371 = arith.constant 0 : i32
      %dma_wait3A_372 = tpu.memref_slice %arg15[%dma_wait3A_370, %dma_wait3A_371] : memref<10240x128xf32, #tpu.memory_space<vmem_shared>> -> memref<10240x128xf32, #tpu.memory_space<vmem_shared>>
      tpu.wait_indirect_dma semaphore(%arg14 : memref<!tpu.dma_semaphore, #tpu.memory_space<semaphore_mem>>) src(%arg10 : memref<128x128xf32, #tpu.memory_space<vmem>>) dst(%dma_wait3A_372 : memref<10240x128xf32, #tpu.memory_space<vmem_shared>>)
      %scan3A_373 = arith.constant 1 : i32
      %scan3A_374 = arith.addi %scan3A_312, %scan3A_373 : i32
      %mul3A_375 = arith.constant 1 : i32
      %mul3A_376 = arith.muli %scan3A_374, %mul3A_375 : i32
      %add3A_377 = arith.constant 0 : i32
      %add3A_378 = arith.addi %add3A_377, %mul3A_376 : i32
      %mul3A_379 = arith.constant 2 : i32
      %mul3A_380 = arith.muli %mul3A_379, %add3A_378 : i32
      %mul3A_381 = arith.constant 2 : i32
      %mul3A_382 = arith.muli %mul3A_381, %add3A_378 : i32
      %add3A_383 = arith.constant 1 : i32
      %add3A_384 = arith.addi %mul3A_382, %add3A_383 : i32
      %dma_start3A_385 = arith.constant 0 : i32
      %dma_start3A_386 = tpu.memref_slice %arg7[%add3A_384, %dma_start3A_385] : memref<40x128xi32, #tpu.memory_space<vmem>> -> memref<1x128xi32, #tpu.memory_space<vmem>>
      %dma_start3A_387 = tpu.memref_squeeze %dma_start3A_386 : memref<1x128xi32, #tpu.memory_space<vmem>> -> memref<128xi32, #tpu.memory_space<vmem>>
      %dma_start3A_388 = arith.constant 0 : i32
      %dma_start3A_389 = arith.constant 0 : i32
      %dma_start3A_390 = tpu.memref_slice %arg2[%dma_start3A_388, %dma_start3A_389] : memref<10000x128xf32, #tpu.memory_space<hbm>> -> memref<10000x128xf32, #tpu.memory_space<hbm>>
      tpu.enqueue_indirect_dma source(%dma_start3A_390 : memref<10000x128xf32, #tpu.memory_space<hbm>>) target(%arg10 : memref<128x128xf32, #tpu.memory_space<vmem>>) offsets(%dma_start3A_387 : memref<128xi32, #tpu.memory_space<vmem>>) semaphore(%arg12 : memref<!tpu.dma_semaphore, #tpu.memory_space<semaphore_mem>>)
      %dma_wait3A_391 = arith.constant 0 : i32
      %dma_wait3A_392 = tpu.memref_slice %arg7[%mul3A_380, %dma_wait3A_391] : memref<40x128xi32, #tpu.memory_space<vmem>> -> memref<1x128xi32, #tpu.memory_space<vmem>>
      %dma_wait3A_393 = tpu.memref_squeeze %dma_wait3A_392 : memref<1x128xi32, #tpu.memory_space<vmem>> -> memref<128xi32, #tpu.memory_space<vmem>>
      %dma_wait3A_394 = arith.constant 0 : i32
      %dma_wait3A_395 = arith.constant 0 : i32
      %dma_wait3A_396 = tpu.memref_slice %arg2[%dma_wait3A_394, %dma_wait3A_395] : memref<10000x128xf32, #tpu.memory_space<hbm>> -> memref<10000x128xf32, #tpu.memory_space<hbm>>
      tpu.wait_indirect_dma semaphore(%arg11 : memref<!tpu.dma_semaphore, #tpu.memory_space<semaphore_mem>>) src(%dma_wait3A_396 : memref<10000x128xf32, #tpu.memory_space<hbm>>) dst(%arg9 : memref<128x128xf32, #tpu.memory_space<vmem>>)
      %dma_start3A_397 = arith.constant 0 : i32
      %dma_start3A_398 = tpu.memref_slice %arg8[%mul3A_380, %dma_start3A_397] : memref<40x128xi32, #tpu.memory_space<vmem>> -> memref<1x128xi32, #tpu.memory_space<vmem>>
      %dma_start3A_399 = tpu.memref_squeeze %dma_start3A_398 : memref<1x128xi32, #tpu.memory_space<vmem>> -> memref<128xi32, #tpu.memory_space<vmem>>
      %dma_start3A_400 = arith.constant 0 : i32
      %dma_start3A_401 = arith.constant 0 : i32
      %dma_start3A_402 = tpu.memref_slice %arg15[%dma_start3A_400, %dma_start3A_401] : memref<10240x128xf32, #tpu.memory_space<vmem_shared>> -> memref<10240x128xf32, #tpu.memory_space<vmem_shared>>
      tpu.enqueue_indirect_dma source(%arg9 : memref<128x128xf32, #tpu.memory_space<vmem>>) target(%dma_start3A_402 : memref<10240x128xf32, #tpu.memory_space<vmem_shared>>) offsets(%dma_start3A_399 : memref<128xi32, #tpu.memory_space<vmem>>) semaphore(%arg13 : memref<!tpu.dma_semaphore, #tpu.memory_space<semaphore_mem>>) {add = true}
      %dma_wait3A_403 = arith.constant 0 : i32
      %dma_wait3A_404 = tpu.memref_slice %arg7[%add3A_384, %dma_wait3A_403] : memref<40x128xi32, #tpu.memory_space<vmem>> -> memref<1x128xi32, #tpu.memory_space<vmem>>
      %dma_wait3A_405 = tpu.memref_squeeze %dma_wait3A_404 : memref<1x128xi32, #tpu.memory_space<vmem>> -> memref<128xi32, #tpu.memory_space<vmem>>
      %dma_wait3A_406 = arith.constant 0 : i32
      %dma_wait3A_407 = arith.constant 0 : i32
      %dma_wait3A_408 = tpu.memref_slice %arg2[%dma_wait3A_406, %dma_wait3A_407] : memref<10000x128xf32, #tpu.memory_space<hbm>> -> memref<10000x128xf32, #tpu.memory_space<hbm>>
      tpu.wait_indirect_dma semaphore(%arg12 : memref<!tpu.dma_semaphore, #tpu.memory_space<semaphore_mem>>) src(%dma_wait3A_408 : memref<10000x128xf32, #tpu.memory_space<hbm>>) dst(%arg10 : memref<128x128xf32, #tpu.memory_space<vmem>>)
      %dma_wait3A_409 = arith.constant 0 : i32
      %dma_wait3A_410 = tpu.memref_slice %arg8[%mul3A_380, %dma_wait3A_409] : memref<40x128xi32, #tpu.memory_space<vmem>> -> memref<1x128xi32, #tpu.memory_space<vmem>>
      %dma_wait3A_411 = tpu.memref_squeeze %dma_wait3A_410 : memref<1x128xi32, #tpu.memory_space<vmem>> -> memref<128xi32, #tpu.memory_space<vmem>>
      %dma_wait3A_412 = arith.constant 0 : i32
      %dma_wait3A_413 = arith.constant 0 : i32
      %dma_wait3A_414 = tpu.memref_slice %arg15[%dma_wait3A_412, %dma_wait3A_413] : memref<10240x128xf32, #tpu.memory_space<vmem_shared>> -> memref<10240x128xf32, #tpu.memory_space<vmem_shared>>
      tpu.wait_indirect_dma semaphore(%arg13 : memref<!tpu.dma_semaphore, #tpu.memory_space<semaphore_mem>>) src(%arg9 : memref<128x128xf32, #tpu.memory_space<vmem>>) dst(%dma_wait3A_414 : memref<10240x128xf32, #tpu.memory_space<vmem_shared>>)
      %add3A_415 = arith.constant 2 : i32
      %add3A_416 = arith.addi %mul3A_380, %add3A_415 : i32
      %dma_start3A_417 = arith.constant 0 : i32
      %dma_start3A_418 = tpu.memref_slice %arg7[%add3A_416, %dma_start3A_417] : memref<40x128xi32, #tpu.memory_space<vmem>> -> memref<1x128xi32, #tpu.memory_space<vmem>>
      %dma_start3A_419 = tpu.memref_squeeze %dma_start3A_418 : memref<1x128xi32, #tpu.memory_space<vmem>> -> memref<128xi32, #tpu.memory_space<vmem>>
      %dma_start3A_420 = arith.constant 0 : i32
      %dma_start3A_421 = arith.constant 0 : i32
      %dma_start3A_422 = tpu.memref_slice %arg2[%dma_start3A_420, %dma_start3A_421] : memref<10000x128xf32, #tpu.memory_space<hbm>> -> memref<10000x128xf32, #tpu.memory_space<hbm>>
      tpu.enqueue_indirect_dma source(%dma_start3A_422 : memref<10000x128xf32, #tpu.memory_space<hbm>>) target(%arg9 : memref<128x128xf32, #tpu.memory_space<vmem>>) offsets(%dma_start3A_419 : memref<128xi32, #tpu.memory_space<vmem>>) semaphore(%arg11 : memref<!tpu.dma_semaphore, #tpu.memory_space<semaphore_mem>>)
      %dma_start3A_423 = arith.constant 0 : i32
      %dma_start3A_424 = tpu.memref_slice %arg8[%add3A_384, %dma_start3A_423] : memref<40x128xi32, #tpu.memory_space<vmem>> -> memref<1x128xi32, #tpu.memory_space<vmem>>
      %dma_start3A_425 = tpu.memref_squeeze %dma_start3A_424 : memref<1x128xi32, #tpu.memory_space<vmem>> -> memref<128xi32, #tpu.memory_space<vmem>>
      %dma_start3A_426 = arith.constant 0 : i32
      %dma_start3A_427 = arith.constant 0 : i32
      %dma_start3A_428 = tpu.memref_slice %arg15[%dma_start3A_426, %dma_start3A_427] : memref<10240x128xf32, #tpu.memory_space<vmem_shared>> -> memref<10240x128xf32, #tpu.memory_space<vmem_shared>>
      tpu.enqueue_indirect_dma source(%arg10 : memref<128x128xf32, #tpu.memory_space<vmem>>) target(%dma_start3A_428 : memref<10240x128xf32, #tpu.memory_space<vmem_shared>>) offsets(%dma_start3A_425 : memref<128xi32, #tpu.memory_space<vmem>>) semaphore(%arg14 : memref<!tpu.dma_semaphore, #tpu.memory_space<semaphore_mem>>) {add = true}
      %dma_wait3A_429 = arith.constant 0 : i32
      %dma_wait3A_430 = tpu.memref_slice %arg8[%add3A_384, %dma_wait3A_429] : memref<40x128xi32, #tpu.memory_space<vmem>> -> memref<1x128xi32, #tpu.memory_space<vmem>>
      %dma_wait3A_431 = tpu.memref_squeeze %dma_wait3A_430 : memref<1x128xi32, #tpu.memory_space<vmem>> -> memref<128xi32, #tpu.memory_space<vmem>>
      %dma_wait3A_432 = arith.constant 0 : i32
      %dma_wait3A_433 = arith.constant 0 : i32
      %dma_wait3A_434 = tpu.memref_slice %arg15[%dma_wait3A_432, %dma_wait3A_433] : memref<10240x128xf32, #tpu.memory_space<vmem_shared>> -> memref<10240x128xf32, #tpu.memory_space<vmem_shared>>
      tpu.wait_indirect_dma semaphore(%arg14 : memref<!tpu.dma_semaphore, #tpu.memory_space<semaphore_mem>>) src(%arg10 : memref<128x128xf32, #tpu.memory_space<vmem>>) dst(%dma_wait3A_434 : memref<10240x128xf32, #tpu.memory_space<vmem_shared>>)
    }
    %scan3A_167 = arith.constant 18 : i32
    %scan3A_168 = arith.addi %scan3A_163, %scan3A_167 : i32
    %mul3A_169 = arith.constant 1 : i32
    %mul3A_170 = arith.muli %scan3A_168, %mul3A_169 : i32
    %add3A_171 = arith.constant 0 : i32
    %add3A_172 = arith.addi %add3A_171, %mul3A_170 : i32
    %mul3A_173 = arith.constant 2 : i32
    %mul3A_174 = arith.muli %mul3A_173, %add3A_172 : i32
    %mul3A_175 = arith.constant 2 : i32
    %mul3A_176 = arith.muli %mul3A_175, %add3A_172 : i32
    %add3A_177 = arith.constant 1 : i32
    %add3A_178 = arith.addi %mul3A_176, %add3A_177 : i32
    %dma_start3A_179 = arith.constant 0 : i32
    %dma_start3A_180 = tpu.memref_slice %arg7[%add3A_178, %dma_start3A_179] : memref<40x128xi32, #tpu.memory_space<vmem>> -> memref<1x128xi32, #tpu.memory_space<vmem>>
    %dma_start3A_181 = tpu.memref_squeeze %dma_start3A_180 : memref<1x128xi32, #tpu.memory_space<vmem>> -> memref<128xi32, #tpu.memory_space<vmem>>
    %dma_start3A_182 = arith.constant 0 : i32
    %dma_start3A_183 = arith.constant 0 : i32
    %dma_start3A_184 = tpu.memref_slice %arg2[%dma_start3A_182, %dma_start3A_183] : memref<10000x128xf32, #tpu.memory_space<hbm>> -> memref<10000x128xf32, #tpu.memory_space<hbm>>
    tpu.enqueue_indirect_dma source(%dma_start3A_184 : memref<10000x128xf32, #tpu.memory_space<hbm>>) target(%arg10 : memref<128x128xf32, #tpu.memory_space<vmem>>) offsets(%dma_start3A_181 : memref<128xi32, #tpu.memory_space<vmem>>) semaphore(%arg12 : memref<!tpu.dma_semaphore, #tpu.memory_space<semaphore_mem>>)
    %dma_wait3A_185 = arith.constant 0 : i32
    %dma_wait3A_186 = tpu.memref_slice %arg7[%mul3A_174, %dma_wait3A_185] : memref<40x128xi32, #tpu.memory_space<vmem>> -> memref<1x128xi32, #tpu.memory_space<vmem>>
    %dma_wait3A_187 = tpu.memref_squeeze %dma_wait3A_186 : memref<1x128xi32, #tpu.memory_space<vmem>> -> memref<128xi32, #tpu.memory_space<vmem>>
    %dma_wait3A_188 = arith.constant 0 : i32
    %dma_wait3A_189 = arith.constant 0 : i32
    %dma_wait3A_190 = tpu.memref_slice %arg2[%dma_wait3A_188, %dma_wait3A_189] : memref<10000x128xf32, #tpu.memory_space<hbm>> -> memref<10000x128xf32, #tpu.memory_space<hbm>>
    tpu.wait_indirect_dma semaphore(%arg11 : memref<!tpu.dma_semaphore, #tpu.memory_space<semaphore_mem>>) src(%dma_wait3A_190 : memref<10000x128xf32, #tpu.memory_space<hbm>>) dst(%arg9 : memref<128x128xf32, #tpu.memory_space<vmem>>)
    %dma_start3A_191 = arith.constant 0 : i32
    %dma_start3A_192 = tpu.memref_slice %arg8[%mul3A_174, %dma_start3A_191] : memref<40x128xi32, #tpu.memory_space<vmem>> -> memref<1x128xi32, #tpu.memory_space<vmem>>
    %dma_start3A_193 = tpu.memref_squeeze %dma_start3A_192 : memref<1x128xi32, #tpu.memory_space<vmem>> -> memref<128xi32, #tpu.memory_space<vmem>>
    %dma_start3A_194 = arith.constant 0 : i32
    %dma_start3A_195 = arith.constant 0 : i32
    %dma_start3A_196 = tpu.memref_slice %arg15[%dma_start3A_194, %dma_start3A_195] : memref<10240x128xf32, #tpu.memory_space<vmem_shared>> -> memref<10240x128xf32, #tpu.memory_space<vmem_shared>>
    tpu.enqueue_indirect_dma source(%arg9 : memref<128x128xf32, #tpu.memory_space<vmem>>) target(%dma_start3A_196 : memref<10240x128xf32, #tpu.memory_space<vmem_shared>>) offsets(%dma_start3A_193 : memref<128xi32, #tpu.memory_space<vmem>>) semaphore(%arg13 : memref<!tpu.dma_semaphore, #tpu.memory_space<semaphore_mem>>) {add = true}
    %dma_wait3A_197 = arith.constant 0 : i32
    %dma_wait3A_198 = tpu.memref_slice %arg7[%add3A_178, %dma_wait3A_197] : memref<40x128xi32, #tpu.memory_space<vmem>> -> memref<1x128xi32, #tpu.memory_space<vmem>>
    %dma_wait3A_199 = tpu.memref_squeeze %dma_wait3A_198 : memref<1x128xi32, #tpu.memory_space<vmem>> -> memref<128xi32, #tpu.memory_space<vmem>>
    %dma_wait3A_200 = arith.constant 0 : i32
    %dma_wait3A_201 = arith.constant 0 : i32
    %dma_wait3A_202 = tpu.memref_slice %arg2[%dma_wait3A_200, %dma_wait3A_201] : memref<10000x128xf32, #tpu.memory_space<hbm>> -> memref<10000x128xf32, #tpu.memory_space<hbm>>
    tpu.wait_indirect_dma semaphore(%arg12 : memref<!tpu.dma_semaphore, #tpu.memory_space<semaphore_mem>>) src(%dma_wait3A_202 : memref<10000x128xf32, #tpu.memory_space<hbm>>) dst(%arg10 : memref<128x128xf32, #tpu.memory_space<vmem>>)
    %dma_wait3A_203 = arith.constant 0 : i32
    %dma_wait3A_204 = tpu.memref_slice %arg8[%mul3A_174, %dma_wait3A_203] : memref<40x128xi32, #tpu.memory_space<vmem>> -> memref<1x128xi32, #tpu.memory_space<vmem>>
    %dma_wait3A_205 = tpu.memref_squeeze %dma_wait3A_204 : memref<1x128xi32, #tpu.memory_space<vmem>> -> memref<128xi32, #tpu.memory_space<vmem>>
    %dma_wait3A_206 = arith.constant 0 : i32
    %dma_wait3A_207 = arith.constant 0 : i32
    %dma_wait3A_208 = tpu.memref_slice %arg15[%dma_wait3A_206, %dma_wait3A_207] : memref<10240x128xf32, #tpu.memory_space<vmem_shared>> -> memref<10240x128xf32, #tpu.memory_space<vmem_shared>>
    tpu.wait_indirect_dma semaphore(%arg13 : memref<!tpu.dma_semaphore, #tpu.memory_space<semaphore_mem>>) src(%arg9 : memref<128x128xf32, #tpu.memory_space<vmem>>) dst(%dma_wait3A_208 : memref<10240x128xf32, #tpu.memory_space<vmem_shared>>)
    %add3A_209 = arith.constant 2 : i32
    %add3A_210 = arith.addi %mul3A_174, %add3A_209 : i32
    %dma_start3A_211 = arith.constant 0 : i32
    %dma_start3A_212 = tpu.memref_slice %arg7[%add3A_210, %dma_start3A_211] : memref<40x128xi32, #tpu.memory_space<vmem>> -> memref<1x128xi32, #tpu.memory_space<vmem>>
    %dma_start3A_213 = tpu.memref_squeeze %dma_start3A_212 : memref<1x128xi32, #tpu.memory_space<vmem>> -> memref<128xi32, #tpu.memory_space<vmem>>
    %dma_start3A_214 = arith.constant 0 : i32
    %dma_start3A_215 = arith.constant 0 : i32
    %dma_start3A_216 = tpu.memref_slice %arg2[%dma_start3A_214, %dma_start3A_215] : memref<10000x128xf32, #tpu.memory_space<hbm>> -> memref<10000x128xf32, #tpu.memory_space<hbm>>
    tpu.enqueue_indirect_dma source(%dma_start3A_216 : memref<10000x128xf32, #tpu.memory_space<hbm>>) target(%arg9 : memref<128x128xf32, #tpu.memory_space<vmem>>) offsets(%dma_start3A_213 : memref<128xi32, #tpu.memory_space<vmem>>) semaphore(%arg11 : memref<!tpu.dma_semaphore, #tpu.memory_space<semaphore_mem>>)
    %dma_start3A_217 = arith.constant 0 : i32
    %dma_start3A_218 = tpu.memref_slice %arg8[%add3A_178, %dma_start3A_217] : memref<40x128xi32, #tpu.memory_space<vmem>> -> memref<1x128xi32, #tpu.memory_space<vmem>>
    %dma_start3A_219 = tpu.memref_squeeze %dma_start3A_218 : memref<1x128xi32, #tpu.memory_space<vmem>> -> memref<128xi32, #tpu.memory_space<vmem>>
    %dma_start3A_220 = arith.constant 0 : i32
    %dma_start3A_221 = arith.constant 0 : i32
    %dma_start3A_222 = tpu.memref_slice %arg15[%dma_start3A_220, %dma_start3A_221] : memref<10240x128xf32, #tpu.memory_space<vmem_shared>> -> memref<10240x128xf32, #tpu.memory_space<vmem_shared>>
    tpu.enqueue_indirect_dma source(%arg10 : memref<128x128xf32, #tpu.memory_space<vmem>>) target(%dma_start3A_222 : memref<10240x128xf32, #tpu.memory_space<vmem_shared>>) offsets(%dma_start3A_219 : memref<128xi32, #tpu.memory_space<vmem>>) semaphore(%arg14 : memref<!tpu.dma_semaphore, #tpu.memory_space<semaphore_mem>>) {add = true}
    %dma_wait3A_223 = arith.constant 0 : i32
    %dma_wait3A_224 = tpu.memref_slice %arg8[%add3A_178, %dma_wait3A_223] : memref<40x128xi32, #tpu.memory_space<vmem>> -> memref<1x128xi32, #tpu.memory_space<vmem>>
    %dma_wait3A_225 = tpu.memref_squeeze %dma_wait3A_224 : memref<1x128xi32, #tpu.memory_space<vmem>> -> memref<128xi32, #tpu.memory_space<vmem>>
    %dma_wait3A_226 = arith.constant 0 : i32
    %dma_wait3A_227 = arith.constant 0 : i32
    %dma_wait3A_228 = tpu.memref_slice %arg15[%dma_wait3A_226, %dma_wait3A_227] : memref<10240x128xf32, #tpu.memory_space<vmem_shared>> -> memref<10240x128xf32, #tpu.memory_space<vmem_shared>>
    tpu.wait_indirect_dma semaphore(%arg14 : memref<!tpu.dma_semaphore, #tpu.memory_space<semaphore_mem>>) src(%arg10 : memref<128x128xf32, #tpu.memory_space<vmem>>) dst(%dma_wait3A_228 : memref<10240x128xf32, #tpu.memory_space<vmem_shared>>)
    %scan3A_229 = arith.constant 19 : i32
    %dma_start3A_230 = arith.constant 39 : i32
    %dma_start3A_231 = arith.constant 0 : i32
    %dma_start3A_232 = tpu.memref_slice %arg7[%dma_start3A_230, %dma_start3A_231] : memref<40x128xi32, #tpu.memory_space<vmem>> -> memref<1x128xi32, #tpu.memory_space<vmem>>
    %dma_start3A_233 = tpu.memref_squeeze %dma_start3A_232 : memref<1x128xi32, #tpu.memory_space<vmem>> -> memref<128xi32, #tpu.memory_space<vmem>>
    %dma_start3A_234 = arith.constant 0 : i32
    %dma_start3A_235 = arith.constant 0 : i32
    %dma_start3A_236 = tpu.memref_slice %arg2[%dma_start3A_234, %dma_start3A_235] : memref<10000x128xf32, #tpu.memory_space<hbm>> -> memref<10000x128xf32, #tpu.memory_space<hbm>>
    tpu.enqueue_indirect_dma source(%dma_start3A_236 : memref<10000x128xf32, #tpu.memory_space<hbm>>) target(%arg10 : memref<128x128xf32, #tpu.memory_space<vmem>>) offsets(%dma_start3A_233 : memref<128xi32, #tpu.memory_space<vmem>>) semaphore(%arg12 : memref<!tpu.dma_semaphore, #tpu.memory_space<semaphore_mem>>)
    %dma_wait3A_237 = arith.constant 38 : i32
    %dma_wait3A_238 = arith.constant 0 : i32
    %dma_wait3A_239 = tpu.memref_slice %arg7[%dma_wait3A_237, %dma_wait3A_238] : memref<40x128xi32, #tpu.memory_space<vmem>> -> memref<1x128xi32, #tpu.memory_space<vmem>>
    %dma_wait3A_240 = tpu.memref_squeeze %dma_wait3A_239 : memref<1x128xi32, #tpu.memory_space<vmem>> -> memref<128xi32, #tpu.memory_space<vmem>>
    %dma_wait3A_241 = arith.constant 0 : i32
    %dma_wait3A_242 = arith.constant 0 : i32
    %dma_wait3A_243 = tpu.memref_slice %arg2[%dma_wait3A_241, %dma_wait3A_242] : memref<10000x128xf32, #tpu.memory_space<hbm>> -> memref<10000x128xf32, #tpu.memory_space<hbm>>
    tpu.wait_indirect_dma semaphore(%arg11 : memref<!tpu.dma_semaphore, #tpu.memory_space<semaphore_mem>>) src(%dma_wait3A_243 : memref<10000x128xf32, #tpu.memory_space<hbm>>) dst(%arg9 : memref<128x128xf32, #tpu.memory_space<vmem>>)
    %dma_start3A_244 = arith.constant 38 : i32
    %dma_start3A_245 = arith.constant 0 : i32
    %dma_start3A_246 = tpu.memref_slice %arg8[%dma_start3A_244, %dma_start3A_245] : memref<40x128xi32, #tpu.memory_space<vmem>> -> memref<1x128xi32, #tpu.memory_space<vmem>>
    %dma_start3A_247 = tpu.memref_squeeze %dma_start3A_246 : memref<1x128xi32, #tpu.memory_space<vmem>> -> memref<128xi32, #tpu.memory_space<vmem>>
    %dma_start3A_248 = arith.constant 0 : i32
    %dma_start3A_249 = arith.constant 0 : i32
    %dma_start3A_250 = tpu.memref_slice %arg15[%dma_start3A_248, %dma_start3A_249] : memref<10240x128xf32, #tpu.memory_space<vmem_shared>> -> memref<10240x128xf32, #tpu.memory_space<vmem_shared>>
    tpu.enqueue_indirect_dma source(%arg9 : memref<128x128xf32, #tpu.memory_space<vmem>>) target(%dma_start3A_250 : memref<10240x128xf32, #tpu.memory_space<vmem_shared>>) offsets(%dma_start3A_247 : memref<128xi32, #tpu.memory_space<vmem>>) semaphore(%arg13 : memref<!tpu.dma_semaphore, #tpu.memory_space<semaphore_mem>>) {add = true}
    %dma_wait3A_251 = arith.constant 39 : i32
    %dma_wait3A_252 = arith.constant 0 : i32
    %dma_wait3A_253 = tpu.memref_slice %arg7[%dma_wait3A_251, %dma_wait3A_252] : memref<40x128xi32, #tpu.memory_space<vmem>> -> memref<1x128xi32, #tpu.memory_space<vmem>>
    %dma_wait3A_254 = tpu.memref_squeeze %dma_wait3A_253 : memref<1x128xi32, #tpu.memory_space<vmem>> -> memref<128xi32, #tpu.memory_space<vmem>>
    %dma_wait3A_255 = arith.constant 0 : i32
    %dma_wait3A_256 = arith.constant 0 : i32
    %dma_wait3A_257 = tpu.memref_slice %arg2[%dma_wait3A_255, %dma_wait3A_256] : memref<10000x128xf32, #tpu.memory_space<hbm>> -> memref<10000x128xf32, #tpu.memory_space<hbm>>
    tpu.wait_indirect_dma semaphore(%arg12 : memref<!tpu.dma_semaphore, #tpu.memory_space<semaphore_mem>>) src(%dma_wait3A_257 : memref<10000x128xf32, #tpu.memory_space<hbm>>) dst(%arg10 : memref<128x128xf32, #tpu.memory_space<vmem>>)
    %dma_wait3A_258 = arith.constant 38 : i32
    %dma_wait3A_259 = arith.constant 0 : i32
    %dma_wait3A_260 = tpu.memref_slice %arg8[%dma_wait3A_258, %dma_wait3A_259] : memref<40x128xi32, #tpu.memory_space<vmem>> -> memref<1x128xi32, #tpu.memory_space<vmem>>
    %dma_wait3A_261 = tpu.memref_squeeze %dma_wait3A_260 : memref<1x128xi32, #tpu.memory_space<vmem>> -> memref<128xi32, #tpu.memory_space<vmem>>
    %dma_wait3A_262 = arith.constant 0 : i32
    %dma_wait3A_263 = arith.constant 0 : i32
    %dma_wait3A_264 = tpu.memref_slice %arg15[%dma_wait3A_262, %dma_wait3A_263] : memref<10240x128xf32, #tpu.memory_space<vmem_shared>> -> memref<10240x128xf32, #tpu.memory_space<vmem_shared>>
    tpu.wait_indirect_dma semaphore(%arg13 : memref<!tpu.dma_semaphore, #tpu.memory_space<semaphore_mem>>) src(%arg9 : memref<128x128xf32, #tpu.memory_space<vmem>>) dst(%dma_wait3A_264 : memref<10240x128xf32, #tpu.memory_space<vmem_shared>>)
    %dma_start3A_265 = arith.constant 39 : i32
    %dma_start3A_266 = arith.constant 0 : i32
    %dma_start3A_267 = tpu.memref_slice %arg8[%dma_start3A_265, %dma_start3A_266] : memref<40x128xi32, #tpu.memory_space<vmem>> -> memref<1x128xi32, #tpu.memory_space<vmem>>
    %dma_start3A_268 = tpu.memref_squeeze %dma_start3A_267 : memref<1x128xi32, #tpu.memory_space<vmem>> -> memref<128xi32, #tpu.memory_space<vmem>>
    %dma_start3A_269 = arith.constant 0 : i32
    %dma_start3A_270 = arith.constant 0 : i32
    %dma_start3A_271 = tpu.memref_slice %arg15[%dma_start3A_269, %dma_start3A_270] : memref<10240x128xf32, #tpu.memory_space<vmem_shared>> -> memref<10240x128xf32, #tpu.memory_space<vmem_shared>>
    tpu.enqueue_indirect_dma source(%arg10 : memref<128x128xf32, #tpu.memory_space<vmem>>) target(%dma_start3A_271 : memref<10240x128xf32, #tpu.memory_space<vmem_shared>>) offsets(%dma_start3A_268 : memref<128xi32, #tpu.memory_space<vmem>>) semaphore(%arg14 : memref<!tpu.dma_semaphore, #tpu.memory_space<semaphore_mem>>) {add = true}
    %dma_wait3A_272 = arith.constant 39 : i32
    %dma_wait3A_273 = arith.constant 0 : i32
    %dma_wait3A_274 = tpu.memref_slice %arg8[%dma_wait3A_272, %dma_wait3A_273] : memref<40x128xi32, #tpu.memory_space<vmem>> -> memref<1x128xi32, #tpu.memory_space<vmem>>
    %dma_wait3A_275 = tpu.memref_squeeze %dma_wait3A_274 : memref<1x128xi32, #tpu.memory_space<vmem>> -> memref<128xi32, #tpu.memory_space<vmem>>
    %dma_wait3A_276 = arith.constant 0 : i32
    %dma_wait3A_277 = arith.constant 0 : i32
    %dma_wait3A_278 = tpu.memref_slice %arg15[%dma_wait3A_276, %dma_wait3A_277] : memref<10240x128xf32, #tpu.memory_space<vmem_shared>> -> memref<10240x128xf32, #tpu.memory_space<vmem_shared>>
    tpu.wait_indirect_dma semaphore(%arg14 : memref<!tpu.dma_semaphore, #tpu.memory_space<semaphore_mem>>) src(%arg10 : memref<128x128xf32, #tpu.memory_space<vmem>>) dst(%dma_wait3A_278 : memref<10240x128xf32, #tpu.memory_space<vmem_shared>>)
    %barrier3A_279 = arith.constant 0 : index
    tpu.barrier barrier_id(%barrier3A_279)
    %add3A_280 = arith.constant 0 : i32
    %add3A_281 = arith.addi %min3A_3, %add3A_280 : i32
    "tpu.region"() ({
      %run_scoped3A = tpu.sem_alloc : memref<!tpu.dma_semaphore, #tpu.memory_space<semaphore_mem>>
      %dma_start3A_312 = arith.constant 0 : i32
      %dma_start3A_313 = arith.constant 0 : i32
      %dma_start3A_314 = tpu.memref_slice %arg9[%dma_start3A_312, %dma_start3A_313] : memref<128x128xf32, #tpu.memory_space<vmem>> -> memref<80x128xf32, #tpu.memory_space<vmem>>
      %dma_start3A_315 = arith.constant 0 : i32
      %dma_start3A_316 = tpu.memref_slice %arg15[%add3A_281, %dma_start3A_315] : memref<10240x128xf32, #tpu.memory_space<vmem_shared>> -> memref<80x128xf32, #tpu.memory_space<vmem_shared>>
      %dma_start3A_317 = arith.constant 0 : i32
      %dma_start3A_318 = arith.constant 0 : i32
      %dma_start3A_319 = tpu.memref_slice %arg9[%dma_start3A_317, %dma_start3A_318] : memref<128x128xf32, #tpu.memory_space<vmem>> -> memref<80x128xf32, #tpu.memory_space<vmem>>
      %dma_start3A_320 = arith.constant 0 : i32
      %dma_start3A_321 = tpu.memref_slice %arg15[%add3A_281, %dma_start3A_320] : memref<10240x128xf32, #tpu.memory_space<vmem_shared>> -> memref<80x128xf32, #tpu.memory_space<vmem_shared>>
      tpu.enqueue_dma source(%dma_start3A_321 : memref<80x128xf32, #tpu.memory_space<vmem_shared>>) target(%dma_start3A_319 : memref<80x128xf32, #tpu.memory_space<vmem>>) target_semaphore(%run_scoped3A : memref<!tpu.dma_semaphore, #tpu.memory_space<semaphore_mem>>)
      %dma_wait3A_322 = arith.constant 0 : i32
      %dma_wait3A_323 = arith.constant 0 : i32
      %dma_wait3A_324 = tpu.memref_slice %arg9[%dma_wait3A_322, %dma_wait3A_323] : memref<128x128xf32, #tpu.memory_space<vmem>> -> memref<80x128xf32, #tpu.memory_space<vmem>>
      %dma_wait3A_325 = arith.constant 0 : i32
      %dma_wait3A_326 = tpu.memref_slice %arg15[%add3A_281, %dma_wait3A_325] : memref<10240x128xf32, #tpu.memory_space<vmem_shared>> -> memref<80x128xf32, #tpu.memory_space<vmem_shared>>
      %dma_wait3A_327 = arith.constant 0 : i32
      %dma_wait3A_328 = arith.constant 0 : i32
      %dma_wait3A_329 = tpu.memref_slice %arg9[%dma_wait3A_327, %dma_wait3A_328] : memref<128x128xf32, #tpu.memory_space<vmem>> -> memref<80x128xf32, #tpu.memory_space<vmem>>
      %dma_wait3A_330 = arith.constant 0 : i32
      %dma_wait3A_331 = tpu.memref_slice %arg15[%add3A_281, %dma_wait3A_330] : memref<10240x128xf32, #tpu.memory_space<vmem_shared>> -> memref<80x128xf32, #tpu.memory_space<vmem_shared>>
      tpu.wait_dma2 semaphore(%run_scoped3A : memref<!tpu.dma_semaphore, #tpu.memory_space<semaphore_mem>>) src(%dma_wait3A_331 : memref<80x128xf32, #tpu.memory_space<vmem_shared>>) dst(%dma_wait3A_329 : memref<80x128xf32, #tpu.memory_space<vmem>>)
      tpu.yield
    }) : () -> ()
    %add3A_282 = arith.constant 0 : i32
    %add3A_283 = arith.addi %min3A_3, %add3A_282 : i32
    "tpu.region"() ({
      %run_scoped3A = tpu.sem_alloc : memref<!tpu.dma_semaphore, #tpu.memory_space<semaphore_mem>>
      %dma_start3A_312 = arith.constant 0 : i32
      %dma_start3A_313 = arith.constant 0 : i32
      %dma_start3A_314 = tpu.memref_slice %arg9[%dma_start3A_312, %dma_start3A_313] : memref<128x128xf32, #tpu.memory_space<vmem>> -> memref<80x128xf32, #tpu.memory_space<vmem>>
      %dma_start3A_315 = arith.constant 0 : i32
      %dma_start3A_316 = tpu.memref_slice %arg6[%arg0, %add3A_283, %dma_start3A_315] : memref<2x10000x128xf32, #tpu.memory_space<hbm>> -> memref<1x80x128xf32, #tpu.memory_space<hbm>>
      %dma_start3A_317 = tpu.memref_squeeze %dma_start3A_316 : memref<1x80x128xf32, #tpu.memory_space<hbm>> -> memref<80x128xf32, #tpu.memory_space<hbm>>
      %dma_start3A_318 = arith.constant 0 : i32
      %dma_start3A_319 = tpu.memref_slice %arg6[%arg0, %add3A_283, %dma_start3A_318] : memref<2x10000x128xf32, #tpu.memory_space<hbm>> -> memref<1x80x128xf32, #tpu.memory_space<hbm>>
      %dma_start3A_320 = tpu.memref_squeeze %dma_start3A_319 : memref<1x80x128xf32, #tpu.memory_space<hbm>> -> memref<80x128xf32, #tpu.memory_space<hbm>>
      %dma_start3A_321 = arith.constant 0 : i32
      %dma_start3A_322 = arith.constant 0 : i32
      %dma_start3A_323 = tpu.memref_slice %arg9[%dma_start3A_321, %dma_start3A_322] : memref<128x128xf32, #tpu.memory_space<vmem>> -> memref<80x128xf32, #tpu.memory_space<vmem>>
      tpu.enqueue_dma source(%dma_start3A_323 : memref<80x128xf32, #tpu.memory_space<vmem>>) target(%dma_start3A_320 : memref<80x128xf32, #tpu.memory_space<hbm>>) target_semaphore(%run_scoped3A : memref<!tpu.dma_semaphore, #tpu.memory_space<semaphore_mem>>)
      %dma_wait3A_324 = arith.constant 0 : i32
      %dma_wait3A_325 = arith.constant 0 : i32
      %dma_wait3A_326 = tpu.memref_slice %arg9[%dma_wait3A_324, %dma_wait3A_325] : memref<128x128xf32, #tpu.memory_space<vmem>> -> memref<80x128xf32, #tpu.memory_space<vmem>>
      %dma_wait3A_327 = arith.constant 0 : i32
      %dma_wait3A_328 = tpu.memref_slice %arg6[%arg0, %add3A_283, %dma_wait3A_327] : memref<2x10000x128xf32, #tpu.memory_space<hbm>> -> memref<1x80x128xf32, #tpu.memory_space<hbm>>
      %dma_wait3A_329 = tpu.memref_squeeze %dma_wait3A_328 : memref<1x80x128xf32, #tpu.memory_space<hbm>> -> memref<80x128xf32, #tpu.memory_space<hbm>>
      %dma_wait3A_330 = arith.constant 0 : i32
      %dma_wait3A_331 = tpu.memref_slice %arg6[%arg0, %add3A_283, %dma_wait3A_330] : memref<2x10000x128xf32, #tpu.memory_space<hbm>> -> memref<1x80x128xf32, #tpu.memory_space<hbm>>
      %dma_wait3A_332 = tpu.memref_squeeze %dma_wait3A_331 : memref<1x80x128xf32, #tpu.memory_space<hbm>> -> memref<80x128xf32, #tpu.memory_space<hbm>>
      %dma_wait3A_333 = arith.constant 0 : i32
      %dma_wait3A_334 = arith.constant 0 : i32
      %dma_wait3A_335 = tpu.memref_slice %arg9[%dma_wait3A_333, %dma_wait3A_334] : memref<128x128xf32, #tpu.memory_space<vmem>> -> memref<80x128xf32, #tpu.memory_space<vmem>>
      tpu.wait_dma2 semaphore(%run_scoped3A : memref<!tpu.dma_semaphore, #tpu.memory_space<semaphore_mem>>) src(%dma_wait3A_335 : memref<80x128xf32, #tpu.memory_space<vmem>>) dst(%dma_wait3A_332 : memref<80x128xf32, #tpu.memory_space<hbm>>)
      tpu.yield
    }) : () -> ()
    %add3A_284 = arith.constant 80 : i32
    %add3A_285 = arith.addi %min3A_3, %add3A_284 : i32
    "tpu.region"() ({
      %run_scoped3A = tpu.sem_alloc : memref<!tpu.dma_semaphore, #tpu.memory_space<semaphore_mem>>
      %dma_start3A_312 = arith.constant 0 : i32
      %dma_start3A_313 = arith.constant 0 : i32
      %dma_start3A_314 = tpu.memref_slice %arg9[%dma_start3A_312, %dma_start3A_313] : memref<128x128xf32, #tpu.memory_space<vmem>> -> memref<80x128xf32, #tpu.memory_space<vmem>>
      %dma_start3A_315 = arith.constant 0 : i32
      %dma_start3A_316 = tpu.memref_slice %arg15[%add3A_285, %dma_start3A_315] : memref<10240x128xf32, #tpu.memory_space<vmem_shared>> -> memref<80x128xf32, #tpu.memory_space<vmem_shared>>
      %dma_start3A_317 = arith.constant 0 : i32
      %dma_start3A_318 = arith.constant 0 : i32
      %dma_start3A_319 = tpu.memref_slice %arg9[%dma_start3A_317, %dma_start3A_318] : memref<128x128xf32, #tpu.memory_space<vmem>> -> memref<80x128xf32, #tpu.memory_space<vmem>>
      %dma_start3A_320 = arith.constant 0 : i32
      %dma_start3A_321 = tpu.memref_slice %arg15[%add3A_285, %dma_start3A_320] : memref<10240x128xf32, #tpu.memory_space<vmem_shared>> -> memref<80x128xf32, #tpu.memory_space<vmem_shared>>
      tpu.enqueue_dma source(%dma_start3A_321 : memref<80x128xf32, #tpu.memory_space<vmem_shared>>) target(%dma_start3A_319 : memref<80x128xf32, #tpu.memory_space<vmem>>) target_semaphore(%run_scoped3A : memref<!tpu.dma_semaphore, #tpu.memory_space<semaphore_mem>>)
      %dma_wait3A_322 = arith.constant 0 : i32
      %dma_wait3A_323 = arith.constant 0 : i32
      %dma_wait3A_324 = tpu.memref_slice %arg9[%dma_wait3A_322, %dma_wait3A_323] : memref<128x128xf32, #tpu.memory_space<vmem>> -> memref<80x128xf32, #tpu.memory_space<vmem>>
      %dma_wait3A_325 = arith.constant 0 : i32
      %dma_wait3A_326 = tpu.memref_slice %arg15[%add3A_285, %dma_wait3A_325] : memref<10240x128xf32, #tpu.memory_space<vmem_shared>> -> memref<80x128xf32, #tpu.memory_space<vmem_shared>>
      %dma_wait3A_327 = arith.constant 0 : i32
      %dma_wait3A_328 = arith.constant 0 : i32
      %dma_wait3A_329 = tpu.memref_slice %arg9[%dma_wait3A_327, %dma_wait3A_328] : memref<128x128xf32, #tpu.memory_space<vmem>> -> memref<80x128xf32, #tpu.memory_space<vmem>>
      %dma_wait3A_330 = arith.constant 0 : i32
      %dma_wait3A_331 = tpu.memref_slice %arg15[%add3A_285, %dma_wait3A_330] : memref<10240x128xf32, #tpu.memory_space<vmem_shared>> -> memref<80x128xf32, #tpu.memory_space<vmem_shared>>
      tpu.wait_dma2 semaphore(%run_scoped3A : memref<!tpu.dma_semaphore, #tpu.memory_space<semaphore_mem>>) src(%dma_wait3A_331 : memref<80x128xf32, #tpu.memory_space<vmem_shared>>) dst(%dma_wait3A_329 : memref<80x128xf32, #tpu.memory_space<vmem>>)
      tpu.yield
    }) : () -> ()
    %add3A_286 = arith.constant 80 : i32
    %add3A_287 = arith.addi %min3A_3, %add3A_286 : i32
    "tpu.region"() ({
      %run_scoped3A = tpu.sem_alloc : memref<!tpu.dma_semaphore, #tpu.memory_space<semaphore_mem>>
      %dma_start3A_312 = arith.constant 0 : i32
      %dma_start3A_313 = arith.constant 0 : i32
      %dma_start3A_314 = tpu.memref_slice %arg9[%dma_start3A_312, %dma_start3A_313] : memref<128x128xf32, #tpu.memory_space<vmem>> -> memref<80x128xf32, #tpu.memory_space<vmem>>
      %dma_start3A_315 = arith.constant 0 : i32
      %dma_start3A_316 = tpu.memref_slice %arg6[%arg0, %add3A_287, %dma_start3A_315] : memref<2x10000x128xf32, #tpu.memory_space<hbm>> -> memref<1x80x128xf32, #tpu.memory_space<hbm>>
      %dma_start3A_317 = tpu.memref_squeeze %dma_start3A_316 : memref<1x80x128xf32, #tpu.memory_space<hbm>> -> memref<80x128xf32, #tpu.memory_space<hbm>>
      %dma_start3A_318 = arith.constant 0 : i32
      %dma_start3A_319 = tpu.memref_slice %arg6[%arg0, %add3A_287, %dma_start3A_318] : memref<2x10000x128xf32, #tpu.memory_space<hbm>> -> memref<1x80x128xf32, #tpu.memory_space<hbm>>
      %dma_start3A_320 = tpu.memref_squeeze %dma_start3A_319 : memref<1x80x128xf32, #tpu.memory_space<hbm>> -> memref<80x128xf32, #tpu.memory_space<hbm>>
      %dma_start3A_321 = arith.constant 0 : i32
      %dma_start3A_322 = arith.constant 0 : i32
      %dma_start3A_323 = tpu.memref_slice %arg9[%dma_start3A_321, %dma_start3A_322] : memref<128x128xf32, #tpu.memory_space<vmem>> -> memref<80x128xf32, #tpu.memory_space<vmem>>
      tpu.enqueue_dma source(%dma_start3A_323 : memref<80x128xf32, #tpu.memory_space<vmem>>) target(%dma_start3A_320 : memref<80x128xf32, #tpu.memory_space<hbm>>) target_semaphore(%run_scoped3A : memref<!tpu.dma_semaphore, #tpu.memory_space<semaphore_mem>>)
      %dma_wait3A_324 = arith.constant 0 : i32
      %dma_wait3A_325 = arith.constant 0 : i32
      %dma_wait3A_326 = tpu.memref_slice %arg9[%dma_wait3A_324, %dma_wait3A_325] : memref<128x128xf32, #tpu.memory_space<vmem>> -> memref<80x128xf32, #tpu.memory_space<vmem>>
      %dma_wait3A_327 = arith.constant 0 : i32
      %dma_wait3A_328 = tpu.memref_slice %arg6[%arg0, %add3A_287, %dma_wait3A_327] : memref<2x10000x128xf32, #tpu.memory_space<hbm>> -> memref<1x80x128xf32, #tpu.memory_space<hbm>>
      %dma_wait3A_329 = tpu.memref_squeeze %dma_wait3A_328 : memref<1x80x128xf32, #tpu.memory_space<hbm>> -> memref<80x128xf32, #tpu.memory_space<hbm>>
      %dma_wait3A_330 = arith.constant 0 : i32
      %dma_wait3A_331 = tpu.memref_slice %arg6[%arg0, %add3A_287, %dma_wait3A_330] : memref<2x10000x128xf32, #tpu.memory_space<hbm>> -> memref<1x80x128xf32, #tpu.memory_space<hbm>>
      %dma_wait3A_332 = tpu.memref_squeeze %dma_wait3A_331 : memref<1x80x128xf32, #tpu.memory_space<hbm>> -> memref<80x128xf32, #tpu.memory_space<hbm>>
      %dma_wait3A_333 = arith.constant 0 : i32
      %dma_wait3A_334 = arith.constant 0 : i32
      %dma_wait3A_335 = tpu.memref_slice %arg9[%dma_wait3A_333, %dma_wait3A_334] : memref<128x128xf32, #tpu.memory_space<vmem>> -> memref<80x128xf32, #tpu.memory_space<vmem>>
      tpu.wait_dma2 semaphore(%run_scoped3A : memref<!tpu.dma_semaphore, #tpu.memory_space<semaphore_mem>>) src(%dma_wait3A_335 : memref<80x128xf32, #tpu.memory_space<vmem>>) dst(%dma_wait3A_332 : memref<80x128xf32, #tpu.memory_space<hbm>>)
      tpu.yield
    }) : () -> ()
    %add3A_288 = arith.constant 160 : i32
    %add3A_289 = arith.addi %min3A_3, %add3A_288 : i32
    "tpu.region"() ({
      %run_scoped3A = tpu.sem_alloc : memref<!tpu.dma_semaphore, #tpu.memory_space<semaphore_mem>>
      %dma_start3A_312 = arith.constant 0 : i32
      %dma_start3A_313 = arith.constant 0 : i32
      %dma_start3A_314 = tpu.memref_slice %arg9[%dma_start3A_312, %dma_start3A_313] : memref<128x128xf32, #tpu.memory_space<vmem>> -> memref<80x128xf32, #tpu.memory_space<vmem>>
      %dma_start3A_315 = arith.constant 0 : i32
      %dma_start3A_316 = tpu.memref_slice %arg15[%add3A_289, %dma_start3A_315] : memref<10240x128xf32, #tpu.memory_space<vmem_shared>> -> memref<80x128xf32, #tpu.memory_space<vmem_shared>>
      %dma_start3A_317 = arith.constant 0 : i32
      %dma_start3A_318 = arith.constant 0 : i32
      %dma_start3A_319 = tpu.memref_slice %arg9[%dma_start3A_317, %dma_start3A_318] : memref<128x128xf32, #tpu.memory_space<vmem>> -> memref<80x128xf32, #tpu.memory_space<vmem>>
      %dma_start3A_320 = arith.constant 0 : i32
      %dma_start3A_321 = tpu.memref_slice %arg15[%add3A_289, %dma_start3A_320] : memref<10240x128xf32, #tpu.memory_space<vmem_shared>> -> memref<80x128xf32, #tpu.memory_space<vmem_shared>>
      tpu.enqueue_dma source(%dma_start3A_321 : memref<80x128xf32, #tpu.memory_space<vmem_shared>>) target(%dma_start3A_319 : memref<80x128xf32, #tpu.memory_space<vmem>>) target_semaphore(%run_scoped3A : memref<!tpu.dma_semaphore, #tpu.memory_space<semaphore_mem>>)
      %dma_wait3A_322 = arith.constant 0 : i32
      %dma_wait3A_323 = arith.constant 0 : i32
      %dma_wait3A_324 = tpu.memref_slice %arg9[%dma_wait3A_322, %dma_wait3A_323] : memref<128x128xf32, #tpu.memory_space<vmem>> -> memref<80x128xf32, #tpu.memory_space<vmem>>
      %dma_wait3A_325 = arith.constant 0 : i32
      %dma_wait3A_326 = tpu.memref_slice %arg15[%add3A_289, %dma_wait3A_325] : memref<10240x128xf32, #tpu.memory_space<vmem_shared>> -> memref<80x128xf32, #tpu.memory_space<vmem_shared>>
      %dma_wait3A_327 = arith.constant 0 : i32
      %dma_wait3A_328 = arith.constant 0 : i32
      %dma_wait3A_329 = tpu.memref_slice %arg9[%dma_wait3A_327, %dma_wait3A_328] : memref<128x128xf32, #tpu.memory_space<vmem>> -> memref<80x128xf32, #tpu.memory_space<vmem>>
      %dma_wait3A_330 = arith.constant 0 : i32
      %dma_wait3A_331 = tpu.memref_slice %arg15[%add3A_289, %dma_wait3A_330] : memref<10240x128xf32, #tpu.memory_space<vmem_shared>> -> memref<80x128xf32, #tpu.memory_space<vmem_shared>>
      tpu.wait_dma2 semaphore(%run_scoped3A : memref<!tpu.dma_semaphore, #tpu.memory_space<semaphore_mem>>) src(%dma_wait3A_331 : memref<80x128xf32, #tpu.memory_space<vmem_shared>>) dst(%dma_wait3A_329 : memref<80x128xf32, #tpu.memory_space<vmem>>)
      tpu.yield
    }) : () -> ()
    %add3A_290 = arith.constant 160 : i32
    %add3A_291 = arith.addi %min3A_3, %add3A_290 : i32
    "tpu.region"() ({
      %run_scoped3A = tpu.sem_alloc : memref<!tpu.dma_semaphore, #tpu.memory_space<semaphore_mem>>
      %dma_start3A_312 = arith.constant 0 : i32
      %dma_start3A_313 = arith.constant 0 : i32
      %dma_start3A_314 = tpu.memref_slice %arg9[%dma_start3A_312, %dma_start3A_313] : memref<128x128xf32, #tpu.memory_space<vmem>> -> memref<80x128xf32, #tpu.memory_space<vmem>>
      %dma_start3A_315 = arith.constant 0 : i32
      %dma_start3A_316 = tpu.memref_slice %arg6[%arg0, %add3A_291, %dma_start3A_315] : memref<2x10000x128xf32, #tpu.memory_space<hbm>> -> memref<1x80x128xf32, #tpu.memory_space<hbm>>
      %dma_start3A_317 = tpu.memref_squeeze %dma_start3A_316 : memref<1x80x128xf32, #tpu.memory_space<hbm>> -> memref<80x128xf32, #tpu.memory_space<hbm>>
      %dma_start3A_318 = arith.constant 0 : i32
      %dma_start3A_319 = tpu.memref_slice %arg6[%arg0, %add3A_291, %dma_start3A_318] : memref<2x10000x128xf32, #tpu.memory_space<hbm>> -> memref<1x80x128xf32, #tpu.memory_space<hbm>>
      %dma_start3A_320 = tpu.memref_squeeze %dma_start3A_319 : memref<1x80x128xf32, #tpu.memory_space<hbm>> -> memref<80x128xf32, #tpu.memory_space<hbm>>
      %dma_start3A_321 = arith.constant 0 : i32
      %dma_start3A_322 = arith.constant 0 : i32
      %dma_start3A_323 = tpu.memref_slice %arg9[%dma_start3A_321, %dma_start3A_322] : memref<128x128xf32, #tpu.memory_space<vmem>> -> memref<80x128xf32, #tpu.memory_space<vmem>>
      tpu.enqueue_dma source(%dma_start3A_323 : memref<80x128xf32, #tpu.memory_space<vmem>>) target(%dma_start3A_320 : memref<80x128xf32, #tpu.memory_space<hbm>>) target_semaphore(%run_scoped3A : memref<!tpu.dma_semaphore, #tpu.memory_space<semaphore_mem>>)
      %dma_wait3A_324 = arith.constant 0 : i32
      %dma_wait3A_325 = arith.constant 0 : i32
      %dma_wait3A_326 = tpu.memref_slice %arg9[%dma_wait3A_324, %dma_wait3A_325] : memref<128x128xf32, #tpu.memory_space<vmem>> -> memref<80x128xf32, #tpu.memory_space<vmem>>
      %dma_wait3A_327 = arith.constant 0 : i32
      %dma_wait3A_328 = tpu.memref_slice %arg6[%arg0, %add3A_291, %dma_wait3A_327] : memref<2x10000x128xf32, #tpu.memory_space<hbm>> -> memref<1x80x128xf32, #tpu.memory_space<hbm>>
      %dma_wait3A_329 = tpu.memref_squeeze %dma_wait3A_328 : memref<1x80x128xf32, #tpu.memory_space<hbm>> -> memref<80x128xf32, #tpu.memory_space<hbm>>
      %dma_wait3A_330 = arith.constant 0 : i32
      %dma_wait3A_331 = tpu.memref_slice %arg6[%arg0, %add3A_291, %dma_wait3A_330] : memref<2x10000x128xf32, #tpu.memory_space<hbm>> -> memref<1x80x128xf32, #tpu.memory_space<hbm>>
      %dma_wait3A_332 = tpu.memref_squeeze %dma_wait3A_331 : memref<1x80x128xf32, #tpu.memory_space<hbm>> -> memref<80x128xf32, #tpu.memory_space<hbm>>
      %dma_wait3A_333 = arith.constant 0 : i32
      %dma_wait3A_334 = arith.constant 0 : i32
      %dma_wait3A_335 = tpu.memref_slice %arg9[%dma_wait3A_333, %dma_wait3A_334] : memref<128x128xf32, #tpu.memory_space<vmem>> -> memref<80x128xf32, #tpu.memory_space<vmem>>
      tpu.wait_dma2 semaphore(%run_scoped3A : memref<!tpu.dma_semaphore, #tpu.memory_space<semaphore_mem>>) src(%dma_wait3A_335 : memref<80x128xf32, #tpu.memory_space<vmem>>) dst(%dma_wait3A_332 : memref<80x128xf32, #tpu.memory_space<hbm>>)
      tpu.yield
    }) : () -> ()
    %add3A_292 = arith.constant 240 : i32
    %add3A_293 = arith.addi %min3A_3, %add3A_292 : i32
    "tpu.region"() ({
      %run_scoped3A = tpu.sem_alloc : memref<!tpu.dma_semaphore, #tpu.memory_space<semaphore_mem>>
      %dma_start3A_312 = arith.constant 0 : i32
      %dma_start3A_313 = arith.constant 0 : i32
      %dma_start3A_314 = tpu.memref_slice %arg9[%dma_start3A_312, %dma_start3A_313] : memref<128x128xf32, #tpu.memory_space<vmem>> -> memref<80x128xf32, #tpu.memory_space<vmem>>
      %dma_start3A_315 = arith.constant 0 : i32
      %dma_start3A_316 = tpu.memref_slice %arg15[%add3A_293, %dma_start3A_315] : memref<10240x128xf32, #tpu.memory_space<vmem_shared>> -> memref<80x128xf32, #tpu.memory_space<vmem_shared>>
      %dma_start3A_317 = arith.constant 0 : i32
      %dma_start3A_318 = arith.constant 0 : i32
      %dma_start3A_319 = tpu.memref_slice %arg9[%dma_start3A_317, %dma_start3A_318] : memref<128x128xf32, #tpu.memory_space<vmem>> -> memref<80x128xf32, #tpu.memory_space<vmem>>
      %dma_start3A_320 = arith.constant 0 : i32
      %dma_start3A_321 = tpu.memref_slice %arg15[%add3A_293, %dma_start3A_320] : memref<10240x128xf32, #tpu.memory_space<vmem_shared>> -> memref<80x128xf32, #tpu.memory_space<vmem_shared>>
      tpu.enqueue_dma source(%dma_start3A_321 : memref<80x128xf32, #tpu.memory_space<vmem_shared>>) target(%dma_start3A_319 : memref<80x128xf32, #tpu.memory_space<vmem>>) target_semaphore(%run_scoped3A : memref<!tpu.dma_semaphore, #tpu.memory_space<semaphore_mem>>)
      %dma_wait3A_322 = arith.constant 0 : i32
      %dma_wait3A_323 = arith.constant 0 : i32
      %dma_wait3A_324 = tpu.memref_slice %arg9[%dma_wait3A_322, %dma_wait3A_323] : memref<128x128xf32, #tpu.memory_space<vmem>> -> memref<80x128xf32, #tpu.memory_space<vmem>>
      %dma_wait3A_325 = arith.constant 0 : i32
      %dma_wait3A_326 = tpu.memref_slice %arg15[%add3A_293, %dma_wait3A_325] : memref<10240x128xf32, #tpu.memory_space<vmem_shared>> -> memref<80x128xf32, #tpu.memory_space<vmem_shared>>
      %dma_wait3A_327 = arith.constant 0 : i32
      %dma_wait3A_328 = arith.constant 0 : i32
      %dma_wait3A_329 = tpu.memref_slice %arg9[%dma_wait3A_327, %dma_wait3A_328] : memref<128x128xf32, #tpu.memory_space<vmem>> -> memref<80x128xf32, #tpu.memory_space<vmem>>
      %dma_wait3A_330 = arith.constant 0 : i32
      %dma_wait3A_331 = tpu.memref_slice %arg15[%add3A_293, %dma_wait3A_330] : memref<10240x128xf32, #tpu.memory_space<vmem_shared>> -> memref<80x128xf32, #tpu.memory_space<vmem_shared>>
      tpu.wait_dma2 semaphore(%run_scoped3A : memref<!tpu.dma_semaphore, #tpu.memory_space<semaphore_mem>>) src(%dma_wait3A_331 : memref<80x128xf32, #tpu.memory_space<vmem_shared>>) dst(%dma_wait3A_329 : memref<80x128xf32, #tpu.memory_space<vmem>>)
      tpu.yield
    }) : () -> ()
    %add3A_294 = arith.constant 240 : i32
    %add3A_295 = arith.addi %min3A_3, %add3A_294 : i32
    "tpu.region"() ({
      %run_scoped3A = tpu.sem_alloc : memref<!tpu.dma_semaphore, #tpu.memory_space<semaphore_mem>>
      %dma_start3A_312 = arith.constant 0 : i32
      %dma_start3A_313 = arith.constant 0 : i32
      %dma_start3A_314 = tpu.memref_slice %arg9[%dma_start3A_312, %dma_start3A_313] : memref<128x128xf32, #tpu.memory_space<vmem>> -> memref<80x128xf32, #tpu.memory_space<vmem>>
      %dma_start3A_315 = arith.constant 0 : i32
      %dma_start3A_316 = tpu.memref_slice %arg6[%arg0, %add3A_295, %dma_start3A_315] : memref<2x10000x128xf32, #tpu.memory_space<hbm>> -> memref<1x80x128xf32, #tpu.memory_space<hbm>>
      %dma_start3A_317 = tpu.memref_squeeze %dma_start3A_316 : memref<1x80x128xf32, #tpu.memory_space<hbm>> -> memref<80x128xf32, #tpu.memory_space<hbm>>
      %dma_start3A_318 = arith.constant 0 : i32
      %dma_start3A_319 = tpu.memref_slice %arg6[%arg0, %add3A_295, %dma_start3A_318] : memref<2x10000x128xf32, #tpu.memory_space<hbm>> -> memref<1x80x128xf32, #tpu.memory_space<hbm>>
      %dma_start3A_320 = tpu.memref_squeeze %dma_start3A_319 : memref<1x80x128xf32, #tpu.memory_space<hbm>> -> memref<80x128xf32, #tpu.memory_space<hbm>>
      %dma_start3A_321 = arith.constant 0 : i32
      %dma_start3A_322 = arith.constant 0 : i32
      %dma_start3A_323 = tpu.memref_slice %arg9[%dma_start3A_321, %dma_start3A_322] : memref<128x128xf32, #tpu.memory_space<vmem>> -> memref<80x128xf32, #tpu.memory_space<vmem>>
      tpu.enqueue_dma source(%dma_start3A_323 : memref<80x128xf32, #tpu.memory_space<vmem>>) target(%dma_start3A_320 : memref<80x128xf32, #tpu.memory_space<hbm>>) target_semaphore(%run_scoped3A : memref<!tpu.dma_semaphore, #tpu.memory_space<semaphore_mem>>)
      %dma_wait3A_324 = arith.constant 0 : i32
      %dma_wait3A_325 = arith.constant 0 : i32
      %dma_wait3A_326 = tpu.memref_slice %arg9[%dma_wait3A_324, %dma_wait3A_325] : memref<128x128xf32, #tpu.memory_space<vmem>> -> memref<80x128xf32, #tpu.memory_space<vmem>>
      %dma_wait3A_327 = arith.constant 0 : i32
      %dma_wait3A_328 = tpu.memref_slice %arg6[%arg0, %add3A_295, %dma_wait3A_327] : memref<2x10000x128xf32, #tpu.memory_space<hbm>> -> memref<1x80x128xf32, #tpu.memory_space<hbm>>
      %dma_wait3A_329 = tpu.memref_squeeze %dma_wait3A_328 : memref<1x80x128xf32, #tpu.memory_space<hbm>> -> memref<80x128xf32, #tpu.memory_space<hbm>>
      %dma_wait3A_330 = arith.constant 0 : i32
      %dma_wait3A_331 = tpu.memref_slice %arg6[%arg0, %add3A_295, %dma_wait3A_330] : memref<2x10000x128xf32, #tpu.memory_space<hbm>> -> memref<1x80x128xf32, #tpu.memory_space<hbm>>
      %dma_wait3A_332 = tpu.memref_squeeze %dma_wait3A_331 : memref<1x80x128xf32, #tpu.memory_space<hbm>> -> memref<80x128xf32, #tpu.memory_space<hbm>>
      %dma_wait3A_333 = arith.constant 0 : i32
      %dma_wait3A_334 = arith.constant 0 : i32
      %dma_wait3A_335 = tpu.memref_slice %arg9[%dma_wait3A_333, %dma_wait3A_334] : memref<128x128xf32, #tpu.memory_space<vmem>> -> memref<80x128xf32, #tpu.memory_space<vmem>>
      tpu.wait_dma2 semaphore(%run_scoped3A : memref<!tpu.dma_semaphore, #tpu.memory_space<semaphore_mem>>) src(%dma_wait3A_335 : memref<80x128xf32, #tpu.memory_space<vmem>>) dst(%dma_wait3A_332 : memref<80x128xf32, #tpu.memory_space<hbm>>)
      tpu.yield
    }) : () -> ()
    %add3A_296 = arith.constant 320 : i32
    %add3A_297 = arith.addi %min3A_3, %add3A_296 : i32
    "tpu.region"() ({
      %run_scoped3A = tpu.sem_alloc : memref<!tpu.dma_semaphore, #tpu.memory_space<semaphore_mem>>
      %dma_start3A_312 = arith.constant 0 : i32
      %dma_start3A_313 = arith.constant 0 : i32
      %dma_start3A_314 = tpu.memref_slice %arg9[%dma_start3A_312, %dma_start3A_313] : memref<128x128xf32, #tpu.memory_space<vmem>> -> memref<80x128xf32, #tpu.memory_space<vmem>>
      %dma_start3A_315 = arith.constant 0 : i32
      %dma_start3A_316 = tpu.memref_slice %arg15[%add3A_297, %dma_start3A_315] : memref<10240x128xf32, #tpu.memory_space<vmem_shared>> -> memref<80x128xf32, #tpu.memory_space<vmem_shared>>
      %dma_start3A_317 = arith.constant 0 : i32
      %dma_start3A_318 = arith.constant 0 : i32
      %dma_start3A_319 = tpu.memref_slice %arg9[%dma_start3A_317, %dma_start3A_318] : memref<128x128xf32, #tpu.memory_space<vmem>> -> memref<80x128xf32, #tpu.memory_space<vmem>>
      %dma_start3A_320 = arith.constant 0 : i32
      %dma_start3A_321 = tpu.memref_slice %arg15[%add3A_297, %dma_start3A_320] : memref<10240x128xf32, #tpu.memory_space<vmem_shared>> -> memref<80x128xf32, #tpu.memory_space<vmem_shared>>
      tpu.enqueue_dma source(%dma_start3A_321 : memref<80x128xf32, #tpu.memory_space<vmem_shared>>) target(%dma_start3A_319 : memref<80x128xf32, #tpu.memory_space<vmem>>) target_semaphore(%run_scoped3A : memref<!tpu.dma_semaphore, #tpu.memory_space<semaphore_mem>>)
      %dma_wait3A_322 = arith.constant 0 : i32
      %dma_wait3A_323 = arith.constant 0 : i32
      %dma_wait3A_324 = tpu.memref_slice %arg9[%dma_wait3A_322, %dma_wait3A_323] : memref<128x128xf32, #tpu.memory_space<vmem>> -> memref<80x128xf32, #tpu.memory_space<vmem>>
      %dma_wait3A_325 = arith.constant 0 : i32
      %dma_wait3A_326 = tpu.memref_slice %arg15[%add3A_297, %dma_wait3A_325] : memref<10240x128xf32, #tpu.memory_space<vmem_shared>> -> memref<80x128xf32, #tpu.memory_space<vmem_shared>>
      %dma_wait3A_327 = arith.constant 0 : i32
      %dma_wait3A_328 = arith.constant 0 : i32
      %dma_wait3A_329 = tpu.memref_slice %arg9[%dma_wait3A_327, %dma_wait3A_328] : memref<128x128xf32, #tpu.memory_space<vmem>> -> memref<80x128xf32, #tpu.memory_space<vmem>>
      %dma_wait3A_330 = arith.constant 0 : i32
      %dma_wait3A_331 = tpu.memref_slice %arg15[%add3A_297, %dma_wait3A_330] : memref<10240x128xf32, #tpu.memory_space<vmem_shared>> -> memref<80x128xf32, #tpu.memory_space<vmem_shared>>
      tpu.wait_dma2 semaphore(%run_scoped3A : memref<!tpu.dma_semaphore, #tpu.memory_space<semaphore_mem>>) src(%dma_wait3A_331 : memref<80x128xf32, #tpu.memory_space<vmem_shared>>) dst(%dma_wait3A_329 : memref<80x128xf32, #tpu.memory_space<vmem>>)
      tpu.yield
    }) : () -> ()
    %add3A_298 = arith.constant 320 : i32
    %add3A_299 = arith.addi %min3A_3, %add3A_298 : i32
    "tpu.region"() ({
      %run_scoped3A = tpu.sem_alloc : memref<!tpu.dma_semaphore, #tpu.memory_space<semaphore_mem>>
      %dma_start3A_312 = arith.constant 0 : i32
      %dma_start3A_313 = arith.constant 0 : i32
      %dma_start3A_314 = tpu.memref_slice %arg9[%dma_start3A_312, %dma_start3A_313] : memref<128x128xf32, #tpu.memory_space<vmem>> -> memref<80x128xf32, #tpu.memory_space<vmem>>
      %dma_start3A_315 = arith.constant 0 : i32
      %dma_start3A_316 = tpu.memref_slice %arg6[%arg0, %add3A_299, %dma_start3A_315] : memref<2x10000x128xf32, #tpu.memory_space<hbm>> -> memref<1x80x128xf32, #tpu.memory_space<hbm>>
      %dma_start3A_317 = tpu.memref_squeeze %dma_start3A_316 : memref<1x80x128xf32, #tpu.memory_space<hbm>> -> memref<80x128xf32, #tpu.memory_space<hbm>>
      %dma_start3A_318 = arith.constant 0 : i32
      %dma_start3A_319 = tpu.memref_slice %arg6[%arg0, %add3A_299, %dma_start3A_318] : memref<2x10000x128xf32, #tpu.memory_space<hbm>> -> memref<1x80x128xf32, #tpu.memory_space<hbm>>
      %dma_start3A_320 = tpu.memref_squeeze %dma_start3A_319 : memref<1x80x128xf32, #tpu.memory_space<hbm>> -> memref<80x128xf32, #tpu.memory_space<hbm>>
      %dma_start3A_321 = arith.constant 0 : i32
      %dma_start3A_322 = arith.constant 0 : i32
      %dma_start3A_323 = tpu.memref_slice %arg9[%dma_start3A_321, %dma_start3A_322] : memref<128x128xf32, #tpu.memory_space<vmem>> -> memref<80x128xf32, #tpu.memory_space<vmem>>
      tpu.enqueue_dma source(%dma_start3A_323 : memref<80x128xf32, #tpu.memory_space<vmem>>) target(%dma_start3A_320 : memref<80x128xf32, #tpu.memory_space<hbm>>) target_semaphore(%run_scoped3A : memref<!tpu.dma_semaphore, #tpu.memory_space<semaphore_mem>>)
      %dma_wait3A_324 = arith.constant 0 : i32
      %dma_wait3A_325 = arith.constant 0 : i32
      %dma_wait3A_326 = tpu.memref_slice %arg9[%dma_wait3A_324, %dma_wait3A_325] : memref<128x128xf32, #tpu.memory_space<vmem>> -> memref<80x128xf32, #tpu.memory_space<vmem>>
      %dma_wait3A_327 = arith.constant 0 : i32
      %dma_wait3A_328 = tpu.memref_slice %arg6[%arg0, %add3A_299, %dma_wait3A_327] : memref<2x10000x128xf32, #tpu.memory_space<hbm>> -> memref<1x80x128xf32, #tpu.memory_space<hbm>>
      %dma_wait3A_329 = tpu.memref_squeeze %dma_wait3A_328 : memref<1x80x128xf32, #tpu.memory_space<hbm>> -> memref<80x128xf32, #tpu.memory_space<hbm>>
      %dma_wait3A_330 = arith.constant 0 : i32
      %dma_wait3A_331 = tpu.memref_slice %arg6[%arg0, %add3A_299, %dma_wait3A_330] : memref<2x10000x128xf32, #tpu.memory_space<hbm>> -> memref<1x80x128xf32, #tpu.memory_space<hbm>>
      %dma_wait3A_332 = tpu.memref_squeeze %dma_wait3A_331 : memref<1x80x128xf32, #tpu.memory_space<hbm>> -> memref<80x128xf32, #tpu.memory_space<hbm>>
      %dma_wait3A_333 = arith.constant 0 : i32
      %dma_wait3A_334 = arith.constant 0 : i32
      %dma_wait3A_335 = tpu.memref_slice %arg9[%dma_wait3A_333, %dma_wait3A_334] : memref<128x128xf32, #tpu.memory_space<vmem>> -> memref<80x128xf32, #tpu.memory_space<vmem>>
      tpu.wait_dma2 semaphore(%run_scoped3A : memref<!tpu.dma_semaphore, #tpu.memory_space<semaphore_mem>>) src(%dma_wait3A_335 : memref<80x128xf32, #tpu.memory_space<vmem>>) dst(%dma_wait3A_332 : memref<80x128xf32, #tpu.memory_space<hbm>>)
      tpu.yield
    }) : () -> ()
    %add3A_300 = arith.constant 400 : i32
    %add3A_301 = arith.addi %min3A_3, %add3A_300 : i32
    "tpu.region"() ({
      %run_scoped3A = tpu.sem_alloc : memref<!tpu.dma_semaphore, #tpu.memory_space<semaphore_mem>>
      %dma_start3A_312 = arith.constant 0 : i32
      %dma_start3A_313 = arith.constant 0 : i32
      %dma_start3A_314 = tpu.memref_slice %arg9[%dma_start3A_312, %dma_start3A_313] : memref<128x128xf32, #tpu.memory_space<vmem>> -> memref<80x128xf32, #tpu.memory_space<vmem>>
      %dma_start3A_315 = arith.constant 0 : i32
      %dma_start3A_316 = tpu.memref_slice %arg15[%add3A_301, %dma_start3A_315] : memref<10240x128xf32, #tpu.memory_space<vmem_shared>> -> memref<80x128xf32, #tpu.memory_space<vmem_shared>>
      %dma_start3A_317 = arith.constant 0 : i32
      %dma_start3A_318 = arith.constant 0 : i32
      %dma_start3A_319 = tpu.memref_slice %arg9[%dma_start3A_317, %dma_start3A_318] : memref<128x128xf32, #tpu.memory_space<vmem>> -> memref<80x128xf32, #tpu.memory_space<vmem>>
      %dma_start3A_320 = arith.constant 0 : i32
      %dma_start3A_321 = tpu.memref_slice %arg15[%add3A_301, %dma_start3A_320] : memref<10240x128xf32, #tpu.memory_space<vmem_shared>> -> memref<80x128xf32, #tpu.memory_space<vmem_shared>>
      tpu.enqueue_dma source(%dma_start3A_321 : memref<80x128xf32, #tpu.memory_space<vmem_shared>>) target(%dma_start3A_319 : memref<80x128xf32, #tpu.memory_space<vmem>>) target_semaphore(%run_scoped3A : memref<!tpu.dma_semaphore, #tpu.memory_space<semaphore_mem>>)
      %dma_wait3A_322 = arith.constant 0 : i32
      %dma_wait3A_323 = arith.constant 0 : i32
      %dma_wait3A_324 = tpu.memref_slice %arg9[%dma_wait3A_322, %dma_wait3A_323] : memref<128x128xf32, #tpu.memory_space<vmem>> -> memref<80x128xf32, #tpu.memory_space<vmem>>
      %dma_wait3A_325 = arith.constant 0 : i32
      %dma_wait3A_326 = tpu.memref_slice %arg15[%add3A_301, %dma_wait3A_325] : memref<10240x128xf32, #tpu.memory_space<vmem_shared>> -> memref<80x128xf32, #tpu.memory_space<vmem_shared>>
      %dma_wait3A_327 = arith.constant 0 : i32
      %dma_wait3A_328 = arith.constant 0 : i32
      %dma_wait3A_329 = tpu.memref_slice %arg9[%dma_wait3A_327, %dma_wait3A_328] : memref<128x128xf32, #tpu.memory_space<vmem>> -> memref<80x128xf32, #tpu.memory_space<vmem>>
      %dma_wait3A_330 = arith.constant 0 : i32
      %dma_wait3A_331 = tpu.memref_slice %arg15[%add3A_301, %dma_wait3A_330] : memref<10240x128xf32, #tpu.memory_space<vmem_shared>> -> memref<80x128xf32, #tpu.memory_space<vmem_shared>>
      tpu.wait_dma2 semaphore(%run_scoped3A : memref<!tpu.dma_semaphore, #tpu.memory_space<semaphore_mem>>) src(%dma_wait3A_331 : memref<80x128xf32, #tpu.memory_space<vmem_shared>>) dst(%dma_wait3A_329 : memref<80x128xf32, #tpu.memory_space<vmem>>)
      tpu.yield
    }) : () -> ()
    %add3A_302 = arith.constant 400 : i32
    %add3A_303 = arith.addi %min3A_3, %add3A_302 : i32
    "tpu.region"() ({
      %run_scoped3A = tpu.sem_alloc : memref<!tpu.dma_semaphore, #tpu.memory_space<semaphore_mem>>
      %dma_start3A_312 = arith.constant 0 : i32
      %dma_start3A_313 = arith.constant 0 : i32
      %dma_start3A_314 = tpu.memref_slice %arg9[%dma_start3A_312, %dma_start3A_313] : memref<128x128xf32, #tpu.memory_space<vmem>> -> memref<80x128xf32, #tpu.memory_space<vmem>>
      %dma_start3A_315 = arith.constant 0 : i32
      %dma_start3A_316 = tpu.memref_slice %arg6[%arg0, %add3A_303, %dma_start3A_315] : memref<2x10000x128xf32, #tpu.memory_space<hbm>> -> memref<1x80x128xf32, #tpu.memory_space<hbm>>
      %dma_start3A_317 = tpu.memref_squeeze %dma_start3A_316 : memref<1x80x128xf32, #tpu.memory_space<hbm>> -> memref<80x128xf32, #tpu.memory_space<hbm>>
      %dma_start3A_318 = arith.constant 0 : i32
      %dma_start3A_319 = tpu.memref_slice %arg6[%arg0, %add3A_303, %dma_start3A_318] : memref<2x10000x128xf32, #tpu.memory_space<hbm>> -> memref<1x80x128xf32, #tpu.memory_space<hbm>>
      %dma_start3A_320 = tpu.memref_squeeze %dma_start3A_319 : memref<1x80x128xf32, #tpu.memory_space<hbm>> -> memref<80x128xf32, #tpu.memory_space<hbm>>
      %dma_start3A_321 = arith.constant 0 : i32
      %dma_start3A_322 = arith.constant 0 : i32
      %dma_start3A_323 = tpu.memref_slice %arg9[%dma_start3A_321, %dma_start3A_322] : memref<128x128xf32, #tpu.memory_space<vmem>> -> memref<80x128xf32, #tpu.memory_space<vmem>>
      tpu.enqueue_dma source(%dma_start3A_323 : memref<80x128xf32, #tpu.memory_space<vmem>>) target(%dma_start3A_320 : memref<80x128xf32, #tpu.memory_space<hbm>>) target_semaphore(%run_scoped3A : memref<!tpu.dma_semaphore, #tpu.memory_space<semaphore_mem>>)
      %dma_wait3A_324 = arith.constant 0 : i32
      %dma_wait3A_325 = arith.constant 0 : i32
      %dma_wait3A_326 = tpu.memref_slice %arg9[%dma_wait3A_324, %dma_wait3A_325] : memref<128x128xf32, #tpu.memory_space<vmem>> -> memref<80x128xf32, #tpu.memory_space<vmem>>
      %dma_wait3A_327 = arith.constant 0 : i32
      %dma_wait3A_328 = tpu.memref_slice %arg6[%arg0, %add3A_303, %dma_wait3A_327] : memref<2x10000x128xf32, #tpu.memory_space<hbm>> -> memref<1x80x128xf32, #tpu.memory_space<hbm>>
      %dma_wait3A_329 = tpu.memref_squeeze %dma_wait3A_328 : memref<1x80x128xf32, #tpu.memory_space<hbm>> -> memref<80x128xf32, #tpu.memory_space<hbm>>
      %dma_wait3A_330 = arith.constant 0 : i32
      %dma_wait3A_331 = tpu.memref_slice %arg6[%arg0, %add3A_303, %dma_wait3A_330] : memref<2x10000x128xf32, #tpu.memory_space<hbm>> -> memref<1x80x128xf32, #tpu.memory_space<hbm>>
      %dma_wait3A_332 = tpu.memref_squeeze %dma_wait3A_331 : memref<1x80x128xf32, #tpu.memory_space<hbm>> -> memref<80x128xf32, #tpu.memory_space<hbm>>
      %dma_wait3A_333 = arith.constant 0 : i32
      %dma_wait3A_334 = arith.constant 0 : i32
      %dma_wait3A_335 = tpu.memref_slice %arg9[%dma_wait3A_333, %dma_wait3A_334] : memref<128x128xf32, #tpu.memory_space<vmem>> -> memref<80x128xf32, #tpu.memory_space<vmem>>
      tpu.wait_dma2 semaphore(%run_scoped3A : memref<!tpu.dma_semaphore, #tpu.memory_space<semaphore_mem>>) src(%dma_wait3A_335 : memref<80x128xf32, #tpu.memory_space<vmem>>) dst(%dma_wait3A_332 : memref<80x128xf32, #tpu.memory_space<hbm>>)
      tpu.yield
    }) : () -> ()
    %add3A_304 = arith.constant 480 : i32
    %add3A_305 = arith.addi %min3A_3, %add3A_304 : i32
    "tpu.region"() ({
      %run_scoped3A = tpu.sem_alloc : memref<!tpu.dma_semaphore, #tpu.memory_space<semaphore_mem>>
      %dma_start3A_312 = arith.constant 0 : i32
      %dma_start3A_313 = arith.constant 0 : i32
      %dma_start3A_314 = tpu.memref_slice %arg9[%dma_start3A_312, %dma_start3A_313] : memref<128x128xf32, #tpu.memory_space<vmem>> -> memref<80x128xf32, #tpu.memory_space<vmem>>
      %dma_start3A_315 = arith.constant 0 : i32
      %dma_start3A_316 = tpu.memref_slice %arg15[%add3A_305, %dma_start3A_315] : memref<10240x128xf32, #tpu.memory_space<vmem_shared>> -> memref<80x128xf32, #tpu.memory_space<vmem_shared>>
      %dma_start3A_317 = arith.constant 0 : i32
      %dma_start3A_318 = arith.constant 0 : i32
      %dma_start3A_319 = tpu.memref_slice %arg9[%dma_start3A_317, %dma_start3A_318] : memref<128x128xf32, #tpu.memory_space<vmem>> -> memref<80x128xf32, #tpu.memory_space<vmem>>
      %dma_start3A_320 = arith.constant 0 : i32
      %dma_start3A_321 = tpu.memref_slice %arg15[%add3A_305, %dma_start3A_320] : memref<10240x128xf32, #tpu.memory_space<vmem_shared>> -> memref<80x128xf32, #tpu.memory_space<vmem_shared>>
      tpu.enqueue_dma source(%dma_start3A_321 : memref<80x128xf32, #tpu.memory_space<vmem_shared>>) target(%dma_start3A_319 : memref<80x128xf32, #tpu.memory_space<vmem>>) target_semaphore(%run_scoped3A : memref<!tpu.dma_semaphore, #tpu.memory_space<semaphore_mem>>)
      %dma_wait3A_322 = arith.constant 0 : i32
      %dma_wait3A_323 = arith.constant 0 : i32
      %dma_wait3A_324 = tpu.memref_slice %arg9[%dma_wait3A_322, %dma_wait3A_323] : memref<128x128xf32, #tpu.memory_space<vmem>> -> memref<80x128xf32, #tpu.memory_space<vmem>>
      %dma_wait3A_325 = arith.constant 0 : i32
      %dma_wait3A_326 = tpu.memref_slice %arg15[%add3A_305, %dma_wait3A_325] : memref<10240x128xf32, #tpu.memory_space<vmem_shared>> -> memref<80x128xf32, #tpu.memory_space<vmem_shared>>
      %dma_wait3A_327 = arith.constant 0 : i32
      %dma_wait3A_328 = arith.constant 0 : i32
      %dma_wait3A_329 = tpu.memref_slice %arg9[%dma_wait3A_327, %dma_wait3A_328] : memref<128x128xf32, #tpu.memory_space<vmem>> -> memref<80x128xf32, #tpu.memory_space<vmem>>
      %dma_wait3A_330 = arith.constant 0 : i32
      %dma_wait3A_331 = tpu.memref_slice %arg15[%add3A_305, %dma_wait3A_330] : memref<10240x128xf32, #tpu.memory_space<vmem_shared>> -> memref<80x128xf32, #tpu.memory_space<vmem_shared>>
      tpu.wait_dma2 semaphore(%run_scoped3A : memref<!tpu.dma_semaphore, #tpu.memory_space<semaphore_mem>>) src(%dma_wait3A_331 : memref<80x128xf32, #tpu.memory_space<vmem_shared>>) dst(%dma_wait3A_329 : memref<80x128xf32, #tpu.memory_space<vmem>>)
      tpu.yield
    }) : () -> ()
    %add3A_306 = arith.constant 480 : i32
    %add3A_307 = arith.addi %min3A_3, %add3A_306 : i32
    "tpu.region"() ({
      %run_scoped3A = tpu.sem_alloc : memref<!tpu.dma_semaphore, #tpu.memory_space<semaphore_mem>>
      %dma_start3A_312 = arith.constant 0 : i32
      %dma_start3A_313 = arith.constant 0 : i32
      %dma_start3A_314 = tpu.memref_slice %arg9[%dma_start3A_312, %dma_start3A_313] : memref<128x128xf32, #tpu.memory_space<vmem>> -> memref<80x128xf32, #tpu.memory_space<vmem>>
      %dma_start3A_315 = arith.constant 0 : i32
      %dma_start3A_316 = tpu.memref_slice %arg6[%arg0, %add3A_307, %dma_start3A_315] : memref<2x10000x128xf32, #tpu.memory_space<hbm>> -> memref<1x80x128xf32, #tpu.memory_space<hbm>>
      %dma_start3A_317 = tpu.memref_squeeze %dma_start3A_316 : memref<1x80x128xf32, #tpu.memory_space<hbm>> -> memref<80x128xf32, #tpu.memory_space<hbm>>
      %dma_start3A_318 = arith.constant 0 : i32
      %dma_start3A_319 = tpu.memref_slice %arg6[%arg0, %add3A_307, %dma_start3A_318] : memref<2x10000x128xf32, #tpu.memory_space<hbm>> -> memref<1x80x128xf32, #tpu.memory_space<hbm>>
      %dma_start3A_320 = tpu.memref_squeeze %dma_start3A_319 : memref<1x80x128xf32, #tpu.memory_space<hbm>> -> memref<80x128xf32, #tpu.memory_space<hbm>>
      %dma_start3A_321 = arith.constant 0 : i32
      %dma_start3A_322 = arith.constant 0 : i32
      %dma_start3A_323 = tpu.memref_slice %arg9[%dma_start3A_321, %dma_start3A_322] : memref<128x128xf32, #tpu.memory_space<vmem>> -> memref<80x128xf32, #tpu.memory_space<vmem>>
      tpu.enqueue_dma source(%dma_start3A_323 : memref<80x128xf32, #tpu.memory_space<vmem>>) target(%dma_start3A_320 : memref<80x128xf32, #tpu.memory_space<hbm>>) target_semaphore(%run_scoped3A : memref<!tpu.dma_semaphore, #tpu.memory_space<semaphore_mem>>)
      %dma_wait3A_324 = arith.constant 0 : i32
      %dma_wait3A_325 = arith.constant 0 : i32
      %dma_wait3A_326 = tpu.memref_slice %arg9[%dma_wait3A_324, %dma_wait3A_325] : memref<128x128xf32, #tpu.memory_space<vmem>> -> memref<80x128xf32, #tpu.memory_space<vmem>>
      %dma_wait3A_327 = arith.constant 0 : i32
      %dma_wait3A_328 = tpu.memref_slice %arg6[%arg0, %add3A_307, %dma_wait3A_327] : memref<2x10000x128xf32, #tpu.memory_space<hbm>> -> memref<1x80x128xf32, #tpu.memory_space<hbm>>
      %dma_wait3A_329 = tpu.memref_squeeze %dma_wait3A_328 : memref<1x80x128xf32, #tpu.memory_space<hbm>> -> memref<80x128xf32, #tpu.memory_space<hbm>>
      %dma_wait3A_330 = arith.constant 0 : i32
      %dma_wait3A_331 = tpu.memref_slice %arg6[%arg0, %add3A_307, %dma_wait3A_330] : memref<2x10000x128xf32, #tpu.memory_space<hbm>> -> memref<1x80x128xf32, #tpu.memory_space<hbm>>
      %dma_wait3A_332 = tpu.memref_squeeze %dma_wait3A_331 : memref<1x80x128xf32, #tpu.memory_space<hbm>> -> memref<80x128xf32, #tpu.memory_space<hbm>>
      %dma_wait3A_333 = arith.constant 0 : i32
      %dma_wait3A_334 = arith.constant 0 : i32
      %dma_wait3A_335 = tpu.memref_slice %arg9[%dma_wait3A_333, %dma_wait3A_334] : memref<128x128xf32, #tpu.memory_space<vmem>> -> memref<80x128xf32, #tpu.memory_space<vmem>>
      tpu.wait_dma2 semaphore(%run_scoped3A : memref<!tpu.dma_semaphore, #tpu.memory_space<semaphore_mem>>) src(%dma_wait3A_335 : memref<80x128xf32, #tpu.memory_space<vmem>>) dst(%dma_wait3A_332 : memref<80x128xf32, #tpu.memory_space<hbm>>)
      tpu.yield
    }) : () -> ()
    %add3A_308 = arith.constant 560 : i32
    %add3A_309 = arith.addi %min3A_3, %add3A_308 : i32
    "tpu.region"() ({
      %run_scoped3A = tpu.sem_alloc : memref<!tpu.dma_semaphore, #tpu.memory_space<semaphore_mem>>
      %dma_start3A_312 = arith.constant 0 : i32
      %dma_start3A_313 = arith.constant 0 : i32
      %dma_start3A_314 = tpu.memref_slice %arg9[%dma_start3A_312, %dma_start3A_313] : memref<128x128xf32, #tpu.memory_space<vmem>> -> memref<80x128xf32, #tpu.memory_space<vmem>>
      %dma_start3A_315 = arith.constant 0 : i32
      %dma_start3A_316 = tpu.memref_slice %arg15[%add3A_309, %dma_start3A_315] : memref<10240x128xf32, #tpu.memory_space<vmem_shared>> -> memref<80x128xf32, #tpu.memory_space<vmem_shared>>
      %dma_start3A_317 = arith.constant 0 : i32
      %dma_start3A_318 = arith.constant 0 : i32
      %dma_start3A_319 = tpu.memref_slice %arg9[%dma_start3A_317, %dma_start3A_318] : memref<128x128xf32, #tpu.memory_space<vmem>> -> memref<80x128xf32, #tpu.memory_space<vmem>>
      %dma_start3A_320 = arith.constant 0 : i32
      %dma_start3A_321 = tpu.memref_slice %arg15[%add3A_309, %dma_start3A_320] : memref<10240x128xf32, #tpu.memory_space<vmem_shared>> -> memref<80x128xf32, #tpu.memory_space<vmem_shared>>
      tpu.enqueue_dma source(%dma_start3A_321 : memref<80x128xf32, #tpu.memory_space<vmem_shared>>) target(%dma_start3A_319 : memref<80x128xf32, #tpu.memory_space<vmem>>) target_semaphore(%run_scoped3A : memref<!tpu.dma_semaphore, #tpu.memory_space<semaphore_mem>>)
      %dma_wait3A_322 = arith.constant 0 : i32
      %dma_wait3A_323 = arith.constant 0 : i32
      %dma_wait3A_324 = tpu.memref_slice %arg9[%dma_wait3A_322, %dma_wait3A_323] : memref<128x128xf32, #tpu.memory_space<vmem>> -> memref<80x128xf32, #tpu.memory_space<vmem>>
      %dma_wait3A_325 = arith.constant 0 : i32
      %dma_wait3A_326 = tpu.memref_slice %arg15[%add3A_309, %dma_wait3A_325] : memref<10240x128xf32, #tpu.memory_space<vmem_shared>> -> memref<80x128xf32, #tpu.memory_space<vmem_shared>>
      %dma_wait3A_327 = arith.constant 0 : i32
      %dma_wait3A_328 = arith.constant 0 : i32
      %dma_wait3A_329 = tpu.memref_slice %arg9[%dma_wait3A_327, %dma_wait3A_328] : memref<128x128xf32, #tpu.memory_space<vmem>> -> memref<80x128xf32, #tpu.memory_space<vmem>>
      %dma_wait3A_330 = arith.constant 0 : i32
      %dma_wait3A_331 = tpu.memref_slice %arg15[%add3A_309, %dma_wait3A_330] : memref<10240x128xf32, #tpu.memory_space<vmem_shared>> -> memref<80x128xf32, #tpu.memory_space<vmem_shared>>
      tpu.wait_dma2 semaphore(%run_scoped3A : memref<!tpu.dma_semaphore, #tpu.memory_space<semaphore_mem>>) src(%dma_wait3A_331 : memref<80x128xf32, #tpu.memory_space<vmem_shared>>) dst(%dma_wait3A_329 : memref<80x128xf32, #tpu.memory_space<vmem>>)
      tpu.yield
    }) : () -> ()
    %add3A_310 = arith.constant 560 : i32
    %add3A_311 = arith.addi %min3A_3, %add3A_310 : i32
    "tpu.region"() ({
      %run_scoped3A = tpu.sem_alloc : memref<!tpu.dma_semaphore, #tpu.memory_space<semaphore_mem>>
      %dma_start3A_312 = arith.constant 0 : i32
      %dma_start3A_313 = arith.constant 0 : i32
      %dma_start3A_314 = tpu.memref_slice %arg9[%dma_start3A_312, %dma_start3A_313] : memref<128x128xf32, #tpu.memory_space<vmem>> -> memref<80x128xf32, #tpu.memory_space<vmem>>
      %dma_start3A_315 = arith.constant 0 : i32
      %dma_start3A_316 = tpu.memref_slice %arg6[%arg0, %add3A_311, %dma_start3A_315] : memref<2x10000x128xf32, #tpu.memory_space<hbm>> -> memref<1x80x128xf32, #tpu.memory_space<hbm>>
      %dma_start3A_317 = tpu.memref_squeeze %dma_start3A_316 : memref<1x80x128xf32, #tpu.memory_space<hbm>> -> memref<80x128xf32, #tpu.memory_space<hbm>>
      %dma_start3A_318 = arith.constant 0 : i32
      %dma_start3A_319 = tpu.memref_slice %arg6[%arg0, %add3A_311, %dma_start3A_318] : memref<2x10000x128xf32, #tpu.memory_space<hbm>> -> memref<1x80x128xf32, #tpu.memory_space<hbm>>
      %dma_start3A_320 = tpu.memref_squeeze %dma_start3A_319 : memref<1x80x128xf32, #tpu.memory_space<hbm>> -> memref<80x128xf32, #tpu.memory_space<hbm>>
      %dma_start3A_321 = arith.constant 0 : i32
      %dma_start3A_322 = arith.constant 0 : i32
      %dma_start3A_323 = tpu.memref_slice %arg9[%dma_start3A_321, %dma_start3A_322] : memref<128x128xf32, #tpu.memory_space<vmem>> -> memref<80x128xf32, #tpu.memory_space<vmem>>
      tpu.enqueue_dma source(%dma_start3A_323 : memref<80x128xf32, #tpu.memory_space<vmem>>) target(%dma_start3A_320 : memref<80x128xf32, #tpu.memory_space<hbm>>) target_semaphore(%run_scoped3A : memref<!tpu.dma_semaphore, #tpu.memory_space<semaphore_mem>>)
      %dma_wait3A_324 = arith.constant 0 : i32
      %dma_wait3A_325 = arith.constant 0 : i32
      %dma_wait3A_326 = tpu.memref_slice %arg9[%dma_wait3A_324, %dma_wait3A_325] : memref<128x128xf32, #tpu.memory_space<vmem>> -> memref<80x128xf32, #tpu.memory_space<vmem>>
      %dma_wait3A_327 = arith.constant 0 : i32
      %dma_wait3A_328 = tpu.memref_slice %arg6[%arg0, %add3A_311, %dma_wait3A_327] : memref<2x10000x128xf32, #tpu.memory_space<hbm>> -> memref<1x80x128xf32, #tpu.memory_space<hbm>>
      %dma_wait3A_329 = tpu.memref_squeeze %dma_wait3A_328 : memref<1x80x128xf32, #tpu.memory_space<hbm>> -> memref<80x128xf32, #tpu.memory_space<hbm>>
      %dma_wait3A_330 = arith.constant 0 : i32
      %dma_wait3A_331 = tpu.memref_slice %arg6[%arg0, %add3A_311, %dma_wait3A_330] : memref<2x10000x128xf32, #tpu.memory_space<hbm>> -> memref<1x80x128xf32, #tpu.memory_space<hbm>>
      %dma_wait3A_332 = tpu.memref_squeeze %dma_wait3A_331 : memref<1x80x128xf32, #tpu.memory_space<hbm>> -> memref<80x128xf32, #tpu.memory_space<hbm>>
      %dma_wait3A_333 = arith.constant 0 : i32
      %dma_wait3A_334 = arith.constant 0 : i32
      %dma_wait3A_335 = tpu.memref_slice %arg9[%dma_wait3A_333, %dma_wait3A_334] : memref<128x128xf32, #tpu.memory_space<vmem>> -> memref<80x128xf32, #tpu.memory_space<vmem>>
      tpu.wait_dma2 semaphore(%run_scoped3A : memref<!tpu.dma_semaphore, #tpu.memory_space<semaphore_mem>>) src(%dma_wait3A_335 : memref<80x128xf32, #tpu.memory_space<vmem>>) dst(%dma_wait3A_332 : memref<80x128xf32, #tpu.memory_space<hbm>>)
      tpu.yield
    }) : () -> ()
    return
  }
}

module attributes {stable_mosaic.version = 14 : i64} {
  func.func @_h_body(%arg0: i32, %arg1: memref<1000x128xf32, #tpu.memory_space<vmem>>, %arg2: memref<2x1000x16xf32, #tpu.memory_space<vmem>>, %arg3: memref<1x1xf32, #tpu.memory_space<vmem>>, %arg4: memref<1000x128xf32, #tpu.memory_space<vmem>>) attributes {dimension_semantics = [#tpu.dimension_semantics<arbitrary>], iteration_bounds = array<i64: 10>, scalar_prefetch = 0 : i64, scratch_operands = 0 : i64, tpu.core_type = #tpu.core_type<tc>, window_params = [{transform_indices = @transform_0, window_bounds = array<i64: 1000, 128>}, {transform_indices = @transform_1, window_bounds = array<i64: 2, 1000, 16>}, {pipeline_mode = #tpu.pipeline_mode<synchronous>, transform_indices = @transform_2, window_bounds = array<i64: 1, 1>}, {transform_indices = @transform_3, window_bounds = array<i64: 1000, 128>}]} {
    %get3A = arith.constant 0 : index
    %get3A_0 = arith.constant 0 : index
    %get3A_1 = arith.constant 0 : index
    %get3A_2 = vector.load %arg2[%get3A, %get3A_0, %get3A_1] : memref<2x1000x16xf32, #tpu.memory_space<vmem>>, vector<1x1000x1xf32>
    %get3A_3 = vector.shape_cast %get3A_2 : vector<1x1000x1xf32> to vector<1000x1xf32>
    %get3A_4 = arith.constant 1 : index
    %get3A_5 = arith.constant 0 : index
    %get3A_6 = arith.constant 0 : index
    %get3A_7 = vector.load %arg2[%get3A_4, %get3A_5, %get3A_6] : memref<2x1000x16xf32, #tpu.memory_space<vmem>>, vector<1x1000x1xf32>
    %get3A_8 = vector.shape_cast %get3A_7 : vector<1x1000x1xf32> to vector<1000x1xf32>
    %add3A = arith.addf %get3A_3, %get3A_8 : vector<1000x1xf32>
    %get3A_9 = arith.constant 0 : index
    %get3A_10 = arith.constant 0 : index
    %get3A_11 = vector.load %arg3[%get3A_9, %get3A_10] : memref<1x1xf32, #tpu.memory_space<vmem>>, vector<1x1xf32>
    %get3A_12 = vector.extract %get3A_11[0, 0] : f32 from vector<1x1xf32>
    %add3A_13 = vector.broadcast %get3A_12 : f32 to vector<1000x1xf32>
    %add3A_14 = arith.addf %add3A, %add3A_13 : vector<1000x1xf32>
    %add3A_15 = arith.constant 1.000000e+00 : f32
    %add3A_16 = vector.broadcast %add3A_15 : f32 to vector<1000x1xf32>
    %add3A_17 = arith.addf %add3A_14, %add3A_16 : vector<1000x1xf32>
    %rsqrt3A = math.rsqrt %add3A_17 : vector<1000x1xf32>
    %get3A_18 = arith.constant 0 : index
    %get3A_19 = arith.constant 0 : index
    %get3A_20 = vector.load %arg1[%get3A_18, %get3A_19] : memref<1000x128xf32, #tpu.memory_space<vmem>>, vector<1000x128xf32>
    %mul3A = vector.broadcast %rsqrt3A : vector<1000x1xf32> to vector<1000x128xf32>
    %mul3A_21 = arith.mulf %get3A_20, %mul3A : vector<1000x128xf32>
    %swap3A = arith.constant 0 : index
    %swap3A_22 = arith.constant 0 : index
    %swap3A_23 = vector.load %arg4[%swap3A, %swap3A_22] : memref<1000x128xf32, #tpu.memory_space<vmem>>, vector<1000x128xf32>
    tpu.vector_store %arg4[%swap3A, %swap3A_22], %mul3A_21 {strides = array<i32>} : memref<1000x128xf32, #tpu.memory_space<vmem>>, vector<1000x128xf32>,
    return
  }
  func.func @transform_0(%arg0: i32) -> (i32, i32) {
    %c0_i32 = arith.constant 0 : i32
    %c0_i32_0 = arith.constant 0 : i32
    return %arg0, %c0_i32 : i32, i32
  }
  func.func @transform_1(%arg0: i32) -> (i32, i32, i32) {
    %c0_i32 = arith.constant 0 : i32
    %c0_i32_0 = arith.constant 0 : i32
    %c0_i32_1 = arith.constant 0 : i32
    return %c0_i32, %arg0, %c0_i32_0 : i32, i32, i32
  }
  func.func @transform_2(%arg0: i32) -> (i32, i32) {
    %c0_i32 = arith.constant 0 : i32
    %c0_i32_0 = arith.constant 0 : i32
    %c0_i32_1 = arith.constant 0 : i32
    return %c0_i32, %c0_i32_0 : i32, i32
  }
  func.func @transform_3(%arg0: i32) -> (i32, i32) {
    %c0_i32 = arith.constant 0 : i32
    %c0_i32_0 = arith.constant 0 : i32
    return %arg0, %c0_i32 : i32, i32
  }
}

module attributes {stable_mosaic.version = 14 : i64} {
  func.func @_out_body(%arg0: i32, %arg1: memref<2x1000x128xf32, #tpu.memory_space<vmem>>, %arg2: memref<1000x128xf32, #tpu.memory_space<vmem>>, %arg3: memref<2x1000x16xf32, #tpu.memory_space<vmem>>, %arg4: memref<128x128xf32, #tpu.memory_space<vmem>>, %arg5: memref<1x1xf32, #tpu.memory_space<vmem>>, %arg6: memref<1000x128xf32, #tpu.memory_space<vmem>>) attributes {dimension_semantics = [#tpu.dimension_semantics<arbitrary>], iteration_bounds = array<i64: 10>, scalar_prefetch = 0 : i64, scratch_operands = 0 : i64, tpu.core_type = #tpu.core_type<tc>, window_params = [{transform_indices = @transform_0, window_bounds = array<i64: 2, 1000, 128>}, {transform_indices = @transform_1, window_bounds = array<i64: 1000, 128>}, {transform_indices = @transform_2, window_bounds = array<i64: 2, 1000, 16>}, {pipeline_mode = #tpu.pipeline_mode<synchronous>, transform_indices = @transform_3, window_bounds = array<i64: 128, 128>}, {pipeline_mode = #tpu.pipeline_mode<synchronous>, transform_indices = @transform_4, window_bounds = array<i64: 1, 1>}, {transform_indices = @transform_5, window_bounds = array<i64: 1000, 128>}]} {
    %get3A = arith.constant 0 : index
    %get3A_0 = arith.constant 0 : index
    %get3A_1 = arith.constant 0 : index
    %get3A_2 = vector.load %arg3[%get3A, %get3A_0, %get3A_1] : memref<2x1000x16xf32, #tpu.memory_space<vmem>>, vector<1x1000x1xf32>
    %get3A_3 = vector.shape_cast %get3A_2 : vector<1x1000x1xf32> to vector<1000x1xf32>
    %get3A_4 = arith.constant 1 : index
    %get3A_5 = arith.constant 0 : index
    %get3A_6 = arith.constant 0 : index
    %get3A_7 = vector.load %arg3[%get3A_4, %get3A_5, %get3A_6] : memref<2x1000x16xf32, #tpu.memory_space<vmem>>, vector<1x1000x1xf32>
    %get3A_8 = vector.shape_cast %get3A_7 : vector<1x1000x1xf32> to vector<1000x1xf32>
    %add3A = arith.addf %get3A_3, %get3A_8 : vector<1000x1xf32>
    %get3A_9 = arith.constant 0 : index
    %get3A_10 = arith.constant 0 : index
    %get3A_11 = vector.load %arg5[%get3A_9, %get3A_10] : memref<1x1xf32, #tpu.memory_space<vmem>>, vector<1x1xf32>
    %get3A_12 = vector.extract %get3A_11[0, 0] : f32 from vector<1x1xf32>
    %add3A_13 = vector.broadcast %get3A_12 : f32 to vector<1000x1xf32>
    %add3A_14 = arith.addf %add3A, %add3A_13 : vector<1000x1xf32>
    %add3A_15 = arith.constant 1.000000e+00 : f32
    %add3A_16 = vector.broadcast %add3A_15 : f32 to vector<1000x1xf32>
    %add3A_17 = arith.addf %add3A_14, %add3A_16 : vector<1000x1xf32>
    %rsqrt3A = math.rsqrt %add3A_17 : vector<1000x1xf32>
    %get3A_18 = arith.constant 0 : index
    %get3A_19 = arith.constant 0 : index
    %get3A_20 = arith.constant 0 : index
    %get3A_21 = vector.load %arg1[%get3A_18, %get3A_19, %get3A_20] : memref<2x1000x128xf32, #tpu.memory_space<vmem>>, vector<1x1000x128xf32>
    %get3A_22 = vector.shape_cast %get3A_21 : vector<1x1000x128xf32> to vector<1000x128xf32>
    %get3A_23 = arith.constant 1 : index
    %get3A_24 = arith.constant 0 : index
    %get3A_25 = arith.constant 0 : index
    %get3A_26 = vector.load %arg1[%get3A_23, %get3A_24, %get3A_25] : memref<2x1000x128xf32, #tpu.memory_space<vmem>>, vector<1x1000x128xf32>
    %get3A_27 = vector.shape_cast %get3A_26 : vector<1x1000x128xf32> to vector<1000x128xf32>
    %add3A_28 = arith.addf %get3A_22, %get3A_27 : vector<1000x128xf32>
    %get3A_29 = arith.constant 0 : index
    %get3A_30 = arith.constant 0 : index
    %get3A_31 = vector.load %arg2[%get3A_29, %get3A_30] : memref<1000x128xf32, #tpu.memory_space<vmem>>, vector<1000x128xf32>
    %sub3A = arith.subf %add3A_28, %get3A_31 : vector<1000x128xf32>
    %mul3A = vector.broadcast %rsqrt3A : vector<1000x1xf32> to vector<1000x128xf32>
    %mul3A_32 = arith.mulf %sub3A, %mul3A : vector<1000x128xf32>
    %get3A_33 = arith.constant 0 : index
    %get3A_34 = arith.constant 0 : index
    %get3A_35 = vector.load %arg4[%get3A_33, %get3A_34] : memref<128x128xf32, #tpu.memory_space<vmem>>, vector<128x128xf32>
    %dot_general3A = arith.constant dense<0.000000e+00> : vector<1000x128xf32>
    %dot_general3A_36 = tpu.matmul %mul3A_32, %get3A_35, %dot_general3A {dimension_numbers = #tpu.dot_dimension_numbers<[1], [1], [0], [0], [0, 0, 1, 0], [], []>, transpose_lhs_hint = false} : vector<1000x128xf32>, vector<128x128xf32>, vector<1000x128xf32> -> vector<1000x128xf32>
    %max3A = arith.constant 0.000000e+00 : f32
    %max3A_37 = vector.broadcast %max3A : f32 to vector<1000x128xf32>
    %max3A_38 = arith.maximumf %dot_general3A_36, %max3A_37 : vector<1000x128xf32>
    %swap3A = arith.constant 0 : index
    %swap3A_39 = arith.constant 0 : index
    %swap3A_40 = vector.load %arg6[%swap3A, %swap3A_39] : memref<1000x128xf32, #tpu.memory_space<vmem>>, vector<1000x128xf32>
    tpu.vector_store %arg6[%swap3A, %swap3A_39], %max3A_38 {strides = array<i32>} : memref<1000x128xf32, #tpu.memory_space<vmem>>, vector<1000x128xf32>,
    return
  }
  func.func @transform_0(%arg0: i32) -> (i32, i32, i32) {
    %c0_i32 = arith.constant 0 : i32
    %c0_i32_0 = arith.constant 0 : i32
    %c0_i32_1 = arith.constant 0 : i32
    return %c0_i32, %arg0, %c0_i32_0 : i32, i32, i32
  }
  func.func @transform_1(%arg0: i32) -> (i32, i32) {
    %c0_i32 = arith.constant 0 : i32
    %c0_i32_0 = arith.constant 0 : i32
    return %arg0, %c0_i32 : i32, i32
  }
  func.func @transform_2(%arg0: i32) -> (i32, i32, i32) {
    %c0_i32 = arith.constant 0 : i32
    %c0_i32_0 = arith.constant 0 : i32
    %c0_i32_1 = arith.constant 0 : i32
    return %c0_i32, %arg0, %c0_i32_0 : i32, i32, i32
  }
  func.func @transform_3(%arg0: i32) -> (i32, i32) {
    %c0_i32 = arith.constant 0 : i32
    %c0_i32_0 = arith.constant 0 : i32
    %c0_i32_1 = arith.constant 0 : i32
    return %c0_i32, %c0_i32_0 : i32, i32
  }
  func.func @transform_4(%arg0: i32) -> (i32, i32) {
    %c0_i32 = arith.constant 0 : i32
    %c0_i32_0 = arith.constant 0 : i32
    %c0_i32_1 = arith.constant 0 : i32
    return %c0_i32, %c0_i32_0 : i32, i32
  }
  func.func @transform_5(%arg0: i32) -> (i32, i32) {
    %c0_i32 = arith.constant 0 : i32
    %c0_i32_0 = arith.constant 0 : i32
    return %arg0, %c0_i32 : i32, i32
  }
}

</mosaic_0001>

<sc_bundles>
// kernel: kernel.6.cloned.1.call-start
scs
__scs_entry_jumppad:
0x0: {  	(pc) =	sbr.rel $0x88, $3  }
0x1: {  	(tag) =	ssettag $0x0;
	lr =	simm.s32 $0x1  }
0x2: {  	[smem:$0x3F9D] =	sst lr;
	_ =	strace $0xD0000000  }
0x3: {  	_ = 	snop  }
0x4: {  	_ = 	snop  }
0x5: {  	_ = 	snop  }
0x6: {  	_ = 	snop  }
0x7: {  	_ = 	snop  }
__scs_overlays_trampoline_lowered:
0x8: {  	[smem:$0x3FAC] =	sst s0  }
0x9: {  	[smem:$0x3FAD] =	sst s1  }
0xa: {  	[smem:$0x3FAE] =	sst s2  }
0xb: {  	[smem:$0x3FAF] =	sst s3  }
0xc: {  	[smem:$0x3FB0] =	sst s4  }
0xd: {  	[smem:$0x3FB1] =	sst s5  }
0xe: {  	[smem:$0x3FB2] =	sst s6  }
0xf: {  	[smem:$0x3FB3] =	sst s7  }
0x10: {  	[smem:$0x3FB4] =	sst s8  }
0x11: {  	[smem:$0x3FB5] =	sst s9;
	s0 =	simm.s32 @!p0 $0x0  }
0x12: {  	s1 =	sld [smem:$0x3F9B];
	s0 =	simm.s32 @p0 $0x1  }
0x13: {  	[smem:$0x3FB6] =	sst s0;
	s0 =	simm.s32 @!p1 $0x0  }
0x14: {  	s2 =	sld [smem:$0x3F9A];
	s0 =	simm.s32 @p1 $0x1  }
0x15: {  	[smem:$0x3FB7] =	sst s0;
	s0 =	simm.s32 @!p2 $0x0  }
0x16: {  	s3 =	sld [smem:$0x3FDB];
	s0 =	simm.s32 @p2 $0x1  }
0x17: {  	s4 =	simm.s32 $0x1BF5;
	[smem:$0x3FB9] =	sst s0  }
0x18: {  	s0 =	sld [smem:$0x3F9C];
	_ =	swait.ge [sflag:s4], $0x0  }
0x19: {  	s7 =	sld [smem:$0x3F9D]  }
0x1a: {  	s8 =	sadd.s32 $0xFFFFE003, lr  }
0x1b: {  	s9 =	sadd.s32 $0xFFFFFEF7, lr;
	s5 =	simm.s32 $0xFFFFFFFF;
	p2 =	slt.u32 s8, $0xFFFFF086  }
0x1c: {  	p1 =	slt.u32 s9, $0xF7A;
	s5 =	simm.s32 @!p2 $0x0  }
0x1d: {  	s5 =	simm.s32 @p1 $0x1;
	p0 =	seq.s32 s7, s2  }
0x1e: {  	s7 =	smul.u32 @!p0 $0xF7A, s2;
	p2 =	seq.s32 @!p0 s5, $0x0  }
0x1f: {  	s9 =	smul.u32 $0xF7A, s1;
	s8 =	simm.s32 @!p0 $0x1BF5;
	p2 =	por !p2, p0  }
0x20: {  	[sflag:s8] =	ssyncset.s32 @!p0 $0xFFFFF086;
	s6 =	sadd.s32 @!p0 s3, s7;
	s7 =	simm.s32 @!p0 $0x108  }
0x21: {  	s3 =	sadd.s32 s3, s9;
	s6 =	sadd.s32 @!p0 $0x88, s6;
	s7 =	simm.s32 @p2 $0x1082  }
0x22: {  	[simem:s7], [sflag:s8] =	dma.local @!p0 [hbm:s6], $0xF7A  }
0x23: {  	s9 =	sor.u32 $0xD0000000, s2;
	s6 =	simm.s32 $0x108;
	_ =	swait.ge @!p0 [sflag:s8], $0x0  }
0x24: {  	s3 =	sadd.s32 $0x88, s3;
	s6 =	simm.s32 @!p1 $0x1082;
	[sflag:s4] =	ssyncset.s32 $0xFFFFF086  }
0x25: {  	[simem:s6], [sflag:s4] =	dma.local [hbm:s3], $0xF7A  }
0x26: {  	[smem:$0x3F9D] =	sst s1;
	(tag) =	ssettag s2;
	_ =	strace s9  }
0x27: {  	s1 =	sld [smem:$0x3FAD]  }
0x28: {  	s2 =	sld [smem:$0x3FAE]  }
0x29: {  	s4 =	sld [smem:$0x3FB0]  }
0x2a: {  	p0 =	seq.s32 s5, $0x0;
	s5 =	sld [smem:$0x3FB1]  }
0x2b: {  	s6 =	sld [smem:$0x3FB2]  }
0x2c: {  	s7 =	sld [smem:$0x3FB3]  }
0x2d: {  	s3 =	simm.s32 $0x108;
	s8 =	sld [smem:$0x3FB4]  }
0x2e: {  	s3 =	simm.s32 @!p0 $0x1082;
	s9 =	sld [smem:$0x3FB5]  }
0x2f: {  	lr =	sadd.s32 s0, s3;
	s0 =	sld [smem:$0x3FAC]  }
0x30: {  	s3 =	sld [smem:$0x3FAF]  }
0x31: {  	[smem:$0x3FB8] =	sst s10  }
0x32: {  	s10 =	sld [smem:$0x3FB6];
	_ =	sdelay $0x3  }
0x33: {  	p0 =	seq.s32 s10, $0x1;
	s10 =	sld [smem:$0x3FB8];
	_ =	sdelay $0x3  }
0x34: {  	[smem:$0x3FB8] =	sst s10  }
0x35: {  	s10 =	sld [smem:$0x3FB7];
	_ =	sdelay $0x3  }
0x36: {  	p1 =	seq.s32 s10, $0x1;
	s10 =	sld [smem:$0x3FB8];
	_ =	sdelay $0x3  }
0x37: {  	[smem:$0x3FB8] =	sst s10  }
0x38: {  	s10 =	sld [smem:$0x3FB9]  }
0x39: {  	_ = 	snop;
	(pc) =	sbr.ind lr, $3  }
0x3a: {  	_ = 	snop  }
0x3b: {  	_ = 	snop  }
0x3c: {  	p2 =	seq.s32 s10, $0x1;
	s10 =	sld [smem:$0x3FB8]  }
0x3d: {  	_ =	shalt  }
0x3e: {  	_ =	shalt  }
0x3f: {  	_ =	shalt  }
0x40: {  	_ =	shalt  }
0x41: {  	_ =	shalt  }
0x42: {  	_ =	shalt  }
0x43: {  	_ =	shalt  }
0x44: {  	_ =	shalt  }
0x45: {  	_ =	shalt  }
0x46: {  	_ =	shalt  }
0x47: {  	_ =	shalt  }
0x48: {  	_ =	shalt  }
0x49: {  	_ =	shalt  }
0x4a: {  	_ =	shalt  }
0x4b: {  	_ =	shalt  }
0x4c: {  	_ =	shalt  }
0x4d: {  	_ =	shalt  }
0x4e: {  	_ =	shalt  }
0x4f: {  	_ =	shalt  }
0x50: {  	_ =	shalt  }
0x51: {  	_ =	shalt  }
0x52: {  	_ =	shalt  }
0x53: {  	_ =	shalt  }
0x54: {  	_ =	shalt  }
0x55: {  	_ =	shalt  }
0x56: {  	_ =	shalt  }
0x57: {  	_ =	shalt  }
0x58: {  	_ =	shalt  }
0x59: {  	_ =	shalt  }
0x5a: {  	_ =	shalt  }
0x5b: {  	_ =	shalt  }
0x5c: {  	_ =	shalt  }
0x5d: {  	_ =	shalt  }
0x5e: {  	_ =	shalt  }
0x5f: {  	_ =	shalt  }
0x60: {  	_ =	shalt  }
0x61: {  	_ =	shalt  }
0x62: {  	_ =	shalt  }
0x63: {  	_ =	shalt  }
0x64: {  	_ =	shalt  }
0x65: {  	_ =	shalt  }
0x66: {  	_ =	shalt  }
0x67: {  	_ =	shalt  }
0x68: {  	_ =	shalt  }
0x69: {  	_ =	shalt  }
0x6a: {  	_ =	shalt  }
0x6b: {  	_ =	shalt  }
0x6c: {  	_ =	shalt  }
0x6d: {  	_ =	shalt  }
0x6e: {  	_ =	shalt  }
0x6f: {  	_ =	shalt  }
0x70: {  	_ =	shalt  }
0x71: {  	_ =	shalt  }
0x72: {  	_ =	shalt  }
0x73: {  	_ =	shalt  }
0x74: {  	_ =	shalt  }
0x75: {  	_ =	shalt  }
0x76: {  	_ =	shalt  }
0x77: {  	_ =	shalt  }
0x78: {  	_ =	shalt  }
0x79: {  	_ =	shalt  }
0x7a: {  	_ =	shalt  }
0x7b: {  	_ =	shalt  }
0x7c: {  	_ =	shalt  }
0x7d: {  	_ =	shalt  }
0x7e: {  	_ =	shalt  }
0x7f: {  	_ =	shalt  }
0x80: {  	_ =	shalt  }
0x81: {  	_ =	shalt  }
0x82: {  	_ =	shalt  }
0x83: {  	_ =	shalt  }
0x84: {  	_ =	shalt  }
0x85: {  	_ =	shalt  }
0x86: {  	_ =	shalt  }
0x87: {  	_ =	shalt  }
.Lfunc_end0:
.L_simem_size_0:
called_computation_lowered:
.L_overlay_start_0:
0x88: {  	s2 =	sld [smem:$0x3FD9]  }
0x89: {  	s3 =	sld [smem:$0x3FFE];
	_ =	sdelay $0x1  }
0x8a: {  	s1 =	srdreg.scid  }
0x8b: {  	s0 =	sand.u32 $0x1, s1  }
0x8c: {  	s17 =	sshll.u32 s0, $0xA;
	s2 =	sadd.s32 s3, s2  }
0x8d: {  	s2 =	sadd.s32 s2, s17  }
0x8e: {  	[smem:$0x3FC4] =	sst s2  }
0x8f: {  	_ = 	snop  }
0x90: {  	s2 =	sld [smem:$0x3FD0];
	(tm) =	ssettm $0x1  }
0x91: {  	s18 =	sld [smem:$0x3FFB];
	_ =	sdelay $0x3  }
0x92: {  	_ =	strace s18  }
0x93: {  	s3 =	sld [smem:$0x3FFC];
	_ =	sdelay $0x3  }
0x94: {  	_ =	strace s3  }
0x95: {  	s3 =	sld [smem:$0x3FFD];
	_ =	sdelay $0x3  }
0x96: {  	_ =	strace s3  }
0x97: {  	_ =	strace $0x8FFFFFFF  }
0x98: {  	s19 =	sld [smem:$0x3FDB];
	_ =	sdelay $0x1  }
0x99: {  	s4 =	simm.s32 $_scs_section_size  }
0x9a: {  	s5 =	simm.s32 $_size__tile_overlayer_lowered;
	s6 =	simm.s32 $_tile_overlayer_lowered  }
0x9b: {  	s22 =	simm.s32 $0x1BFF;
	s21 =	sshll.u32 s6, $0x1;
	s3 =	sadd.s32 s4, s19  }
0x9c: {  	s7 =	simm.s32 $0x0;
	s20 =	sshll.u32 s5, $0x1;
	s5 =	sadd.s32 s21, s3  }
0x9d: {  	[timem:s7], [sflag:s22] =	dma.local [hbm:s5], s20  }
0x9e: {  	_ =	swait.ge [sflag:s22], s20  }
0x9f: {  	s4 =	ssub.s32 $0x0, s20;
	[sflag:s22] =	ssyncset.done $0x0  }
0xa0: {  	[sflag:s22] =	ssyncadd.s32 s4;
	_ =	sdelay $0x1  }
0xa1: {  	s23 =	simm.s32 $0x1B8B  }
0xa2: {  	_ =	swait.ge [sflag:s23], $0x1  }
0xa3: {  	[sflag:s23] =	ssyncset.done $0x0  }
0xa4: {  	s25 =	simm.s32 $0x1B8E;
	s24 =	sld [smem:$0x3FFE];
	[sflag:s23] =	ssyncadd.s32 $0xFFFFFFFF  }
0xa5: {  	s26 =	simm.s32 $execute0_lowered;
	[smem:$0x3FD2] =	sst s25  }
0xa6: {  	s5 =	sshll.u32 s26, $0x1;
	_ =	strace $0x80000046;
	[dreg:$0x1] =	wrdreg $0xFFFFFFFF  }
0xa7: {  	s28 =	simm.s32 $_size_execute0_lowered;
	s3 =	sadd.s32 s3, s5;
	[dreg:$0x0] =	wrdreg $0x0  }
0xa8: {  	s5 =	sshll.u32 s28, $0x1;
	[dreg:$0x2] =	wrdreg s3  }
0xa9: {  	[dreg:$0x3] =	wrdreg s5  }
0xaa: {  	[dreg:$0x4] =	wrdreg $0xC0  }
0xab: {  	_ =	task [dreg:s7], $0x5FFFF  }
0xac: {  	[dreg:$0x1] =	wrdreg $0xFFFFFFFF  }
0xad: {  	[dreg:$0x0] =	wrdreg $0x60  }
0xae: {  	[dreg:$0x2] =	wrdreg s24  }
0xaf: {  	[dreg:$0x3] =	wrdreg s2  }
0xb0: {  	[dreg:$0x4] =	wrdreg $0x35000  }
0xb1: {  	[dreg:$0x5] =	wrdreg $0x9  }
0xb2: {  	_ =	task.clear_ibuf [dreg:s7], $0x6FFFF;
	_ =	strace $0x90000046  }
0xb3: {  	s29 =	simm.s32 $0x9;
	_ =	strace $0x80000048  }
0xb4: {  	_ =	swait.ge [sflag:s29], $0x1  }
0xb5: {  	[sflag:s29] =	ssyncadd.s32 $0xFFFFFFFF  }
0xb6: {  	_ =	strace $0x90000048  }
0xb7: {  	_ =	sfence  }
0xb8: {  	s30 =	sld [smem:$0x0];
	_ =	sdelay $0x2  }
0xb9: {  	s31 =	sshll.u32 s1, $0xD;
	s1 =	sshrl.u32 s1, $0x2  }
0xba: {  	s3 =	sand.u32 $0x4000, s31;
	s1 =	sadd.s32 s1, s30  }
0xbb: {  	s0 =	sor.u32 s3, s0;
	s1 =	sshll.u32 s1, $0x11  }
0xbc: {  	s0 =	sor.u32 s1, s0  }
0xbd: {  	s0 =	sadd.s32 $0x8F2B, s0  }
0xbe: {  	[sflag:s0] =	ssyncadd.remote.s32 $0x1  }
0xbf: {  	_ =	sfence.sel $0xFFFF  }
0xc0: {  	[dreg:$0x0] =	wrdreg $0xFFFFFFFF;
	(pc) =	sbr.abs _section_cstart, $3  }
0xc1: {  	[dreg:$0x1] =	wrdreg $0xFFFFFFFF  }
0xc2: {  	_ =	task.clear_ibuf [dreg:s7], $0x2FFFF;
	_ =	strace $0x9FFFFFFF  }
0xc3: {  	(tm) =	ssettm $0x7FFFFFFF  }
tec
execute0_lowered:
.L_overlay_start_1:
0x0: {  	(tag) =	ssettag $0x1  }
0x1: {  	s5 =	rddreg [dreg:$0x0]  }
0x2: {  	s22 =	rddreg [dreg:$0x1]  }
0x3: {  	s1 =	srdreg.scid;
	s0 =	stileid.u32  }
0x4: {  	s2 =	rddreg [dreg:$0x2];
	s3 =	simm.s32 $0x0;
	s28 =	simm.s32 $0x80  }
0x5: {  	s29 =	simm.s32 $0x0;
	s10 =	sand.u32 $0x1, s1;
	s1 =	rddreg [dreg:$0x3]  }
0x6: {  	s4 =	sshll.u32 s0, $0x1;
	[smem:$0x7FF] =	sst s3;
	s13 =	smul.u32 $0x2800, s0  }
0x7: {  	s4 =	sor.u32 s10, s4;
	s6 =	ssub.s32 $0x2, s10;
	s24 =	smul.u32 $0x28000, s10  }
0x8: {  	_ =	strace $0x80000047;
	s4 =	smul.u32 $0x500, s4;
	s7 =	sshrl.u32 s6, $0x1  }
0x9: {  	s15 =	sor.u32 $0x500, s13;
	s17 =	sadd.s32 $0xA00, s13;
	s18 =	sadd.s32 $0xF00, s13  }
0xa: {  	s19 =	sadd.s32 $0x1400, s13;
	s20 =	sadd.s32 $0x1900, s13;
	s21 =	sadd.s32 $0x1E00, s13  }
0xb: {  	s25 =	sadd.s32 $0x2300, s13;
	s23 =	ssub.s32 s6, s7;
	s6 =	sadd.s32 s13, s2  }
0xc: {  	s7 =	sadd.s32 s15, s2;
	s8 =	sadd.s32 s17, s2;
	s9 =	sadd.s32 s18, s2  }
0xd: {  	s10 =	sadd.s32 s19, s2;
	s11 =	sadd.s32 s20, s2;
	s12 =	sadd.s32 s21, s2  }
0xe: {  	s16 =	sadd.s32 s13, s24;
	s15 =	sadd.s32 s24, s15;
	s13 =	sadd.s32 s25, s2  }
0xf: {  	s17 =	sadd.s32 s24, s17;
	s18 =	sadd.s32 s24, s18;
	s19 =	sadd.s32 s24, s19  }
0x10: {  	s20 =	sadd.s32 s24, s20;
	s21 =	sadd.s32 s24, s21;
	s24 =	sadd.s32 s24, s25  }
0x11: {  	s25 =	simm.s32 $0x1;
	s14 =	sadd.s32 s4, s5;
	s4 =	sadd.s32 $0x15C00, s5  }
0x12: {  	s5 =	sadd.s32 $0x15A00, s5;
	s16 =	sshrl.u32 s16, $0x3;
	s26 =	sshrl.u32 s15, $0x3  }
0x13: {  	s17 =	sshrl.u32 s17, $0x3;
	s18 =	sshrl.u32 s18, $0x3;
	s19 =	sshrl.u32 s19, $0x3  }
0x14: {  	s20 =	sshrl.u32 s20, $0x3;
	s21 =	sshrl.u32 s21, $0x3;
	s24 =	sshrl.u32 s24, $0x3  }
0x15: {  	s23 =	smax.u32 s23, $0x1;
	s14 =	sadd.s32 $0x1A00, s14;
	s15 =	sadd.s32 s22, s16  }
0x16: {  	s16 =	sadd.s32 s22, s26;
	s17 =	sadd.s32 s22, s17;
	s18 =	sadd.s32 s22, s18  }
0x17: {  	s19 =	sadd.s32 s22, s19;
	s20 =	sadd.s32 s22, s20;
	s21 =	sadd.s32 s22, s21  }
0x18: {  	s22 =	sadd.s32 s22, s24;
	s24 =	simm.s32 $0x2800;
	s26 =	simm.s32 $0x3000  }
.LBB2_1:
0x19: {  	[tilespmem:s24], [sflag:$0x1] =	stream.linear.gather [hbm4b:s4+s3], $0x800, $0x38;
	[tilespmem:$0x5D00] =	vst v63  }
0x1a: {  	_ =	swait.ge [sflag:s25], $0x800  }
0x1b: {  	[sflag:s25] =	ssyncset.done $0x0  }
0x1c: {  	[sflag:s25] =	ssyncadd.s32 $0xFFFFF800  }
0x1d: {  	[tilespmem:s26], [sflag:$0x1] =	stream.linear.gather [hbm4b:s5+s3], $0x500, $0x38;
	[tilespmem:$0x5D00] =	vst v63  }
0x1e: {  	_ =	swait.ge [sflag:s25], $0x500  }
0x1f: {  	[sflag:s25] =	ssyncset.done $0x0  }
0x20: {  	[sflag:s25] =	ssyncadd.s32 $0xFFFFFB00  }
0x21: {  	[spmem:s6] =	stream.linear.scatter [tilespmem:s26], [sflag:$0x1], $0x500, $0x38;
	[tilespmem:$0x5D00] =	vst v63  }
0x22: {  	_ =	swait.ge [sflag:s25], $0x500  }
0x23: {  	[sflag:s25] =	ssyncset.done $0x0  }
0x24: {  	[sflag:s25] =	ssyncadd.s32 $0xFFFFFB00  }
0x25: {  	[spmem:s7] =	stream.linear.scatter [tilespmem:s26], [sflag:$0x1], $0x500, $0x38;
	[tilespmem:$0x5D00] =	vst v63  }
0x26: {  	_ =	swait.ge [sflag:s25], $0x500  }
0x27: {  	[sflag:s25] =	ssyncset.done $0x0  }
0x28: {  	[sflag:s25] =	ssyncadd.s32 $0xFFFFFB00  }
0x29: {  	[spmem:s8] =	stream.linear.scatter [tilespmem:s26], [sflag:$0x1], $0x500, $0x38;
	[tilespmem:$0x5D00] =	vst v63  }
0x2a: {  	_ =	swait.ge [sflag:s25], $0x500  }
0x2b: {  	[sflag:s25] =	ssyncset.done $0x0  }
0x2c: {  	[sflag:s25] =	ssyncadd.s32 $0xFFFFFB00  }
0x2d: {  	[spmem:s9] =	stream.linear.scatter [tilespmem:s26], [sflag:$0x1], $0x500, $0x38;
	[tilespmem:$0x5D00] =	vst v63  }
0x2e: {  	_ =	swait.ge [sflag:s25], $0x500  }
0x2f: {  	[sflag:s25] =	ssyncset.done $0x0  }
0x30: {  	[sflag:s25] =	ssyncadd.s32 $0xFFFFFB00  }
0x31: {  	[spmem:s10] =	stream.linear.scatter [tilespmem:s26], [sflag:$0x1], $0x500, $0x38;
	[tilespmem:$0x5D00] =	vst v63  }
0x32: {  	_ =	swait.ge [sflag:s25], $0x500  }
0x33: {  	[sflag:s25] =	ssyncset.done $0x0  }
0x34: {  	[sflag:s25] =	ssyncadd.s32 $0xFFFFFB00  }
0x35: {  	[spmem:s11] =	stream.linear.scatter [tilespmem:s26], [sflag:$0x1], $0x500, $0x38;
	[tilespmem:$0x5D00] =	vst v63  }
0x36: {  	_ =	swait.ge [sflag:s25], $0x500  }
0x37: {  	[sflag:s25] =	ssyncset.done $0x0  }
0x38: {  	[sflag:s25] =	ssyncadd.s32 $0xFFFFFB00  }
0x39: {  	[spmem:s12] =	stream.linear.scatter [tilespmem:s26], [sflag:$0x1], $0x500, $0x38;
	[tilespmem:$0x5D00] =	vst v63  }
0x3a: {  	_ =	swait.ge [sflag:s25], $0x500  }
0x3b: {  	[sflag:s25] =	ssyncset.done $0x0  }
0x3c: {  	[sflag:s25] =	ssyncadd.s32 $0xFFFFFB00  }
0x3d: {  	[spmem:s13] =	stream.linear.scatter [tilespmem:s26], [sflag:$0x1], $0x500, $0x38;
	[tilespmem:$0x5D00] =	vst v63  }
0x3e: {  	_ =	swait.ge [sflag:s25], $0x500  }
0x3f: {  	[sflag:s25] =	ssyncset.done $0x0  }
0x40: {  	[sflag:s25] =	ssyncadd.s32 $0xFFFFFB00  }
0x41: {  	[tilespmem:s3], [sflag:$0x1] =	stream.linear.gather [hbm4b:s14+s3], $0x2800, $0x38;
	[tilespmem:$0x5D00] =	vst v63  }
0x42: {  	_ =	swait.ge [sflag:s25], $0x2800  }
0x43: {  	[sflag:s25] =	ssyncset.done $0x0  }
0x44: {  	[sflag:s25] =	ssyncadd.s32 $0xFFFFD800  }
0x45: {  	s30 =	simm.s32 $0x0;
	[bflag:$0x0] =	sbarrier.arrive $0xFFFF  }
0x46: {  	[spmem:s2] =	stream.indirect.scatter.add.f32 [tilespmem:s24], [sflag:$0x1], $0x10, s30, s28, $0xb8;
	[tilespmem:$0x5D00] =	vst v63  }
0x47: {  	_ =	swait.ge [sflag:s25], $0x800  }
0x48: {  	s30 =	simm.s32 $0x200;
	[sflag:s25] =	ssyncset.done $0x0  }
.LBB2_2:
0x49: {  	s31 =	sshra.s32 s30, $0x2;
	[sflag:s25] =	ssyncadd.s32 $0xFFFFF800;
	p0 =	sne.s32 s30, $0x9E00  }
0x4a: {  	[spmem:s2] =	stream.indirect.scatter.add.f32 [tilespmem:s24], [sflag:$0x1], $0x10, s31, s28, $0xb8;
	[tilespmem:$0x5D00] =	vst v63  }
.Ltmp0:
0x4b: {  	_ = 	snop;
	(pc) =	sbr.rel @p0 .LBB2_2-.Ltmp0, $4  }
0x4c: {  	_ = 	snop  }
0x4d: {  	s30 =	sadd.s32 $0x200, s30  }
0x4e: {  	_ =	swait.ge [sflag:s25], $0x800  }
0x4f: {  	[sflag:s25] =	ssyncset.done $0x0  }
0x50: {  	[sflag:s25] =	ssyncadd.s32 $0xFFFFF800  }
0x51: {  	[bflag:$0x0] =	sbarrier.arrive $0xFFFF  }
0x52: {  	[tilespmem:s26], [sflag:$0x1] =	stream.linear.gather [spmem:s6], $0x500, $0x38;
	[tilespmem:$0x5D00] =	vst v63  }
0x53: {  	_ =	swait.ge [sflag:s25], $0x500  }
0x54: {  	[sflag:s25] =	ssyncset.done $0x0  }
0x55: {  	[sflag:s25] =	ssyncadd.s32 $0xFFFFFB00  }
0x56: {  	[hbm4b:s15+s3] =	stream.linear.scatter [tilespmem:s26], [sflag:$0x1], $0x500, $0x38;
	[tilespmem:$0x5D00] =	vst v63  }
0x57: {  	_ =	swait.ge [sflag:s25], $0x500  }
0x58: {  	[sflag:s25] =	ssyncset.done $0x0  }
0x59: {  	[sflag:s25] =	ssyncadd.s32 $0xFFFFFB00  }
0x5a: {  	[tilespmem:s26], [sflag:$0x1] =	stream.linear.gather [spmem:s7], $0x500, $0x38;
	[tilespmem:$0x5D00] =	vst v63  }
0x5b: {  	_ =	swait.ge [sflag:s25], $0x500  }
0x5c: {  	[sflag:s25] =	ssyncset.done $0x0  }
0x5d: {  	[sflag:s25] =	ssyncadd.s32 $0xFFFFFB00  }
0x5e: {  	[hbm4b:s16+s3] =	stream.linear.scatter [tilespmem:s26], [sflag:$0x1], $0x500, $0x38;
	[tilespmem:$0x5D00] =	vst v63  }
0x5f: {  	_ =	swait.ge [sflag:s25], $0x500  }
0x60: {  	[sflag:s25] =	ssyncset.done $0x0  }
0x61: {  	[sflag:s25] =	ssyncadd.s32 $0xFFFFFB00  }
0x62: {  	[tilespmem:s26], [sflag:$0x1] =	stream.linear.gather [spmem:s8], $0x500, $0x38;
	[tilespmem:$0x5D00] =	vst v63  }
0x63: {  	_ =	swait.ge [sflag:s25], $0x500  }
0x64: {  	[sflag:s25] =	ssyncset.done $0x0  }
0x65: {  	[sflag:s25] =	ssyncadd.s32 $0xFFFFFB00  }
0x66: {  	[hbm4b:s17+s3] =	stream.linear.scatter [tilespmem:s26], [sflag:$0x1], $0x500, $0x38;
	[tilespmem:$0x5D00] =	vst v63  }
0x67: {  	_ =	swait.ge [sflag:s25], $0x500  }
0x68: {  	[sflag:s25] =	ssyncset.done $0x0  }
0x69: {  	[sflag:s25] =	ssyncadd.s32 $0xFFFFFB00  }
0x6a: {  	[tilespmem:s26], [sflag:$0x1] =	stream.linear.gather [spmem:s9], $0x500, $0x38;
	[tilespmem:$0x5D00] =	vst v63  }
0x6b: {  	_ =	swait.ge [sflag:s25], $0x500  }
0x6c: {  	[sflag:s25] =	ssyncset.done $0x0  }
0x6d: {  	[sflag:s25] =	ssyncadd.s32 $0xFFFFFB00  }
0x6e: {  	[hbm4b:s18+s3] =	stream.linear.scatter [tilespmem:s26], [sflag:$0x1], $0x500, $0x38;
	[tilespmem:$0x5D00] =	vst v63  }
0x6f: {  	_ =	swait.ge [sflag:s25], $0x500  }
0x70: {  	[sflag:s25] =	ssyncset.done $0x0  }
0x71: {  	[sflag:s25] =	ssyncadd.s32 $0xFFFFFB00  }
0x72: {  	[tilespmem:s26], [sflag:$0x1] =	stream.linear.gather [spmem:s10], $0x500, $0x38;
	[tilespmem:$0x5D00] =	vst v63  }
0x73: {  	_ =	swait.ge [sflag:s25], $0x500  }
0x74: {  	[sflag:s25] =	ssyncset.done $0x0  }
0x75: {  	[sflag:s25] =	ssyncadd.s32 $0xFFFFFB00  }
0x76: {  	[hbm4b:s19+s3] =	stream.linear.scatter [tilespmem:s26], [sflag:$0x1], $0x500, $0x38;
	[tilespmem:$0x5D00] =	vst v63  }
0x77: {  	_ =	swait.ge [sflag:s25], $0x500  }
0x78: {  	[sflag:s25] =	ssyncset.done $0x0  }
0x79: {  	[sflag:s25] =	ssyncadd.s32 $0xFFFFFB00  }
0x7a: {  	[tilespmem:s26], [sflag:$0x1] =	stream.linear.gather [spmem:s11], $0x500, $0x38;
	[tilespmem:$0x5D00] =	vst v63  }
0x7b: {  	_ =	swait.ge [sflag:s25], $0x500  }
0x7c: {  	[sflag:s25] =	ssyncset.done $0x0  }
0x7d: {  	[sflag:s25] =	ssyncadd.s32 $0xFFFFFB00  }
0x7e: {  	[hbm4b:s20+s3] =	stream.linear.scatter [tilespmem:s26], [sflag:$0x1], $0x500, $0x38;
	[tilespmem:$0x5D00] =	vst v63  }
0x7f: {  	_ =	swait.ge [sflag:s25], $0x500  }
0x80: {  	[sflag:s25] =	ssyncset.done $0x0  }
0x81: {  	[sflag:s25] =	ssyncadd.s32 $0xFFFFFB00  }
0x82: {  	[tilespmem:s26], [sflag:$0x1] =	stream.linear.gather [spmem:s12], $0x500, $0x38;
	[tilespmem:$0x5D00] =	vst v63  }
0x83: {  	_ =	swait.ge [sflag:s25], $0x500  }
0x84: {  	[sflag:s25] =	ssyncset.done $0x0  }
0x85: {  	[sflag:s25] =	ssyncadd.s32 $0xFFFFFB00  }
0x86: {  	[hbm4b:s21+s3] =	stream.linear.scatter [tilespmem:s26], [sflag:$0x1], $0x500, $0x38;
	[tilespmem:$0x5D00] =	vst v63  }
0x87: {  	_ =	swait.ge [sflag:s25], $0x500  }
0x88: {  	[sflag:s25] =	ssyncset.done $0x0  }
0x89: {  	[sflag:s25] =	ssyncadd.s32 $0xFFFFFB00  }
0x8a: {  	[tilespmem:s26], [sflag:$0x1] =	stream.linear.gather [spmem:s13], $0x500, $0x38;
	[tilespmem:$0x5D00] =	vst v63  }
0x8b: {  	s29 =	sadd.s32 $0x1, s29;
	_ =	swait.ge [sflag:s25], $0x500  }
0x8c: {  	p0 =	sne.s32 s29, s23;
	[sflag:s25] =	ssyncset.done $0x0  }
.Ltmp1:
0x8d: {  	[sflag:s25] =	ssyncadd.s32 $0xFFFFFB00;
	(pc) =	sbr.rel @p0 .LBB2_1-.Ltmp1, $4  }
0x8e: {  	[hbm4b:s22+s3] =	stream.linear.scatter [tilespmem:s26], [sflag:$0x1], $0x500, $0x38;
	[tilespmem:$0x5D00] =	vst v63  }
0x8f: {  	_ =	swait.ge [sflag:s25], $0x500  }
0x90: {  	[sflag:s25] =	ssyncset.done $0x0  }
0x91: {  	[sflag:s25] =	ssyncadd.s32 $0xFFFFFB00  }
0x92: {  	_ =	sfence.sel $0x180000  }
0x93: {  	[bflag:$0x0] =	sbarrier.arrive $0xFFFF  }
0x94: {  	p0 =	sne.s32 s0, $0x0;
	_ =	strace $0x90000047  }
0x95: {  	s0 =	sadd.s32 @!p0 $0x100000, s1;
	[bflag:$0x2] =	sbarrier.arrive $0xFFFF  }
0x96: {  	[sflag:s0] =	ssyncadd.tile.s32 @!p0 $0x1;
	_ =	shalt  }
.Lfunc_end2:
_tile_overlayer_lowered:
.L_overlay_start_2:
0x97: {  	(tag) =	ssettag $0x2  }
0x98: {  	s0 =	rddreg [dreg:$0x0];
	s2 =	stileid.u32  }
0x99: {  	s1 =	rddreg [dreg:$0x1];
	p0 =	sne.s32 s2, $0x0  }
0x9a: {  	s3 =	rddreg [dreg:$0x2];
	[bflag:$0x3] =	sbarrier.arrive $0xFFFF;
	s2 =	simm.s32 @!p0 $0x1C01  }
0x9b: {  	[timem:s3], [sflag:s2] =	dma.local @!p0 [hbm:s0], s1  }
0x9c: {  	s0 =	simm.s32 @!p0 $0x1  }
0x9d: {  	_ =	swait.ge @!p0 [sflag:s0], s1  }
0x9e: {  	s1 =	ssub.s32 @!p0 $0x0, s1;
	[sflag:s0] =	ssyncset.done @!p0 $0x0  }
0x9f: {  	[sflag:s0] =	ssyncadd.s32 @!p0 s1  }
0xa0: {  	[bflag:$0x3] =	sbarrier.arrive $0xFFFF  }
0xa1: {  	_ =	shalt  }

// kernel: kernel.9.cloned.1.call-start
scs
__scs_entry_jumppad:
0x0: {  	(pc) =	sbr.rel $0x88, $3  }
0x1: {  	(tag) =	ssettag $0x0;
	lr =	simm.s32 $0x1  }
0x2: {  	[smem:$0x3F9D] =	sst lr;
	_ =	strace $0xD0000000  }
0x3: {  	_ = 	snop  }
0x4: {  	_ = 	snop  }
0x5: {  	_ = 	snop  }
0x6: {  	_ = 	snop  }
0x7: {  	_ = 	snop  }
__scs_overlays_trampoline_lowered:
0x8: {  	[smem:$0x3FAC] =	sst s0  }
0x9: {  	[smem:$0x3FAD] =	sst s1  }
0xa: {  	[smem:$0x3FAE] =	sst s2  }
0xb: {  	[smem:$0x3FAF] =	sst s3  }
0xc: {  	[smem:$0x3FB0] =	sst s4  }
0xd: {  	[smem:$0x3FB1] =	sst s5  }
0xe: {  	[smem:$0x3FB2] =	sst s6  }
0xf: {  	[smem:$0x3FB3] =	sst s7  }
0x10: {  	[smem:$0x3FB4] =	sst s8  }
0x11: {  	[smem:$0x3FB5] =	sst s9;
	s0 =	simm.s32 @!p0 $0x0  }
0x12: {  	s1 =	sld [smem:$0x3F9B];
	s0 =	simm.s32 @p0 $0x1  }
0x13: {  	[smem:$0x3FB6] =	sst s0;
	s0 =	simm.s32 @!p1 $0x0  }
0x14: {  	s2 =	sld [smem:$0x3F9A];
	s0 =	simm.s32 @p1 $0x1  }
0x15: {  	[smem:$0x3FB7] =	sst s0;
	s0 =	simm.s32 @!p2 $0x0  }
0x16: {  	s3 =	sld [smem:$0x3FDB];
	s0 =	simm.s32 @p2 $0x1  }
0x17: {  	s4 =	simm.s32 $0x1BF5;
	[smem:$0x3FB9] =	sst s0  }
0x18: {  	s0 =	sld [smem:$0x3F9C];
	_ =	swait.ge [sflag:s4], $0x0  }
0x19: {  	s7 =	sld [smem:$0x3F9D]  }
0x1a: {  	s8 =	sadd.s32 $0xFFFFE003, lr  }
0x1b: {  	s9 =	sadd.s32 $0xFFFFFEF7, lr;
	s5 =	simm.s32 $0xFFFFFFFF;
	p2 =	slt.u32 s8, $0xFFFFF086  }
0x1c: {  	p1 =	slt.u32 s9, $0xF7A;
	s5 =	simm.s32 @!p2 $0x0  }
0x1d: {  	s5 =	simm.s32 @p1 $0x1;
	p0 =	seq.s32 s7, s2  }
0x1e: {  	s7 =	smul.u32 @!p0 $0xF7A, s2;
	p2 =	seq.s32 @!p0 s5, $0x0  }
0x1f: {  	s9 =	smul.u32 $0xF7A, s1;
	s8 =	simm.s32 @!p0 $0x1BF5;
	p2 =	por !p2, p0  }
0x20: {  	[sflag:s8] =	ssyncset.s32 @!p0 $0xFFFFF086;
	s6 =	sadd.s32 @!p0 s3, s7;
	s7 =	simm.s32 @!p0 $0x108  }
0x21: {  	s3 =	sadd.s32 s3, s9;
	s6 =	sadd.s32 @!p0 $0x88, s6;
	s7 =	simm.s32 @p2 $0x1082  }
0x22: {  	[simem:s7], [sflag:s8] =	dma.local @!p0 [hbm:s6], $0xF7A  }
0x23: {  	s9 =	sor.u32 $0xD0000000, s2;
	s6 =	simm.s32 $0x108;
	_ =	swait.ge @!p0 [sflag:s8], $0x0  }
0x24: {  	s3 =	sadd.s32 $0x88, s3;
	s6 =	simm.s32 @!p1 $0x1082;
	[sflag:s4] =	ssyncset.s32 $0xFFFFF086  }
0x25: {  	[simem:s6], [sflag:s4] =	dma.local [hbm:s3], $0xF7A  }
0x26: {  	[smem:$0x3F9D] =	sst s1;
	(tag) =	ssettag s2;
	_ =	strace s9  }
0x27: {  	s1 =	sld [smem:$0x3FAD]  }
0x28: {  	s2 =	sld [smem:$0x3FAE]  }
0x29: {  	s4 =	sld [smem:$0x3FB0]  }
0x2a: {  	p0 =	seq.s32 s5, $0x0;
	s5 =	sld [smem:$0x3FB1]  }
0x2b: {  	s6 =	sld [smem:$0x3FB2]  }
0x2c: {  	s7 =	sld [smem:$0x3FB3]  }
0x2d: {  	s3 =	simm.s32 $0x108;
	s8 =	sld [smem:$0x3FB4]  }
0x2e: {  	s3 =	simm.s32 @!p0 $0x1082;
	s9 =	sld [smem:$0x3FB5]  }
0x2f: {  	lr =	sadd.s32 s0, s3;
	s0 =	sld [smem:$0x3FAC]  }
0x30: {  	s3 =	sld [smem:$0x3FAF]  }
0x31: {  	[smem:$0x3FB8] =	sst s10  }
0x32: {  	s10 =	sld [smem:$0x3FB6];
	_ =	sdelay $0x3  }
0x33: {  	p0 =	seq.s32 s10, $0x1;
	s10 =	sld [smem:$0x3FB8];
	_ =	sdelay $0x3  }
0x34: {  	[smem:$0x3FB8] =	sst s10  }
0x35: {  	s10 =	sld [smem:$0x3FB7];
	_ =	sdelay $0x3  }
0x36: {  	p1 =	seq.s32 s10, $0x1;
	s10 =	sld [smem:$0x3FB8];
	_ =	sdelay $0x3  }
0x37: {  	[smem:$0x3FB8] =	sst s10  }
0x38: {  	s10 =	sld [smem:$0x3FB9]  }
0x39: {  	_ = 	snop;
	(pc) =	sbr.ind lr, $3  }
0x3a: {  	_ = 	snop  }
0x3b: {  	_ = 	snop  }
0x3c: {  	p2 =	seq.s32 s10, $0x1;
	s10 =	sld [smem:$0x3FB8]  }
0x3d: {  	_ =	shalt  }
0x3e: {  	_ =	shalt  }
0x3f: {  	_ =	shalt  }
0x40: {  	_ =	shalt  }
0x41: {  	_ =	shalt  }
0x42: {  	_ =	shalt  }
0x43: {  	_ =	shalt  }
0x44: {  	_ =	shalt  }
0x45: {  	_ =	shalt  }
0x46: {  	_ =	shalt  }
0x47: {  	_ =	shalt  }
0x48: {  	_ =	shalt  }
0x49: {  	_ =	shalt  }
0x4a: {  	_ =	shalt  }
0x4b: {  	_ =	shalt  }
0x4c: {  	_ =	shalt  }
0x4d: {  	_ =	shalt  }
0x4e: {  	_ =	shalt  }
0x4f: {  	_ =	shalt  }
0x50: {  	_ =	shalt  }
0x51: {  	_ =	shalt  }
0x52: {  	_ =	shalt  }
0x53: {  	_ =	shalt  }
0x54: {  	_ =	shalt  }
0x55: {  	_ =	shalt  }
0x56: {  	_ =	shalt  }
0x57: {  	_ =	shalt  }
0x58: {  	_ =	shalt  }
0x59: {  	_ =	shalt  }
0x5a: {  	_ =	shalt  }
0x5b: {  	_ =	shalt  }
0x5c: {  	_ =	shalt  }
0x5d: {  	_ =	shalt  }
0x5e: {  	_ =	shalt  }
0x5f: {  	_ =	shalt  }
0x60: {  	_ =	shalt  }
0x61: {  	_ =	shalt  }
0x62: {  	_ =	shalt  }
0x63: {  	_ =	shalt  }
0x64: {  	_ =	shalt  }
0x65: {  	_ =	shalt  }
0x66: {  	_ =	shalt  }
0x67: {  	_ =	shalt  }
0x68: {  	_ =	shalt  }
0x69: {  	_ =	shalt  }
0x6a: {  	_ =	shalt  }
0x6b: {  	_ =	shalt  }
0x6c: {  	_ =	shalt  }
0x6d: {  	_ =	shalt  }
0x6e: {  	_ =	shalt  }
0x6f: {  	_ =	shalt  }
0x70: {  	_ =	shalt  }
0x71: {  	_ =	shalt  }
0x72: {  	_ =	shalt  }
0x73: {  	_ =	shalt  }
0x74: {  	_ =	shalt  }
0x75: {  	_ =	shalt  }
0x76: {  	_ =	shalt  }
0x77: {  	_ =	shalt  }
0x78: {  	_ =	shalt  }
0x79: {  	_ =	shalt  }
0x7a: {  	_ =	shalt  }
0x7b: {  	_ =	shalt  }
0x7c: {  	_ =	shalt  }
0x7d: {  	_ =	shalt  }
0x7e: {  	_ =	shalt  }
0x7f: {  	_ =	shalt  }
0x80: {  	_ =	shalt  }
0x81: {  	_ =	shalt  }
0x82: {  	_ =	shalt  }
0x83: {  	_ =	shalt  }
0x84: {  	_ =	shalt  }
0x85: {  	_ =	shalt  }
0x86: {  	_ =	shalt  }
0x87: {  	_ =	shalt  }
.Lfunc_end0:
.L_simem_size_0:
called_computation.1_lowered:
.L_overlay_start_0:
0x88: {  	s2 =	sld [smem:$0x3FD9]  }
0x89: {  	s3 =	sld [smem:$0x3FFE];
	_ =	sdelay $0x1  }
0x8a: {  	s1 =	srdreg.scid  }
0x8b: {  	s0 =	sand.u32 $0x1, s1  }
0x8c: {  	s17 =	sshll.u32 s0, $0xA;
	s2 =	sadd.s32 s3, s2  }
0x8d: {  	s2 =	sadd.s32 s2, s17  }
0x8e: {  	[smem:$0x3FC4] =	sst s2  }
0x8f: {  	_ = 	snop  }
0x90: {  	s2 =	sld [smem:$0x3FC9]  }
0x91: {  	s18 =	sld [smem:$0x3FD0];
	(tm) =	ssettm $0x1  }
0x92: {  	s4 =	sld [smem:$0x3FFB];
	_ =	sdelay $0x3  }
0x93: {  	_ =	strace s4  }
0x94: {  	s4 =	sld [smem:$0x3FFC];
	_ =	sdelay $0x3  }
0x95: {  	_ =	strace s4  }
0x96: {  	s4 =	sld [smem:$0x3FFD];
	_ =	sdelay $0x3  }
0x97: {  	_ =	strace s4  }
0x98: {  	_ =	strace $0x8FFFFFFF  }
0x99: {  	s19 =	sld [smem:$0x3FDB];
	_ =	sdelay $0x1  }
0x9a: {  	s5 =	simm.s32 $_scs_section_size  }
0x9b: {  	s6 =	simm.s32 $_size__tile_overlayer_lowered;
	s7 =	simm.s32 $_tile_overlayer_lowered  }
0x9c: {  	s22 =	simm.s32 $0x1BFF;
	s21 =	sshll.u32 s7, $0x1;
	s4 =	sadd.s32 s5, s19  }
0x9d: {  	s8 =	simm.s32 $0x0;
	s20 =	sshll.u32 s6, $0x1;
	s6 =	sadd.s32 s21, s4  }
0x9e: {  	[timem:s8], [sflag:s22] =	dma.local [hbm:s6], s20  }
0x9f: {  	_ =	swait.ge [sflag:s22], s20  }
0xa0: {  	s5 =	ssub.s32 $0x0, s20;
	[sflag:s22] =	ssyncset.done $0x0  }
0xa1: {  	[sflag:s22] =	ssyncadd.s32 s5;
	_ =	sdelay $0x1  }
0xa2: {  	s23 =	simm.s32 $0x1B8B  }
0xa3: {  	_ =	swait.ge [sflag:s23], $0x1  }
0xa4: {  	[sflag:s23] =	ssyncset.done $0x0  }
0xa5: {  	s25 =	simm.s32 $0x1B8E;
	s24 =	sld [smem:$0x3FFE];
	[sflag:s23] =	ssyncadd.s32 $0xFFFFFFFF  }
0xa6: {  	s26 =	simm.s32 $execute0_lowered;
	[smem:$0x3FD2] =	sst s25  }
0xa7: {  	s6 =	sshll.u32 s26, $0x1;
	_ =	strace $0x80000049;
	[dreg:$0x1] =	wrdreg $0xFFFFFFFF  }
0xa8: {  	s28 =	simm.s32 $_size_execute0_lowered;
	s4 =	sadd.s32 s4, s6;
	[dreg:$0x0] =	wrdreg $0x0  }
0xa9: {  	s6 =	sshll.u32 s28, $0x1;
	[dreg:$0x2] =	wrdreg s4  }
0xaa: {  	[dreg:$0x3] =	wrdreg s6  }
0xab: {  	[dreg:$0x4] =	wrdreg $0xC0  }
0xac: {  	_ =	task [dreg:s8], $0x5FFFF  }
0xad: {  	[dreg:$0x1] =	wrdreg $0xFFFFFFFF  }
0xae: {  	[dreg:$0x0] =	wrdreg $0x60  }
0xaf: {  	[dreg:$0x2] =	wrdreg s18  }
0xb0: {  	[dreg:$0x3] =	wrdreg s2  }
0xb1: {  	[dreg:$0x4] =	wrdreg s24  }
0xb2: {  	[dreg:$0x5] =	wrdreg $0xA8000  }
0xb3: {  	[dreg:$0x6] =	wrdreg $0x9  }
0xb4: {  	_ =	task.clear_ibuf [dreg:s8], $0x7FFFF;
	_ =	strace $0x90000049  }
0xb5: {  	s29 =	simm.s32 $0x9;
	_ =	strace $0x8000004B  }
0xb6: {  	_ =	swait.ge [sflag:s29], $0x1  }
0xb7: {  	[sflag:s29] =	ssyncadd.s32 $0xFFFFFFFF  }
0xb8: {  	_ =	strace $0x9000004B  }
0xb9: {  	_ =	sfence  }
0xba: {  	s30 =	sld [smem:$0x0];
	_ =	sdelay $0x2  }
0xbb: {  	s31 =	sshll.u32 s1, $0xD;
	s1 =	sshrl.u32 s1, $0x2  }
0xbc: {  	s3 =	sand.u32 $0x4000, s31;
	s1 =	sadd.s32 s1, s30  }
0xbd: {  	s0 =	sor.u32 s3, s0;
	s1 =	sshll.u32 s1, $0x11  }
0xbe: {  	s0 =	sor.u32 s1, s0  }
0xbf: {  	s0 =	sadd.s32 $0x8F2B, s0  }
0xc0: {  	[sflag:s0] =	ssyncadd.remote.s32 $0x1  }
0xc1: {  	_ =	sfence.sel $0xFFFF  }
0xc2: {  	[dreg:$0x0] =	wrdreg $0xFFFFFFFF;
	(pc) =	sbr.abs _section_cstart, $3  }
0xc3: {  	[dreg:$0x1] =	wrdreg $0xFFFFFFFF  }
0xc4: {  	_ =	task.clear_ibuf [dreg:s8], $0x2FFFF;
	_ =	strace $0x9FFFFFFF  }
0xc5: {  	(tm) =	ssettm $0x7FFFFFFF  }
tec
execute0_lowered:
.L_overlay_start_1:
0x0: {  	(tag) =	ssettag $0x1  }
0x1: {  	s4 =	rddreg [dreg:$0x1]  }
0x2: {  	s0 =	rddreg [dreg:$0x2];
	s1 =	simm.s32 $0x0;
	s2 =	srdreg.scid  }
0x3: {  	s9 =	stileid.u32;
	[smem:$0x7FF] =	sst s1  }
0x4: {  	s5 =	sadd.s32 $0xBA00, s0;
	s6 =	sand.u32 $0x1, s2;
	s7 =	sadd.s32 $0x1A00, s0  }
0x5: {  	s3 =	smul.u32 $0x280, s9;
	s9 =	sshll.u32 s9, $0x1;
	s2 =	ssub.s32 $0x2, s6  }
0x6: {  	s0 =	sadd.s32 $0x66000, s0;
	s26 =	sor.u32 s6, s9;
	s8 =	sshrl.u32 s2, $0x1  }
0x7: {  	s6 =	smul.u32 $0x138800, s6;
	s17 =	smin.u32 s3, $0x2490;
	s2 =	ssub.s32 s2, s8  }
0x8: {  	s3 =	sshll.u32 s17, $0x7;
	s10 =	sshll.u32 s17, $0x4;
	s11 =	sadd.s32 $0x50, s17  }
0x9: {  	s12 =	sadd.s32 $0xA0, s17;
	s20 =	sadd.s32 $0xF0, s17;
	s14 =	sadd.s32 $0x140, s17  }
0xa: {  	s15 =	sadd.s32 $0x190, s17;
	s23 =	sadd.s32 $0x1E0, s17;
	s9 =	sadd.s32 $0x230, s17  }
0xb: {  	s8 =	smul.u32 $0x2800, s26;
	s10 =	sadd.s32 s4, s10;
	s18 =	sshll.u32 s11, $0x4  }
0xc: {  	s11 =	sshll.u32 s11, $0x7;
	s19 =	sshll.u32 s12, $0x4;
	s12 =	sshll.u32 s12, $0x7  }
0xd: {  	s13 =	sshll.u32 s20, $0x7;
	s21 =	sshll.u32 s14, $0x4;
	s14 =	sshll.u32 s14, $0x7  }
0xe: {  	s22 =	sshll.u32 s15, $0x4;
	s15 =	sshll.u32 s15, $0x7;
	s16 =	sshll.u32 s23, $0x4  }
0xf: {  	s24 =	sshll.u32 s9, $0x4;
	s9 =	sshll.u32 s9, $0x7;
	s2 =	smax.u32 s2, $0x1  }
0x10: {  	[dreg:$0x5] =	wrdreg s10;
	s10 =	sadd.s32 s4, s18;
	s16 =	sadd.s32 s4, s16  }
0x11: {  	s25 =	sshrl.u32 s8, $0x3;
	s17 =	sadd.s32 s6, s12;
	[dreg:$0x6] =	wrdreg s10  }
0x12: {  	s10 =	sadd.s32 s4, s19;
	[dreg:$0xb] =	wrdreg s16;
	s8 =	sadd.s32 s5, s25  }
0x13: {  	s26 =	sadd.s32 $0x280, s25;
	s16 =	sadd.s32 s6, s11;
	[dreg:$0x7] =	wrdreg s10  }
0x14: {  	s10 =	sshll.u32 s20, $0x4;
	[dreg:$0xd] =	wrdreg s8;
	s5 =	sadd.s32 s5, s26  }
0x15: {  	s8 =	sadd.s32 s6, s3;
	s10 =	sadd.s32 s4, s10;
	[dreg:$0xf] =	wrdreg s5  }
0x16: {  	s5 =	sshrl.u32 s16, $0x3;
	[dreg:$0x8] =	wrdreg s10;
	s10 =	sadd.s32 s4, s21  }
0x17: {  	s20 =	sadd.s32 s6, s13;
	s18 =	sadd.s32 s0, s5;
	[dreg:$0x9] =	wrdreg s10  }
0x18: {  	s16 =	simm.s32 $0x1380;
	s21 =	sadd.s32 s6, s14;
	[dreg:$0x12] =	wrdreg s18  }
0x19: {  	s10 =	sadd.s32 s4, s22;
	s5 =	sshrl.u32 s21, $0x3;
	s21 =	rddreg [dreg:$0x0]  }
0x1a: {  	s4 =	sadd.s32 s4, s24;
	s22 =	sadd.s32 s6, s15;
	[dreg:$0xa] =	wrdreg s10  }
0x1b: {  	s18 =	simm.s32 $0x2780;
	[dreg:$0xc] =	wrdreg s4;
	s4 =	sadd.s32 s7, s25  }
0x1c: {  	s10 =	sshll.u32 s23, $0x7;
	s7 =	sadd.s32 s7, s26;
	[dreg:$0xe] =	wrdreg s4  }
0x1d: {  	s23 =	sadd.s32 s0, s5;
	s26 =	sadd.s32 s6, s9;
	[dreg:$0x10] =	wrdreg s7  }
0x1e: {  	s4 =	sshrl.u32 s8, $0x3;
	s7 =	sshrl.u32 s17, $0x3;
	[dreg:$0x15] =	wrdreg s23  }
0x1f: {  	s25 =	sadd.s32 s6, s10;
	s5 =	sshrl.u32 s26, $0x3;
	s4 =	sadd.s32 s0, s4  }
0x20: {  	s19 =	sadd.s32 s0, s7;
	s7 =	sshrl.u32 s22, $0x3;
	s22 =	rddreg [dreg:$0x3]  }
0x21: {  	s6 =	simm.s32 $0x80;
	s8 =	simm.s32 $0x1;
	[dreg:$0x11] =	wrdreg s4  }
0x22: {  	s17 =	simm.s32 $0x2700;
	[dreg:$0x13] =	wrdreg s19;
	s4 =	sshrl.u32 s20, $0x3  }
0x23: {  	s24 =	sadd.s32 s0, s7;
	s26 =	sadd.s32 s11, s22;
	s28 =	sadd.s32 s12, s22  }
0x24: {  	s29 =	sadd.s32 s13, s22;
	s30 =	sadd.s32 s14, s22;
	s31 =	sadd.s32 s15, s22  }
0x25: {  	s20 =	sadd.s32 s10, s22;
	s7 =	simm.s32 $0x6800;
	s10 =	simm.s32 $0x3  }
0x26: {  	s11 =	simm.s32 $0x4;
	s12 =	simm.s32 $0x1280;
	s13 =	simm.s32 $0x2600  }
0x27: {  	s14 =	simm.s32 $0x1300;
	s15 =	simm.s32 $0x2680;
	s4 =	sadd.s32 s0, s4  }
0x28: {  	s19 =	simm.s32 $0x0;
	[dreg:$0x14] =	wrdreg s4;
	s4 =	sshrl.u32 s25, $0x3  }
0x29: {  	[dreg:$0x16] =	wrdreg s24;
	s25 =	sadd.s32 s3, s22;
	s4 =	sadd.s32 s0, s4  }
0x2a: {  	s3 =	simm.s32 $0x2800;
	s0 =	sadd.s32 s0, s5;
	[dreg:$0x17] =	wrdreg s4  }
0x2b: {  	[dreg:$0x18] =	wrdreg s0;
	s0 =	sadd.s32 s9, s22;
	s4 =	simm.s32 $0x5  }
0x2c: {  	s9 =	simm.s32 $0x2;
	_ =	strace $0x8000004A;
	[dreg:$0x19] =	wrdreg s2  }
.LBB2_1:
0x2d: {  	s2 =	rddreg [dreg:$0x5]  }
0x2e: {  	[tilespmem:s3], [sflag:$0x5] =	stream.linear.gather [hbm4b:s2+s1], $0x2800, $0x38;
	[tilespmem:$0x1E800] =	vst v63  }
0x2f: {  	_ =	swait.ge [sflag:s4], $0x2800  }
0x30: {  	[sflag:s4] =	ssyncset.done $0x0  }
0x31: {  	[sflag:s4] =	ssyncadd.s32 $0xFFFFD800  }
0x32: {  	[spmem:s25] =	stream.linear.scatter [tilespmem:s3], [sflag:$0x5], $0x2800, $0x38;
	[tilespmem:$0x1E800] =	vst v63  }
0x33: {  	_ =	swait.ge [sflag:s4], $0x2800  }
0x34: {  	[sflag:s4] =	ssyncset.done $0x0  }
0x35: {  	s5 =	rddreg [dreg:$0x6];
	[sflag:s4] =	ssyncadd.s32 $0xFFFFD800  }
0x36: {  	[tilespmem:s3], [sflag:$0x5] =	stream.linear.gather [hbm4b:s5+s1], $0x2800, $0x38;
	[tilespmem:$0x1E800] =	vst v63  }
0x37: {  	_ =	swait.ge [sflag:s4], $0x2800  }
0x38: {  	[sflag:s4] =	ssyncset.done $0x0  }
0x39: {  	[sflag:s4] =	ssyncadd.s32 $0xFFFFD800  }
0x3a: {  	[spmem:s26] =	stream.linear.scatter [tilespmem:s3], [sflag:$0x5], $0x2800, $0x38;
	[tilespmem:$0x1E800] =	vst v63  }
0x3b: {  	_ =	swait.ge [sflag:s4], $0x2800  }
0x3c: {  	[sflag:s4] =	ssyncset.done $0x0  }
0x3d: {  	s23 =	rddreg [dreg:$0x7];
	[sflag:s4] =	ssyncadd.s32 $0xFFFFD800  }
0x3e: {  	[tilespmem:s3], [sflag:$0x5] =	stream.linear.gather [hbm4b:s23+s1], $0x2800, $0x38;
	[tilespmem:$0x1E800] =	vst v63  }
0x3f: {  	_ =	swait.ge [sflag:s4], $0x2800  }
0x40: {  	[sflag:s4] =	ssyncset.done $0x0  }
0x41: {  	[sflag:s4] =	ssyncadd.s32 $0xFFFFD800  }
0x42: {  	[spmem:s28] =	stream.linear.scatter [tilespmem:s3], [sflag:$0x5], $0x2800, $0x38;
	[tilespmem:$0x1E800] =	vst v63  }
0x43: {  	_ =	swait.ge [sflag:s4], $0x2800  }
0x44: {  	[sflag:s4] =	ssyncset.done $0x0  }
0x45: {  	s24 =	rddreg [dreg:$0x8];
	[sflag:s4] =	ssyncadd.s32 $0xFFFFD800  }
0x46: {  	[tilespmem:s3], [sflag:$0x5] =	stream.linear.gather [hbm4b:s24+s1], $0x2800, $0x38;
	[tilespmem:$0x1E800] =	vst v63  }
0x47: {  	_ =	swait.ge [sflag:s4], $0x2800  }
0x48: {  	[sflag:s4] =	ssyncset.done $0x0  }
0x49: {  	[sflag:s4] =	ssyncadd.s32 $0xFFFFD800  }
0x4a: {  	[spmem:s29] =	stream.linear.scatter [tilespmem:s3], [sflag:$0x5], $0x2800, $0x38;
	[tilespmem:$0x1E800] =	vst v63  }
0x4b: {  	_ =	swait.ge [sflag:s4], $0x2800  }
0x4c: {  	[sflag:s4] =	ssyncset.done $0x0  }
0x4d: {  	s5 =	rddreg [dreg:$0x9];
	[sflag:s4] =	ssyncadd.s32 $0xFFFFD800  }
0x4e: {  	[tilespmem:s3], [sflag:$0x5] =	stream.linear.gather [hbm4b:s5+s1], $0x2800, $0x38;
	[tilespmem:$0x1E800] =	vst v63  }
0x4f: {  	_ =	swait.ge [sflag:s4], $0x2800  }
0x50: {  	[sflag:s4] =	ssyncset.done $0x0  }
0x51: {  	[sflag:s4] =	ssyncadd.s32 $0xFFFFD800  }
0x52: {  	[spmem:s30] =	stream.linear.scatter [tilespmem:s3], [sflag:$0x5], $0x2800, $0x38;
	[tilespmem:$0x1E800] =	vst v63  }
0x53: {  	_ =	swait.ge [sflag:s4], $0x2800  }
0x54: {  	[sflag:s4] =	ssyncset.done $0x0  }
0x55: {  	s23 =	rddreg [dreg:$0xa];
	[sflag:s4] =	ssyncadd.s32 $0xFFFFD800  }
0x56: {  	[tilespmem:s3], [sflag:$0x5] =	stream.linear.gather [hbm4b:s23+s1], $0x2800, $0x38;
	[tilespmem:$0x1E800] =	vst v63  }
0x57: {  	_ =	swait.ge [sflag:s4], $0x2800  }
0x58: {  	[sflag:s4] =	ssyncset.done $0x0  }
0x59: {  	[sflag:s4] =	ssyncadd.s32 $0xFFFFD800  }
0x5a: {  	[spmem:s31] =	stream.linear.scatter [tilespmem:s3], [sflag:$0x5], $0x2800, $0x38;
	[tilespmem:$0x1E800] =	vst v63  }
0x5b: {  	_ =	swait.ge [sflag:s4], $0x2800  }
0x5c: {  	[sflag:s4] =	ssyncset.done $0x0  }
0x5d: {  	s24 =	rddreg [dreg:$0xb];
	[sflag:s4] =	ssyncadd.s32 $0xFFFFD800  }
0x5e: {  	[tilespmem:s3], [sflag:$0x5] =	stream.linear.gather [hbm4b:s24+s1], $0x2800, $0x38;
	[tilespmem:$0x1E800] =	vst v63  }
0x5f: {  	_ =	swait.ge [sflag:s4], $0x2800  }
0x60: {  	[sflag:s4] =	ssyncset.done $0x0  }
0x61: {  	[sflag:s4] =	ssyncadd.s32 $0xFFFFD800  }
0x62: {  	[spmem:s20] =	stream.linear.scatter [tilespmem:s3], [sflag:$0x5], $0x2800, $0x38;
	[tilespmem:$0x1E800] =	vst v63  }
0x63: {  	_ =	swait.ge [sflag:s4], $0x2800  }
0x64: {  	[sflag:s4] =	ssyncset.done $0x0  }
0x65: {  	s5 =	rddreg [dreg:$0xc];
	[sflag:s4] =	ssyncadd.s32 $0xFFFFD800  }
0x66: {  	[tilespmem:s3], [sflag:$0x5] =	stream.linear.gather [hbm4b:s5+s1], $0x2800, $0x38;
	[tilespmem:$0x1E800] =	vst v63  }
0x67: {  	_ =	swait.ge [sflag:s4], $0x2800  }
0x68: {  	[sflag:s4] =	ssyncset.done $0x0  }
0x69: {  	[sflag:s4] =	ssyncadd.s32 $0xFFFFD800  }
0x6a: {  	[spmem:s0] =	stream.linear.scatter [tilespmem:s3], [sflag:$0x5], $0x2800, $0x38;
	[tilespmem:$0x1E800] =	vst v63  }
0x6b: {  	_ =	swait.ge [sflag:s4], $0x2800  }
0x6c: {  	[sflag:s4] =	ssyncset.done $0x0  }
0x6d: {  	[sflag:s4] =	ssyncadd.s32 $0xFFFFD800  }
0x6e: {  	[bflag:$0x0] =	sbarrier.arrive $0xFFFF  }
0x6f: {  	s23 =	rddreg [dreg:$0xd]  }
0x70: {  	[tilespmem:s1], [sflag:$0x5] =	stream.linear.gather [hbm4b:s23+s1], $0x1400, $0x38;
	[tilespmem:$0x1E800] =	vst v63  }
0x71: {  	_ =	swait.ge [sflag:s4], $0x1400  }
0x72: {  	[sflag:s4] =	ssyncset.done $0x0  }
0x73: {  	s5 =	simm.s32 $0x1400;
	s24 =	rddreg [dreg:$0xe];
	[sflag:s4] =	ssyncadd.s32 $0xFFFFEC00  }
0x74: {  	[tilespmem:s5], [sflag:$0x5] =	stream.linear.gather [hbm4b:s24+s1], $0x1400, $0x38;
	[tilespmem:$0x1E800] =	vst v63  }
0x75: {  	_ =	swait.ge [sflag:s4], $0x1400  }
0x76: {  	[sflag:s4] =	ssyncset.done $0x0  }
0x77: {  	[sflag:s4] =	ssyncadd.s32 $0xFFFFEC00  }
0x78: {  	[tilespmem:s3], [sflag:$0x1] =	stream.indirect.gather [hbm4b:s21+s6], $0x80, s1, s6, $0xb8;
	[tilespmem:$0x1E800] =	vst v63  }
0x79: {  	s23 =	simm.s32 $0x80  }
0x7a: {  	[tilespmem:s7], [sflag:$0x2] =	stream.indirect.gather [hbm4b:s21+s6], $0x80, s23, s6, $0xb8;
	[tilespmem:$0x1E800] =	vst v63  }
0x7b: {  	_ =	swait.ge [sflag:s8], $0x4000  }
0x7c: {  	[sflag:s8] =	ssyncset.done $0x0  }
0x7d: {  	s24 =	simm.s32 $0x1400;
	[sflag:s8] =	ssyncadd.s32 $0xFFFFC000  }
0x7e: {  	[spmem:s22] =	stream.indirect.scatter.add.f32 [tilespmem:s3], [sflag:$0x3], $0x80, s24, s6, $0xb8;
	[tilespmem:$0x1E800] =	vst v63  }
0x7f: {  	_ =	swait.ge [sflag:s9], $0x4000  }
0x80: {  	[sflag:s9] =	ssyncset.done $0x0  }
0x81: {  	[sflag:s9] =	ssyncadd.s32 $0xFFFFC000  }
0x82: {  	_ =	swait.ge [sflag:s10], $0x4000  }
0x83: {  	[sflag:s10] =	ssyncset.done $0x0  }
0x84: {  	s2 =	simm.s32 $0x100;
	[sflag:s10] =	ssyncadd.s32 $0xFFFFC000  }
0x85: {  	[tilespmem:s3], [sflag:$0x1] =	stream.indirect.gather [hbm4b:s21+s6], $0x80, s2, s6, $0xb8;
	[tilespmem:$0x1E800] =	vst v63  }
0x86: {  	s23 =	simm.s32 $0x1480  }
0x87: {  	[spmem:s22] =	stream.indirect.scatter.add.f32 [tilespmem:s7], [sflag:$0x4], $0x80, s23, s6, $0xb8;
	[tilespmem:$0x1E800] =	vst v63  }
0x88: {  	_ =	swait.ge [sflag:s11], $0x4000  }
0x89: {  	[sflag:s11] =	ssyncset.done $0x0  }
0x8a: {  	s24 =	simm.s32 $0x180;
	[sflag:s11] =	ssyncadd.s32 $0xFFFFC000  }
0x8b: {  	[tilespmem:s7], [sflag:$0x2] =	stream.indirect.gather [hbm4b:s21+s6], $0x80, s24, s6, $0xb8;
	[tilespmem:$0x1E800] =	vst v63  }
0x8c: {  	_ =	swait.ge [sflag:s8], $0x4000  }
0x8d: {  	[sflag:s8] =	ssyncset.done $0x0  }
0x8e: {  	s2 =	simm.s32 $0x1500;
	[sflag:s8] =	ssyncadd.s32 $0xFFFFC000  }
0x8f: {  	[spmem:s22] =	stream.indirect.scatter.add.f32 [tilespmem:s3], [sflag:$0x3], $0x80, s2, s6, $0xb8;
	[tilespmem:$0x1E800] =	vst v63  }
0x90: {  	_ =	swait.ge [sflag:s9], $0x4000  }
0x91: {  	[sflag:s9] =	ssyncset.done $0x0  }
0x92: {  	[sflag:s9] =	ssyncadd.s32 $0xFFFFC000  }
0x93: {  	_ =	swait.ge [sflag:s10], $0x4000  }
0x94: {  	[sflag:s10] =	ssyncset.done $0x0  }
0x95: {  	s23 =	simm.s32 $0x200;
	[sflag:s10] =	ssyncadd.s32 $0xFFFFC000  }
0x96: {  	[tilespmem:s3], [sflag:$0x1] =	stream.indirect.gather [hbm4b:s21+s6], $0x80, s23, s6, $0xb8;
	[tilespmem:$0x1E800] =	vst v63  }
0x97: {  	s24 =	simm.s32 $0x1580  }
0x98: {  	[spmem:s22] =	stream.indirect.scatter.add.f32 [tilespmem:s7], [sflag:$0x4], $0x80, s24, s6, $0xb8;
	[tilespmem:$0x1E800] =	vst v63  }
0x99: {  	_ =	swait.ge [sflag:s11], $0x4000  }
0x9a: {  	s23 =	simm.s32 $0x2;
	s24 =	simm.s32 $0x800;
	[sflag:s11] =	ssyncset.done $0x0  }
.LBB2_2:
0x9b: {  	s23 =	sadd.s32 $0x2, s23;
	s5 =	sshra.s32 s24, $0x2;
	[sflag:s11] =	ssyncadd.s32 $0xFFFFC000  }
0x9c: {  	p0 =	slt.u32 s23, $0x10;
	s2 =	sadd.s32 $0x80, s5  }
0x9d: {  	[tilespmem:s7], [sflag:$0x2] =	stream.indirect.gather [hbm4b:s21+s6], $0x80, s2, s6, $0xb8;
	[tilespmem:$0x1E800] =	vst v63  }
0x9e: {  	_ =	swait.ge [sflag:s8], $0x4000  }
0x9f: {  	[sflag:s8] =	ssyncset.done $0x0  }
0xa0: {  	s2 =	sadd.s32 $0x1400, s5;
	[sflag:s8] =	ssyncadd.s32 $0xFFFFC000  }
0xa1: {  	[spmem:s22] =	stream.indirect.scatter.add.f32 [tilespmem:s3], [sflag:$0x3], $0x80, s2, s6, $0xb8;
	[tilespmem:$0x1E800] =	vst v63  }
0xa2: {  	_ =	swait.ge [sflag:s9], $0x4000  }
0xa3: {  	[sflag:s9] =	ssyncset.done $0x0  }
0xa4: {  	[sflag:s9] =	ssyncadd.s32 $0xFFFFC000  }
0xa5: {  	_ =	swait.ge [sflag:s10], $0x4000  }
0xa6: {  	[sflag:s10] =	ssyncset.done $0x0  }
0xa7: {  	s2 =	sadd.s32 $0x100, s5;
	[sflag:s10] =	ssyncadd.s32 $0xFFFFC000  }
0xa8: {  	[tilespmem:s3], [sflag:$0x1] =	stream.indirect.gather [hbm4b:s21+s6], $0x80, s2, s6, $0xb8;
	[tilespmem:$0x1E800] =	vst v63  }
0xa9: {  	s2 =	sadd.s32 $0x1480, s5  }
0xaa: {  	[spmem:s22] =	stream.indirect.scatter.add.f32 [tilespmem:s7], [sflag:$0x4], $0x80, s2, s6, $0xb8;
	[tilespmem:$0x1E800] =	vst v63  }
0xab: {  	_ =	swait.ge [sflag:s11], $0x4000  }
0xac: {  	[sflag:s11] =	ssyncset.done $0x0  }
0xad: {  	s2 =	sadd.s32 $0x180, s5;
	[sflag:s11] =	ssyncadd.s32 $0xFFFFC000  }
0xae: {  	[tilespmem:s7], [sflag:$0x2] =	stream.indirect.gather [hbm4b:s21+s6], $0x80, s2, s6, $0xb8;
	[tilespmem:$0x1E800] =	vst v63  }
0xaf: {  	_ =	swait.ge [sflag:s8], $0x4000  }
0xb0: {  	[sflag:s8] =	ssyncset.done $0x0  }
0xb1: {  	s2 =	sadd.s32 $0x1500, s5;
	[sflag:s8] =	ssyncadd.s32 $0xFFFFC000  }
0xb2: {  	[spmem:s22] =	stream.indirect.scatter.add.f32 [tilespmem:s3], [sflag:$0x3], $0x80, s2, s6, $0xb8;
	[tilespmem:$0x1E800] =	vst v63  }
0xb3: {  	_ =	swait.ge [sflag:s9], $0x4000  }
0xb4: {  	[sflag:s9] =	ssyncset.done $0x0  }
0xb5: {  	[sflag:s9] =	ssyncadd.s32 $0xFFFFC000  }
0xb6: {  	_ =	swait.ge [sflag:s10], $0x4000  }
0xb7: {  	[sflag:s10] =	ssyncset.done $0x0  }
0xb8: {  	s2 =	sadd.s32 $0x200, s5;
	[sflag:s10] =	ssyncadd.s32 $0xFFFFC000  }
0xb9: {  	[tilespmem:s3], [sflag:$0x1] =	stream.indirect.gather [hbm4b:s21+s6], $0x80, s2, s6, $0xb8;
	[tilespmem:$0x1E800] =	vst v63  }
.Ltmp0:
0xba: {  	_ = 	snop;
	(pc) =	sbr.rel @p0 .LBB2_2-.Ltmp0, $4  }
0xbb: {  	s2 =	sadd.s32 $0x1580, s5  }
0xbc: {  	[spmem:s22] =	stream.indirect.scatter.add.f32 [tilespmem:s7], [sflag:$0x4], $0x80, s2, s6, $0xb8;
	[tilespmem:$0x1E800] =	vst v63  }
0xbd: {  	_ =	swait.ge [sflag:s11], $0x4000  }
0xbe: {  	s24 =	sadd.s32 $0x800, s24;
	[sflag:s11] =	ssyncset.done $0x0  }
0xbf: {  	s2 =	sshra.s32 s24, $0x2  }
0xc0: {  	[sflag:s11] =	ssyncadd.s32 $0xFFFFC000;
	s5 =	sadd.s32 $0x80, s2  }
0xc1: {  	[tilespmem:s7], [sflag:$0x2] =	stream.indirect.gather [hbm4b:s21+s6], $0x80, s5, s6, $0xb8;
	[tilespmem:$0x1E800] =	vst v63  }
0xc2: {  	_ =	swait.ge [sflag:s8], $0x4000  }
0xc3: {  	[sflag:s8] =	ssyncset.done $0x0  }
0xc4: {  	s23 =	sadd.s32 $0x1400, s2;
	[sflag:s8] =	ssyncadd.s32 $0xFFFFC000  }
0xc5: {  	[spmem:s22] =	stream.indirect.scatter.add.f32 [tilespmem:s3], [sflag:$0x3], $0x80, s23, s6, $0xb8;
	[tilespmem:$0x1E800] =	vst v63  }
0xc6: {  	_ =	swait.ge [sflag:s9], $0x4000  }
0xc7: {  	[sflag:s9] =	ssyncset.done $0x0  }
0xc8: {  	[sflag:s9] =	ssyncadd.s32 $0xFFFFC000  }
0xc9: {  	_ =	swait.ge [sflag:s10], $0x4000  }
0xca: {  	[sflag:s10] =	ssyncset.done $0x0  }
0xcb: {  	s24 =	sadd.s32 $0x100, s2;
	[sflag:s10] =	ssyncadd.s32 $0xFFFFC000  }
0xcc: {  	[tilespmem:s3], [sflag:$0x1] =	stream.indirect.gather [hbm4b:s21+s6], $0x80, s24, s6, $0xb8;
	[tilespmem:$0x1E800] =	vst v63  }
0xcd: {  	s23 =	sadd.s32 $0x1480, s2  }
0xce: {  	[spmem:s22] =	stream.indirect.scatter.add.f32 [tilespmem:s7], [sflag:$0x4], $0x80, s23, s6, $0xb8;
	[tilespmem:$0x1E800] =	vst v63  }
0xcf: {  	_ =	swait.ge [sflag:s11], $0x4000  }
0xd0: {  	[sflag:s11] =	ssyncset.done $0x0  }
0xd1: {  	s24 =	sadd.s32 $0x180, s2;
	[sflag:s11] =	ssyncadd.s32 $0xFFFFC000  }
0xd2: {  	[tilespmem:s7], [sflag:$0x2] =	stream.indirect.gather [hbm4b:s21+s6], $0x80, s24, s6, $0xb8;
	[tilespmem:$0x1E800] =	vst v63  }
0xd3: {  	_ =	swait.ge [sflag:s8], $0x4000  }
0xd4: {  	[sflag:s8] =	ssyncset.done $0x0  }
0xd5: {  	s23 =	sadd.s32 $0x1500, s2;
	[sflag:s8] =	ssyncadd.s32 $0xFFFFC000  }
0xd6: {  	[spmem:s22] =	stream.indirect.scatter.add.f32 [tilespmem:s3], [sflag:$0x3], $0x80, s23, s6, $0xb8;
	[tilespmem:$0x1E800] =	vst v63  }
0xd7: {  	_ =	swait.ge [sflag:s9], $0x4000  }
0xd8: {  	[sflag:s9] =	ssyncset.done $0x0  }
0xd9: {  	[sflag:s9] =	ssyncadd.s32 $0xFFFFC000  }
0xda: {  	_ =	swait.ge [sflag:s10], $0x4000  }
0xdb: {  	[sflag:s10] =	ssyncset.done $0x0  }
0xdc: {  	s24 =	sadd.s32 $0x200, s2;
	[sflag:s10] =	ssyncadd.s32 $0xFFFFC000  }
0xdd: {  	[tilespmem:s3], [sflag:$0x1] =	stream.indirect.gather [hbm4b:s21+s6], $0x80, s24, s6, $0xb8;
	[tilespmem:$0x1E800] =	vst v63  }
0xde: {  	s2 =	sadd.s32 $0x1580, s2  }
0xdf: {  	[spmem:s22] =	stream.indirect.scatter.add.f32 [tilespmem:s7], [sflag:$0x4], $0x80, s2, s6, $0xb8;
	[tilespmem:$0x1E800] =	vst v63  }
0xe0: {  	_ =	swait.ge [sflag:s11], $0x4000  }
0xe1: {  	[sflag:s11] =	ssyncset.done $0x0  }
0xe2: {  	[sflag:s11] =	ssyncadd.s32 $0xFFFFC000  }
0xe3: {  	[tilespmem:s7], [sflag:$0x2] =	stream.indirect.gather [hbm4b:s21+s6], $0x80, s12, s6, $0xb8;
	[tilespmem:$0x1E800] =	vst v63  }
0xe4: {  	_ =	swait.ge [sflag:s8], $0x4000  }
0xe5: {  	[sflag:s8] =	ssyncset.done $0x0  }
0xe6: {  	[sflag:s8] =	ssyncadd.s32 $0xFFFFC000  }
0xe7: {  	[spmem:s22] =	stream.indirect.scatter.add.f32 [tilespmem:s3], [sflag:$0x3], $0x80, s13, s6, $0xb8;
	[tilespmem:$0x1E800] =	vst v63  }
0xe8: {  	_ =	swait.ge [sflag:s9], $0x4000  }
0xe9: {  	[sflag:s9] =	ssyncset.done $0x0  }
0xea: {  	[sflag:s9] =	ssyncadd.s32 $0xFFFFC000  }
0xeb: {  	_ =	swait.ge [sflag:s10], $0x4000  }
0xec: {  	[sflag:s10] =	ssyncset.done $0x0  }
0xed: {  	[sflag:s10] =	ssyncadd.s32 $0xFFFFC000  }
0xee: {  	[tilespmem:s3], [sflag:$0x1] =	stream.indirect.gather [hbm4b:s21+s6], $0x80, s14, s6, $0xb8;
	[tilespmem:$0x1E800] =	vst v63  }
0xef: {  	_ = 	snop  }
0xf0: {  	[spmem:s22] =	stream.indirect.scatter.add.f32 [tilespmem:s7], [sflag:$0x4], $0x80, s15, s6, $0xb8;
	[tilespmem:$0x1E800] =	vst v63  }
0xf1: {  	_ =	swait.ge [sflag:s11], $0x4000  }
0xf2: {  	[sflag:s11] =	ssyncset.done $0x0  }
0xf3: {  	[sflag:s11] =	ssyncadd.s32 $0xFFFFC000  }
0xf4: {  	[tilespmem:s7], [sflag:$0x2] =	stream.indirect.gather [hbm4b:s21+s6], $0x80, s16, s6, $0xb8;
	[tilespmem:$0x1E800] =	vst v63  }
0xf5: {  	_ =	swait.ge [sflag:s8], $0x4000  }
0xf6: {  	[sflag:s8] =	ssyncset.done $0x0  }
0xf7: {  	[sflag:s8] =	ssyncadd.s32 $0xFFFFC000  }
0xf8: {  	[spmem:s22] =	stream.indirect.scatter.add.f32 [tilespmem:s3], [sflag:$0x3], $0x80, s17, s6, $0xb8;
	[tilespmem:$0x1E800] =	vst v63  }
0xf9: {  	_ =	swait.ge [sflag:s9], $0x4000  }
0xfa: {  	[sflag:s9] =	ssyncset.done $0x0  }
0xfb: {  	[sflag:s9] =	ssyncadd.s32 $0xFFFFC000  }
0xfc: {  	_ =	swait.ge [sflag:s10], $0x4000  }
0xfd: {  	[sflag:s10] =	ssyncset.done $0x0  }
0xfe: {  	[sflag:s10] =	ssyncadd.s32 $0xFFFFC000  }
0xff: {  	[spmem:s22] =	stream.indirect.scatter.add.f32 [tilespmem:s7], [sflag:$0x4], $0x80, s18, s6, $0xb8;
	[tilespmem:$0x1E800] =	vst v63  }
0x100: {  	_ =	swait.ge [sflag:s11], $0x4000  }
0x101: {  	[sflag:s11] =	ssyncset.done $0x0  }
0x102: {  	s2 =	simm.s32 $0x0;
	s23 =	rddreg [dreg:$0xf];
	[sflag:s11] =	ssyncadd.s32 $0xFFFFC000  }
0x103: {  	[tilespmem:s2], [sflag:$0x5] =	stream.linear.gather [hbm4b:s23+s2], $0x1400, $0x38;
	[tilespmem:$0x1E800] =	vst v63  }
0x104: {  	_ =	swait.ge [sflag:s4], $0x1400  }
0x105: {  	[sflag:s4] =	ssyncset.done $0x0  }
0x106: {  	s23 =	simm.s32 $0x1400;
	s24 =	rddreg [dreg:$0x10];
	[sflag:s4] =	ssyncadd.s32 $0xFFFFEC00  }
0x107: {  	[tilespmem:s23], [sflag:$0x5] =	stream.linear.gather [hbm4b:s24+s2], $0x1400, $0x38;
	[tilespmem:$0x1E800] =	vst v63  }
0x108: {  	_ =	swait.ge [sflag:s4], $0x1400  }
0x109: {  	[sflag:s4] =	ssyncset.done $0x0  }
0x10a: {  	[sflag:s4] =	ssyncadd.s32 $0xFFFFEC00  }
0x10b: {  	[tilespmem:s3], [sflag:$0x1] =	stream.indirect.gather [hbm4b:s21+s6], $0x80, s2, s6, $0xb8;
	[tilespmem:$0x1E800] =	vst v63  }
0x10c: {  	s23 =	simm.s32 $0x80  }
0x10d: {  	[tilespmem:s7], [sflag:$0x2] =	stream.indirect.gather [hbm4b:s21+s6], $0x80, s23, s6, $0xb8;
	[tilespmem:$0x1E800] =	vst v63  }
0x10e: {  	_ =	swait.ge [sflag:s8], $0x4000  }
0x10f: {  	[sflag:s8] =	ssyncset.done $0x0  }
0x110: {  	s24 =	simm.s32 $0x1400;
	[sflag:s8] =	ssyncadd.s32 $0xFFFFC000  }
0x111: {  	[spmem:s22] =	stream.indirect.scatter.add.f32 [tilespmem:s3], [sflag:$0x3], $0x80, s24, s6, $0xb8;
	[tilespmem:$0x1E800] =	vst v63  }
0x112: {  	_ =	swait.ge [sflag:s9], $0x4000  }
0x113: {  	[sflag:s9] =	ssyncset.done $0x0  }
0x114: {  	[sflag:s9] =	ssyncadd.s32 $0xFFFFC000  }
0x115: {  	_ =	swait.ge [sflag:s10], $0x4000  }
0x116: {  	[sflag:s10] =	ssyncset.done $0x0  }
0x117: {  	s5 =	simm.s32 $0x100;
	[sflag:s10] =	ssyncadd.s32 $0xFFFFC000  }
0x118: {  	[tilespmem:s3], [sflag:$0x1] =	stream.indirect.gather [hbm4b:s21+s6], $0x80, s5, s6, $0xb8;
	[tilespmem:$0x1E800] =	vst v63  }
0x119: {  	s23 =	simm.s32 $0x1480  }
0x11a: {  	[spmem:s22] =	stream.indirect.scatter.add.f32 [tilespmem:s7], [sflag:$0x4], $0x80, s23, s6, $0xb8;
	[tilespmem:$0x1E800] =	vst v63  }
0x11b: {  	_ =	swait.ge [sflag:s11], $0x4000  }
0x11c: {  	[sflag:s11] =	ssyncset.done $0x0  }
0x11d: {  	s24 =	simm.s32 $0x180;
	[sflag:s11] =	ssyncadd.s32 $0xFFFFC000  }
0x11e: {  	[tilespmem:s7], [sflag:$0x2] =	stream.indirect.gather [hbm4b:s21+s6], $0x80, s24, s6, $0xb8;
	[tilespmem:$0x1E800] =	vst v63  }
0x11f: {  	_ =	swait.ge [sflag:s8], $0x4000  }
0x120: {  	[sflag:s8] =	ssyncset.done $0x0  }
0x121: {  	s5 =	simm.s32 $0x1500;
	[sflag:s8] =	ssyncadd.s32 $0xFFFFC000  }
0x122: {  	[spmem:s22] =	stream.indirect.scatter.add.f32 [tilespmem:s3], [sflag:$0x3], $0x80, s5, s6, $0xb8;
	[tilespmem:$0x1E800] =	vst v63  }
0x123: {  	_ =	swait.ge [sflag:s9], $0x4000  }
0x124: {  	[sflag:s9] =	ssyncset.done $0x0  }
0x125: {  	[sflag:s9] =	ssyncadd.s32 $0xFFFFC000  }
0x126: {  	_ =	swait.ge [sflag:s10], $0x4000  }
0x127: {  	[sflag:s10] =	ssyncset.done $0x0  }
0x128: {  	s23 =	simm.s32 $0x200;
	[sflag:s10] =	ssyncadd.s32 $0xFFFFC000  }
0x129: {  	[tilespmem:s3], [sflag:$0x1] =	stream.indirect.gather [hbm4b:s21+s6], $0x80, s23, s6, $0xb8;
	[tilespmem:$0x1E800] =	vst v63  }
0x12a: {  	s24 =	simm.s32 $0x1580  }
0x12b: {  	[spmem:s22] =	stream.indirect.scatter.add.f32 [tilespmem:s7], [sflag:$0x4], $0x80, s24, s6, $0xb8;
	[tilespmem:$0x1E800] =	vst v63  }
0x12c: {  	_ =	swait.ge [sflag:s11], $0x4000  }
0x12d: {  	s23 =	simm.s32 $0x2;
	s24 =	simm.s32 $0x800;
	[sflag:s11] =	ssyncset.done $0x0  }
.LBB2_4:
0x12e: {  	s23 =	sadd.s32 $0x2, s23;
	s5 =	sshra.s32 s24, $0x2;
	[sflag:s11] =	ssyncadd.s32 $0xFFFFC000  }
0x12f: {  	p0 =	slt.u32 s23, $0x10;
	s2 =	sadd.s32 $0x80, s5  }
0x130: {  	[tilespmem:s7], [sflag:$0x2] =	stream.indirect.gather [hbm4b:s21+s6], $0x80, s2, s6, $0xb8;
	[tilespmem:$0x1E800] =	vst v63  }
0x131: {  	_ =	swait.ge [sflag:s8], $0x4000  }
0x132: {  	[sflag:s8] =	ssyncset.done $0x0  }
0x133: {  	s2 =	sadd.s32 $0x1400, s5;
	[sflag:s8] =	ssyncadd.s32 $0xFFFFC000  }
0x134: {  	[spmem:s22] =	stream.indirect.scatter.add.f32 [tilespmem:s3], [sflag:$0x3], $0x80, s2, s6, $0xb8;
	[tilespmem:$0x1E800] =	vst v63  }
0x135: {  	_ =	swait.ge [sflag:s9], $0x4000  }
0x136: {  	[sflag:s9] =	ssyncset.done $0x0  }
0x137: {  	[sflag:s9] =	ssyncadd.s32 $0xFFFFC000  }
0x138: {  	_ =	swait.ge [sflag:s10], $0x4000  }
0x139: {  	[sflag:s10] =	ssyncset.done $0x0  }
0x13a: {  	s2 =	sadd.s32 $0x100, s5;
	[sflag:s10] =	ssyncadd.s32 $0xFFFFC000  }
0x13b: {  	[tilespmem:s3], [sflag:$0x1] =	stream.indirect.gather [hbm4b:s21+s6], $0x80, s2, s6, $0xb8;
	[tilespmem:$0x1E800] =	vst v63  }
0x13c: {  	s2 =	sadd.s32 $0x1480, s5  }
0x13d: {  	[spmem:s22] =	stream.indirect.scatter.add.f32 [tilespmem:s7], [sflag:$0x4], $0x80, s2, s6, $0xb8;
	[tilespmem:$0x1E800] =	vst v63  }
0x13e: {  	_ =	swait.ge [sflag:s11], $0x4000  }
0x13f: {  	[sflag:s11] =	ssyncset.done $0x0  }
0x140: {  	s2 =	sadd.s32 $0x180, s5;
	[sflag:s11] =	ssyncadd.s32 $0xFFFFC000  }
0x141: {  	[tilespmem:s7], [sflag:$0x2] =	stream.indirect.gather [hbm4b:s21+s6], $0x80, s2, s6, $0xb8;
	[tilespmem:$0x1E800] =	vst v63  }
0x142: {  	_ =	swait.ge [sflag:s8], $0x4000  }
0x143: {  	[sflag:s8] =	ssyncset.done $0x0  }
0x144: {  	s2 =	sadd.s32 $0x1500, s5;
	[sflag:s8] =	ssyncadd.s32 $0xFFFFC000  }
0x145: {  	[spmem:s22] =	stream.indirect.scatter.add.f32 [tilespmem:s3], [sflag:$0x3], $0x80, s2, s6, $0xb8;
	[tilespmem:$0x1E800] =	vst v63  }
0x146: {  	_ =	swait.ge [sflag:s9], $0x4000  }
0x147: {  	[sflag:s9] =	ssyncset.done $0x0  }
0x148: {  	[sflag:s9] =	ssyncadd.s32 $0xFFFFC000  }
0x149: {  	_ =	swait.ge [sflag:s10], $0x4000  }
0x14a: {  	[sflag:s10] =	ssyncset.done $0x0  }
0x14b: {  	s2 =	sadd.s32 $0x200, s5;
	[sflag:s10] =	ssyncadd.s32 $0xFFFFC000  }
0x14c: {  	[tilespmem:s3], [sflag:$0x1] =	stream.indirect.gather [hbm4b:s21+s6], $0x80, s2, s6, $0xb8;
	[tilespmem:$0x1E800] =	vst v63  }
.Ltmp1:
0x14d: {  	_ = 	snop;
	(pc) =	sbr.rel @p0 .LBB2_4-.Ltmp1, $4  }
0x14e: {  	s2 =	sadd.s32 $0x1580, s5  }
0x14f: {  	[spmem:s22] =	stream.indirect.scatter.add.f32 [tilespmem:s7], [sflag:$0x4], $0x80, s2, s6, $0xb8;
	[tilespmem:$0x1E800] =	vst v63  }
0x150: {  	_ =	swait.ge [sflag:s11], $0x4000  }
0x151: {  	s24 =	sadd.s32 $0x800, s24;
	[sflag:s11] =	ssyncset.done $0x0  }
0x152: {  	s2 =	sshra.s32 s24, $0x2  }
0x153: {  	[sflag:s11] =	ssyncadd.s32 $0xFFFFC000;
	s5 =	sadd.s32 $0x80, s2  }
0x154: {  	[tilespmem:s7], [sflag:$0x2] =	stream.indirect.gather [hbm4b:s21+s6], $0x80, s5, s6, $0xb8;
	[tilespmem:$0x1E800] =	vst v63  }
0x155: {  	_ =	swait.ge [sflag:s8], $0x4000  }
0x156: {  	[sflag:s8] =	ssyncset.done $0x0  }
0x157: {  	s23 =	sadd.s32 $0x1400, s2;
	[sflag:s8] =	ssyncadd.s32 $0xFFFFC000  }
0x158: {  	[spmem:s22] =	stream.indirect.scatter.add.f32 [tilespmem:s3], [sflag:$0x3], $0x80, s23, s6, $0xb8;
	[tilespmem:$0x1E800] =	vst v63  }
0x159: {  	_ =	swait.ge [sflag:s9], $0x4000  }
0x15a: {  	[sflag:s9] =	ssyncset.done $0x0  }
0x15b: {  	[sflag:s9] =	ssyncadd.s32 $0xFFFFC000  }
0x15c: {  	_ =	swait.ge [sflag:s10], $0x4000  }
0x15d: {  	[sflag:s10] =	ssyncset.done $0x0  }
0x15e: {  	s24 =	sadd.s32 $0x100, s2;
	[sflag:s10] =	ssyncadd.s32 $0xFFFFC000  }
0x15f: {  	[tilespmem:s3], [sflag:$0x1] =	stream.indirect.gather [hbm4b:s21+s6], $0x80, s24, s6, $0xb8;
	[tilespmem:$0x1E800] =	vst v63  }
0x160: {  	s23 =	sadd.s32 $0x1480, s2  }
0x161: {  	[spmem:s22] =	stream.indirect.scatter.add.f32 [tilespmem:s7], [sflag:$0x4], $0x80, s23, s6, $0xb8;
	[tilespmem:$0x1E800] =	vst v63  }
0x162: {  	_ =	swait.ge [sflag:s11], $0x4000  }
0x163: {  	[sflag:s11] =	ssyncset.done $0x0  }
0x164: {  	s24 =	sadd.s32 $0x180, s2;
	[sflag:s11] =	ssyncadd.s32 $0xFFFFC000  }
0x165: {  	[tilespmem:s7], [sflag:$0x2] =	stream.indirect.gather [hbm4b:s21+s6], $0x80, s24, s6, $0xb8;
	[tilespmem:$0x1E800] =	vst v63  }
0x166: {  	_ =	swait.ge [sflag:s8], $0x4000  }
0x167: {  	[sflag:s8] =	ssyncset.done $0x0  }
0x168: {  	s23 =	sadd.s32 $0x1500, s2;
	[sflag:s8] =	ssyncadd.s32 $0xFFFFC000  }
0x169: {  	[spmem:s22] =	stream.indirect.scatter.add.f32 [tilespmem:s3], [sflag:$0x3], $0x80, s23, s6, $0xb8;
	[tilespmem:$0x1E800] =	vst v63  }
0x16a: {  	_ =	swait.ge [sflag:s9], $0x4000  }
0x16b: {  	[sflag:s9] =	ssyncset.done $0x0  }
0x16c: {  	[sflag:s9] =	ssyncadd.s32 $0xFFFFC000  }
0x16d: {  	_ =	swait.ge [sflag:s10], $0x4000  }
0x16e: {  	[sflag:s10] =	ssyncset.done $0x0  }
0x16f: {  	s24 =	sadd.s32 $0x200, s2;
	[sflag:s10] =	ssyncadd.s32 $0xFFFFC000  }
0x170: {  	[tilespmem:s3], [sflag:$0x1] =	stream.indirect.gather [hbm4b:s21+s6], $0x80, s24, s6, $0xb8;
	[tilespmem:$0x1E800] =	vst v63  }
0x171: {  	s2 =	sadd.s32 $0x1580, s2  }
0x172: {  	[spmem:s22] =	stream.indirect.scatter.add.f32 [tilespmem:s7], [sflag:$0x4], $0x80, s2, s6, $0xb8;
	[tilespmem:$0x1E800] =	vst v63  }
0x173: {  	_ =	swait.ge [sflag:s11], $0x4000  }
0x174: {  	[sflag:s11] =	ssyncset.done $0x0  }
0x175: {  	[sflag:s11] =	ssyncadd.s32 $0xFFFFC000  }
0x176: {  	[tilespmem:s7], [sflag:$0x2] =	stream.indirect.gather [hbm4b:s21+s6], $0x80, s12, s6, $0xb8;
	[tilespmem:$0x1E800] =	vst v63  }
0x177: {  	_ =	swait.ge [sflag:s8], $0x4000  }
0x178: {  	[sflag:s8] =	ssyncset.done $0x0  }
0x179: {  	[sflag:s8] =	ssyncadd.s32 $0xFFFFC000  }
0x17a: {  	[spmem:s22] =	stream.indirect.scatter.add.f32 [tilespmem:s3], [sflag:$0x3], $0x80, s13, s6, $0xb8;
	[tilespmem:$0x1E800] =	vst v63  }
0x17b: {  	_ =	swait.ge [sflag:s9], $0x4000  }
0x17c: {  	[sflag:s9] =	ssyncset.done $0x0  }
0x17d: {  	[sflag:s9] =	ssyncadd.s32 $0xFFFFC000  }
0x17e: {  	_ =	swait.ge [sflag:s10], $0x4000  }
0x17f: {  	[sflag:s10] =	ssyncset.done $0x0  }
0x180: {  	[sflag:s10] =	ssyncadd.s32 $0xFFFFC000  }
0x181: {  	[tilespmem:s3], [sflag:$0x1] =	stream.indirect.gather [hbm4b:s21+s6], $0x80, s14, s6, $0xb8;
	[tilespmem:$0x1E800] =	vst v63  }
0x182: {  	_ = 	snop  }
0x183: {  	[spmem:s22] =	stream.indirect.scatter.add.f32 [tilespmem:s7], [sflag:$0x4], $0x80, s15, s6, $0xb8;
	[tilespmem:$0x1E800] =	vst v63  }
0x184: {  	_ =	swait.ge [sflag:s11], $0x4000  }
0x185: {  	[sflag:s11] =	ssyncset.done $0x0  }
0x186: {  	[sflag:s11] =	ssyncadd.s32 $0xFFFFC000  }
0x187: {  	[tilespmem:s7], [sflag:$0x2] =	stream.indirect.gather [hbm4b:s21+s6], $0x80, s16, s6, $0xb8;
	[tilespmem:$0x1E800] =	vst v63  }
0x188: {  	_ =	swait.ge [sflag:s8], $0x4000  }
0x189: {  	[sflag:s8] =	ssyncset.done $0x0  }
0x18a: {  	[sflag:s8] =	ssyncadd.s32 $0xFFFFC000  }
0x18b: {  	[spmem:s22] =	stream.indirect.scatter.add.f32 [tilespmem:s3], [sflag:$0x3], $0x80, s17, s6, $0xb8;
	[tilespmem:$0x1E800] =	vst v63  }
0x18c: {  	_ =	swait.ge [sflag:s9], $0x4000  }
0x18d: {  	[sflag:s9] =	ssyncset.done $0x0  }
0x18e: {  	[sflag:s9] =	ssyncadd.s32 $0xFFFFC000  }
0x18f: {  	_ =	swait.ge [sflag:s10], $0x4000  }
0x190: {  	[sflag:s10] =	ssyncset.done $0x0  }
0x191: {  	[sflag:s10] =	ssyncadd.s32 $0xFFFFC000  }
0x192: {  	[spmem:s22] =	stream.indirect.scatter.add.f32 [tilespmem:s7], [sflag:$0x4], $0x80, s18, s6, $0xb8;
	[tilespmem:$0x1E800] =	vst v63  }
0x193: {  	_ =	swait.ge [sflag:s11], $0x4000  }
0x194: {  	[sflag:s11] =	ssyncset.done $0x0  }
0x195: {  	[sflag:s11] =	ssyncadd.s32 $0xFFFFC000  }
0x196: {  	[bflag:$0x0] =	sbarrier.arrive $0xFFFF  }
0x197: {  	[tilespmem:s3], [sflag:$0x5] =	stream.linear.gather [spmem:s25], $0x2800, $0x38;
	[tilespmem:$0x1E800] =	vst v63  }
0x198: {  	_ =	swait.ge [sflag:s4], $0x2800  }
0x199: {  	[sflag:s4] =	ssyncset.done $0x0  }
0x19a: {  	s5 =	rddreg [dreg:$0x11];
	[sflag:s4] =	ssyncadd.s32 $0xFFFFD800  }
0x19b: {  	[hbm4b:s5+s1] =	stream.linear.scatter [tilespmem:s3], [sflag:$0x5], $0x2800, $0x38;
	[tilespmem:$0x1E800] =	vst v63  }
0x19c: {  	_ =	swait.ge [sflag:s4], $0x2800  }
0x19d: {  	[sflag:s4] =	ssyncset.done $0x0  }
0x19e: {  	[sflag:s4] =	ssyncadd.s32 $0xFFFFD800  }
0x19f: {  	[tilespmem:s3], [sflag:$0x5] =	stream.linear.gather [spmem:s26], $0x2800, $0x38;
	[tilespmem:$0x1E800] =	vst v63  }
0x1a0: {  	_ =	swait.ge [sflag:s4], $0x2800  }
0x1a1: {  	[sflag:s4] =	ssyncset.done $0x0  }
0x1a2: {  	s23 =	rddreg [dreg:$0x12];
	[sflag:s4] =	ssyncadd.s32 $0xFFFFD800  }
0x1a3: {  	[hbm4b:s23+s1] =	stream.linear.scatter [tilespmem:s3], [sflag:$0x5], $0x2800, $0x38;
	[tilespmem:$0x1E800] =	vst v63  }
0x1a4: {  	_ =	swait.ge [sflag:s4], $0x2800  }
0x1a5: {  	[sflag:s4] =	ssyncset.done $0x0  }
0x1a6: {  	[sflag:s4] =	ssyncadd.s32 $0xFFFFD800  }
0x1a7: {  	[tilespmem:s3], [sflag:$0x5] =	stream.linear.gather [spmem:s28], $0x2800, $0x38;
	[tilespmem:$0x1E800] =	vst v63  }
0x1a8: {  	_ =	swait.ge [sflag:s4], $0x2800  }
0x1a9: {  	[sflag:s4] =	ssyncset.done $0x0  }
0x1aa: {  	s24 =	rddreg [dreg:$0x13];
	[sflag:s4] =	ssyncadd.s32 $0xFFFFD800  }
0x1ab: {  	[hbm4b:s24+s1] =	stream.linear.scatter [tilespmem:s3], [sflag:$0x5], $0x2800, $0x38;
	[tilespmem:$0x1E800] =	vst v63  }
0x1ac: {  	_ =	swait.ge [sflag:s4], $0x2800  }
0x1ad: {  	[sflag:s4] =	ssyncset.done $0x0  }
0x1ae: {  	[sflag:s4] =	ssyncadd.s32 $0xFFFFD800  }
0x1af: {  	[tilespmem:s3], [sflag:$0x5] =	stream.linear.gather [spmem:s29], $0x2800, $0x38;
	[tilespmem:$0x1E800] =	vst v63  }
0x1b0: {  	_ =	swait.ge [sflag:s4], $0x2800  }
0x1b1: {  	[sflag:s4] =	ssyncset.done $0x0  }
0x1b2: {  	s5 =	rddreg [dreg:$0x14];
	[sflag:s4] =	ssyncadd.s32 $0xFFFFD800  }
0x1b3: {  	[hbm4b:s5+s1] =	stream.linear.scatter [tilespmem:s3], [sflag:$0x5], $0x2800, $0x38;
	[tilespmem:$0x1E800] =	vst v63  }
0x1b4: {  	_ =	swait.ge [sflag:s4], $0x2800  }
0x1b5: {  	[sflag:s4] =	ssyncset.done $0x0  }
0x1b6: {  	[sflag:s4] =	ssyncadd.s32 $0xFFFFD800  }
0x1b7: {  	[tilespmem:s3], [sflag:$0x5] =	stream.linear.gather [spmem:s30], $0x2800, $0x38;
	[tilespmem:$0x1E800] =	vst v63  }
0x1b8: {  	_ =	swait.ge [sflag:s4], $0x2800  }
0x1b9: {  	[sflag:s4] =	ssyncset.done $0x0  }
0x1ba: {  	s23 =	rddreg [dreg:$0x15];
	[sflag:s4] =	ssyncadd.s32 $0xFFFFD800  }
0x1bb: {  	[hbm4b:s23+s1] =	stream.linear.scatter [tilespmem:s3], [sflag:$0x5], $0x2800, $0x38;
	[tilespmem:$0x1E800] =	vst v63  }
0x1bc: {  	_ =	swait.ge [sflag:s4], $0x2800  }
0x1bd: {  	[sflag:s4] =	ssyncset.done $0x0  }
0x1be: {  	[sflag:s4] =	ssyncadd.s32 $0xFFFFD800  }
0x1bf: {  	[tilespmem:s3], [sflag:$0x5] =	stream.linear.gather [spmem:s31], $0x2800, $0x38;
	[tilespmem:$0x1E800] =	vst v63  }
0x1c0: {  	_ =	swait.ge [sflag:s4], $0x2800  }
0x1c1: {  	[sflag:s4] =	ssyncset.done $0x0  }
0x1c2: {  	s24 =	rddreg [dreg:$0x16];
	[sflag:s4] =	ssyncadd.s32 $0xFFFFD800  }
0x1c3: {  	[hbm4b:s24+s1] =	stream.linear.scatter [tilespmem:s3], [sflag:$0x5], $0x2800, $0x38;
	[tilespmem:$0x1E800] =	vst v63  }
0x1c4: {  	_ =	swait.ge [sflag:s4], $0x2800  }
0x1c5: {  	[sflag:s4] =	ssyncset.done $0x0  }
0x1c6: {  	[sflag:s4] =	ssyncadd.s32 $0xFFFFD800  }
0x1c7: {  	[tilespmem:s3], [sflag:$0x5] =	stream.linear.gather [spmem:s20], $0x2800, $0x38;
	[tilespmem:$0x1E800] =	vst v63  }
0x1c8: {  	_ =	swait.ge [sflag:s4], $0x2800  }
0x1c9: {  	[sflag:s4] =	ssyncset.done $0x0  }
0x1ca: {  	s5 =	rddreg [dreg:$0x17];
	[sflag:s4] =	ssyncadd.s32 $0xFFFFD800  }
0x1cb: {  	[hbm4b:s5+s1] =	stream.linear.scatter [tilespmem:s3], [sflag:$0x5], $0x2800, $0x38;
	[tilespmem:$0x1E800] =	vst v63  }
0x1cc: {  	_ =	swait.ge [sflag:s4], $0x2800  }
0x1cd: {  	[sflag:s4] =	ssyncset.done $0x0  }
0x1ce: {  	[sflag:s4] =	ssyncadd.s32 $0xFFFFD800  }
0x1cf: {  	[tilespmem:s3], [sflag:$0x5] =	stream.linear.gather [spmem:s0], $0x2800, $0x38;
	[tilespmem:$0x1E800] =	vst v63  }
0x1d0: {  	_ =	swait.ge [sflag:s4], $0x2800  }
0x1d1: {  	[sflag:s4] =	ssyncset.done $0x0  }
0x1d2: {  	s23 =	rddreg [dreg:$0x18];
	[sflag:s4] =	ssyncadd.s32 $0xFFFFD800  }
0x1d3: {  	[hbm4b:s23+s1] =	stream.linear.scatter [tilespmem:s3], [sflag:$0x5], $0x2800, $0x38;
	[tilespmem:$0x1E800] =	vst v63  }
0x1d4: {  	_ =	swait.ge [sflag:s4], $0x2800  }
0x1d5: {  	s19 =	sadd.s32 $0x1, s19;
	s24 =	rddreg [dreg:$0x19]  }
0x1d6: {  	p0 =	sne.s32 s19, s24  }
.Ltmp2:
0x1d7: {  	_ = 	snop;
	(pc) =	sbr.rel @p0 .LBB2_1-.Ltmp2, $3  }
0x1d8: {  	_ =	sdelay $0x1  }
0x1d9: {  	[sflag:s4] =	ssyncset.done $0x0  }
0x1da: {  	[sflag:s4] =	ssyncadd.s32 $0xFFFFD800  }
0x1db: {  	_ =	sfence.sel $0x180000  }
0x1dc: {  	[bflag:$0x0] =	sbarrier.arrive $0xFFFF  }
0x1dd: {  	_ =	strace $0x9000004A  }
0x1de: {  	s0 =	stileid.u32;
	[bflag:$0x2] =	sbarrier.arrive $0xFFFF  }
0x1df: {  	p0 =	sne.s32 s0, $0x0;
	s0 =	rddreg [dreg:$0x4]  }
0x1e0: {  	s0 =	sadd.s32 @!p0 $0x100000, s0  }
0x1e1: {  	[sflag:s0] =	ssyncadd.tile.s32 @!p0 $0x1;
	_ =	shalt  }
.Lfunc_end2:
_tile_overlayer_lowered:
.L_overlay_start_2:
0x1e2: {  	(tag) =	ssettag $0x2  }
0x1e3: {  	s0 =	rddreg [dreg:$0x0];
	s2 =	stileid.u32  }
0x1e4: {  	s1 =	rddreg [dreg:$0x1];
	p0 =	sne.s32 s2, $0x0  }
0x1e5: {  	s3 =	rddreg [dreg:$0x2];
	[bflag:$0x3] =	sbarrier.arrive $0xFFFF;
	s2 =	simm.s32 @!p0 $0x1C05  }
0x1e6: {  	[timem:s3], [sflag:s2] =	dma.local @!p0 [hbm:s0], s1  }
0x1e7: {  	s0 =	simm.s32 @!p0 $0x5  }
0x1e8: {  	_ =	swait.ge @!p0 [sflag:s0], s1  }
0x1e9: {  	s1 =	ssub.s32 @!p0 $0x0, s1;
	[sflag:s0] =	ssyncset.done @!p0 $0x0  }
0x1ea: {  	[sflag:s0] =	ssyncadd.s32 @!p0 s1  }
0x1eb: {  	[bflag:$0x3] =	sbarrier.arrive $0xFFFF  }
0x1ec: {  	_ =	shalt  }

</sc_bundles>
